<compile_context>
chip_gen: v7x
topology: tpu7x:2x2x1
jax: 0.10.2.dev20260603
libtpu: 0.0.44.dev20260713+nightly
codegen_flags: <defaults>
</compile_context>

<pallas_src>
import functools

import jax
import jax.numpy as jnp
from jax import lax
from jax.experimental import pallas as pl
from jax.experimental.pallas import tpu as pltpu
from jax.experimental.pallas import tpu_sc as plsc

B = 16384
L = 20
NC = 2
NS = 16
NW = NC * NS
BPW = B // NW
CH = 128

ID_CHUNKS = BPW // CH
SMALL_ROWS = 5 * B
SMALL_IDX_PW = SMALL_ROWS // NW // CH
LAB_ROWS = 2 * B * L
LAB_IDX_PW = LAB_ROWS // NW // CH
LAB_INNER = 16
LAB_OUTER = LAB_IDX_PW // LAB_INNER
SMALL_INNER = 10
SMALL_OUTER = SMALL_IDX_PW // SMALL_INNER


def _mesh():
  return plsc.VectorSubcoreMesh(core_axis_name="c", subcore_axis_name="s",
                                num_cores=NC, num_subcores=NS)


def _wid():
  return lax.axis_index("s") * NC + lax.axis_index("c")


def _rows_gather(wid, idxv, idx_hbm, tbl, out_hbm, rowsv, sem):
  pltpu.sync_copy(idx_hbm.at[wid], idxv.at[pl.ds(0, ID_CHUNKS)])
  descs = []
  for j in range(ID_CHUNKS):
    descs.append(
        pltpu.async_copy(tbl.at[idxv.at[j]],
                         rowsv.at[pl.ds(j * CH, CH)], sem))
  for d in descs:
    d.wait()
  pltpu.sync_copy(rowsv, out_hbm.at[pl.ds(wid * ID_CHUNKS * CH,
                                          ID_CHUNKS * CH)])


def _sc_ids_body(uid_idx, iid_idx, uid_tbl, iid_tbl, uid_out, iid_out,
                 idxv, rows64, sem):
  wid = _wid()
  _rows_gather(wid, idxv, uid_idx, uid_tbl, uid_out, rows64, sem)
  _rows_gather(wid, idxv, iid_idx, iid_tbl, iid_out, rows64, sem)


def _sc_ids(uid_idx, iid_idx, uid_tbl, iid_tbl):
  f = pl.kernel(
      _sc_ids_body,
      out_type=(
          jax.ShapeDtypeStruct((B, 64), jnp.float32),
          jax.ShapeDtypeStruct((B, 64), jnp.float32),
      ),
      mesh=_mesh(),
      compiler_params=pltpu.CompilerParams(use_tc_tiling_on_sc=False),
      scratch_types=[
          pltpu.VMEM((ID_CHUNKS, CH), jnp.int32),
          pltpu.VMEM((ID_CHUNKS * CH, 64), jnp.float32),
          pltpu.SemaphoreType.DMA,
      ],
  )
  return f(uid_idx, iid_idx, uid_tbl, iid_tbl)


def _sc_gather_body(cat_idx, small_idx, lab_idx,
                    cat_tbl, small_tbl, lab_tbl,
                    cat_out, small_out, lab_out,
                    idxv, rows32, rowsc, rows16, sem):
  wid = _wid()

  _rows_gather(wid, idxv, cat_idx, cat_tbl, cat_out, rowsc, sem)

  pltpu.sync_copy(small_idx.at[wid], idxv.at[pl.ds(0, SMALL_IDX_PW)])

  def small_chunk(c, carry):
    descs = []
    for j in range(SMALL_INNER):
      descs.append(
          pltpu.async_copy(small_tbl.at[idxv.at[c * SMALL_INNER + j]],
                           rows16.at[pl.ds(j * CH, CH)], sem))
    for d in descs:
      d.wait()
    pltpu.sync_copy(
        rows16,
        small_out.at[pl.ds(wid * SMALL_IDX_PW * CH + c * SMALL_INNER * CH,
                           SMALL_INNER * CH)])
    return carry

  lax.fori_loop(0, SMALL_OUTER, small_chunk, 0)

  def lab_chunk(c, carry):
    pltpu.sync_copy(lab_idx.at[wid, pl.ds(c * LAB_INNER, LAB_INNER)],
                    idxv.at[pl.ds(0, LAB_INNER)])
    descs = []
    for j in range(LAB_INNER):
      descs.append(
          pltpu.async_copy(lab_tbl.at[idxv.at[j]],
                           rows32.at[pl.ds(j * CH, CH)], sem))
    for d in descs:
      d.wait()
    pltpu.sync_copy(
        rows32,
        lab_out.at[pl.ds(wid * LAB_IDX_PW * CH + c * LAB_INNER * CH,
                         LAB_INNER * CH)])
    return carry

  lax.fori_loop(0, LAB_OUTER, lab_chunk, 0)


def _sc_gather(cat_idx, small_idx, lab_idx, cat_tbl, small_tbl, lab_tbl):
  f = pl.kernel(
      _sc_gather_body,
      out_type=(
          jax.ShapeDtypeStruct((B, 32), jnp.float32),
          jax.ShapeDtypeStruct((SMALL_ROWS, 16), jnp.float32),
          jax.ShapeDtypeStruct((LAB_ROWS, 32), jnp.bfloat16),
      ),
      mesh=_mesh(),
      compiler_params=pltpu.CompilerParams(use_tc_tiling_on_sc=False),
      scratch_types=[
          pltpu.VMEM((SMALL_IDX_PW, CH), jnp.int32),
          pltpu.VMEM((LAB_INNER * CH, 32), jnp.bfloat16),
          pltpu.VMEM((ID_CHUNKS * CH, 32), jnp.float32),
          pltpu.VMEM((SMALL_INNER * CH, 16), jnp.float32),
          pltpu.SemaphoreType.DMA,
      ],
  )
  return f(cat_idx, small_idx, lab_idx, cat_tbl, small_tbl, lab_tbl)


BS = 512


def _tc_dense_body(uid_ref, iid_ref, cat_ref, small_ref,
                   lab_ref, w20_ref, e20_ref, p32_ref,
                   u1_ref, ub1_ref, u2_ref, ub2_ref,
                   i1_ref, ib1_ref, i2_ref, ib2_ref, out_ref):
  uid_emb = uid_ref[...]
  iid_emb = iid_ref[...]

  w20 = w20_ref[...]
  e20 = e20_ref[...]
  p32 = p32_ref[...]

  def pool(x16):
    x = x16.astype(jnp.float32)
    s = jnp.dot(x, w20, preferred_element_type=jnp.float32)
    m = jnp.max(s, axis=1, keepdims=True)
    e = jnp.exp(s - m)
    wt = e / jnp.sum(e, axis=1, keepdims=True)
    wt640 = jnp.dot(wt, e20, preferred_element_type=jnp.float32)
    return jnp.dot(x * wt640, p32, preferred_element_type=jnp.float32)

  u_pool = pool(lab_ref[0])
  i_pool = pool(lab_ref[1])

  sm = small_ref[...]
  user_feat = jnp.concatenate(
      [uid_emb, sm[:, :64], u_pool], axis=1)
  item_feat = jnp.concatenate(
      [iid_emb, cat_ref[...], sm[:, 64:], i_pool], axis=1)

  hu = jnp.maximum(
      jnp.dot(user_feat, u1_ref[...], preferred_element_type=jnp.float32)
      + ub1_ref[0], 0.0)
  uvec = jnp.dot(hu, u2_ref[...], preferred_element_type=jnp.float32) \
      + ub2_ref[0]
  hi = jnp.dot(item_feat, i1_ref[...], preferred_element_type=jnp.float32) \
      + ib1_ref[0]
  ivec = jnp.dot(hi, i2_ref[...], preferred_element_type=jnp.float32) \
      + ib2_ref[0]
  logit = jnp.sum(uvec * ivec, axis=1, keepdims=True)
  out_ref[...] = 1.0 / (1.0 + jnp.exp(-logit))


def _tc_dense(uid_emb, iid_emb, cat_emb, small_emb, lab_emb, w20, e20, p32,
              U1, Ub1, U2, Ub2, I1, Ib1, I2, Ib2):
  grid = (B // BS,)
  full = lambda shape: pl.BlockSpec(shape, lambda i: tuple(0 for _ in shape))
  out = pl.pallas_call(
      _tc_dense_body,
      grid=grid,
      in_specs=[
          pl.BlockSpec((BS, 64), lambda i: (i, 0)),
          pl.BlockSpec((BS, 64), lambda i: (i, 0)),
          pl.BlockSpec((BS, 32), lambda i: (i, 0)),
          pl.BlockSpec((BS, 80), lambda i: (i, 0)),
          pl.BlockSpec((2, BS, 640), lambda i: (0, i, 0)),
          full((640, 20)), full((20, 640)), full((640, 32)),
          full((160, 256)), full((1, 256)), full((256, 128)), full((1, 128)),
          full((144, 256)), full((1, 256)), full((256, 128)), full((1, 128)),
      ],
      out_specs=pl.BlockSpec((BS, 1), lambda i: (i, 0)),
      out_shape=jax.ShapeDtypeStruct((B, 1), jnp.float32),
  )(uid_emb, iid_emb, cat_emb, small_emb, lab_emb, w20, e20, p32,
    U1, Ub1, U2, Ub2, I1, Ib1, I2, Ib2)
  return out


def kernel(user_id, gender_id, job_id, user_city_id, age_bucket, user_labels,
           item_id, category_id, item_city_id, item_labels,
           user_id_table, gender_table, job_table, city_table, age_table,
           item_id_table, category_table, label_table, w_pool,
           U1, Ub1, U2, Ub2, I1, Ib1, I2, Ib2):
  i32 = jnp.int32
  bf16 = jnp.bfloat16
  small_tbl = jnp.concatenate(
      [gender_table, job_table, city_table, age_table], axis=0)
  small_idx = jnp.stack([
      gender_id.astype(i32),
      job_id.astype(i32) + 3,
      user_city_id.astype(i32) + 104,
      age_bucket.astype(i32) + 1105,
      item_city_id.astype(i32) + 104,
  ], axis=1).reshape(NW, SMALL_IDX_PW, CH)
  lab_idx = jnp.concatenate(
      [user_labels.reshape(-1).astype(i32),
       item_labels.reshape(-1).astype(i32)]).reshape(NW, LAB_IDX_PW, CH)

  cat_emb, small_emb, lab_emb = _sc_gather(
      category_id.astype(i32).reshape(NW, ID_CHUNKS, CH),
      small_idx, lab_idx,
      category_table, small_tbl, label_table.astype(bf16))
  uid_emb, iid_emb = _sc_ids(
      user_id.astype(i32).reshape(NW, ID_CHUNKS, CH),
      item_id.astype(i32).reshape(NW, ID_CHUNKS, CH),
      user_id_table, item_id_table)

  eye20 = jnp.eye(20, dtype=jnp.float32)
  w20 = jnp.kron(eye20, w_pool.reshape(32, 1))
  e20 = jnp.kron(eye20, jnp.ones((1, 32), jnp.float32))
  p32 = jnp.kron(jnp.ones((20, 1), jnp.float32),
                 jnp.eye(32, dtype=jnp.float32))

  out = _tc_dense(uid_emb, iid_emb, cat_emb,
                  small_emb.reshape(B, 80),
                  lab_emb.reshape(2, B, 640),
                  w20, e20, p32,
                  U1, Ub1.reshape(1, 256), U2, Ub2.reshape(1, 128),
                  I1, Ib1.reshape(1, 256), I2, Ib2.reshape(1, 128))
  return out.reshape(B)

# --- scband reference (transcript-rebuilt; emitter-appended) ---
"""Pipeline reference for scband-recommender-model-6794638262888 (READ-ONLY COPY).

The authoritative reference and input builder live on the scoring server;
editing this copy changes nothing except your own understanding.
"""

import jax, jax.numpy as jnp
import numpy as np

B = 16384
L = 20

def setup_inputs(seed: int = 0):
    key = jax.random.key(seed)
    ks = jax.random.split(key, 32)
    inp = {}
    # index inputs (flattened from user_data / item_data dicts)
    inp['user_id'] = jax.random.randint(ks[0], (B,), 0, 1000000)
    inp['gender_id'] = jax.random.randint(ks[1], (B,), 0, 3)
    inp['job_id'] = jax.random.randint(ks[2], (B,), 0, 101)
    inp['user_city_id'] = jax.random.randint(ks[3], (B,), 0, 1001)
    inp['age_bucket'] = jax.random.randint(ks[4], (B,), 0, 10)
    inp['user_labels'] = jax.random.randint(ks[5], (B, L), 0, 100000)
    inp['item_id'] = jax.random.randint(ks[6], (B,), 0, 1000000)
    inp['category_id'] = jax.random.randint(ks[7], (B,), 0, 1000)
    inp['item_city_id'] = jax.random.randint(ks[8], (B,), 0, 1001)
    inp['item_labels'] = jax.random.randint(ks[9], (B, L), 0, 100000)
    # learned parameters
    s = 0.02
    inp['user_id_table'] = jax.random.normal(ks[10], (1000000, 64), jnp.float32) * s
    inp['gender_table'] = jax.random.normal(ks[11], (3, 16), jnp.float32) * s
    inp['job_table'] = jax.random.normal(ks[12], (101, 16), jnp.float32) * s
    inp['city_table'] = jax.random.normal(ks[13], (1001, 16), jnp.float32) * s
    inp['age_table'] = jax.random.normal(ks[14], (10, 16), jnp.float32) * s
    inp['item_id_table'] = jax.random.normal(ks[15], (1000000, 64), jnp.float32) * s
    inp['category_table'] = jax.random.normal(ks[16], (1000, 32), jnp.float32) * s
    inp['label_table'] = jax.random.normal(ks[17], (100000, 32), jnp.float32) * s
    inp['w_pool'] = jax.random.normal(ks[18], (32,), jnp.float32) * s
    inp['U1'] = jax.random.normal(ks[19], (160, 256), jnp.float32) * (1.0 / np.sqrt(160))
    inp['Ub1'] = jnp.zeros((256,), jnp.float32)
    inp['U2'] = jax.random.normal(ks[20], (256, 128), jnp.float32) * (1.0 / np.sqrt(256))
    inp['Ub2'] = jnp.zeros((128,), jnp.float32)
    inp['I1'] = jax.random.normal(ks[21], (144, 256), jnp.float32) * (1.0 / np.sqrt(144))
    inp['Ib1'] = jnp.zeros((256,), jnp.float32)
    inp['I2'] = jax.random.normal(ks[22], (256, 128), jnp.float32) * (1.0 / np.sqrt(256))
    inp['Ib2'] = jnp.zeros((128,), jnp.float32)
    return inp


def _dynamic_pool(label_emb, w_pool):
    # DynamicWeightedAverage: learned-score softmax weighted average over labels
    scores = jnp.einsum('bld,d->bl', label_emb, w_pool)
    weights = jax.nn.softmax(scores, axis=1)
    return jnp.einsum('bl,bld->bd', weights, label_emb)


def reference(user_id, gender_id, job_id, user_city_id, age_bucket, user_labels,
              item_id, category_id, item_city_id, item_labels,
              user_id_table, gender_table, job_table, city_table, age_table,
              item_id_table, category_table, label_table, w_pool,
              U1, Ub1, U2, Ub2, I1, Ib1, I2, Ib2):
    u_id = jnp.take(user_id_table, user_id, axis=0)
    u_gender = jnp.take(gender_table, gender_id, axis=0)
    u_job = jnp.take(job_table, job_id, axis=0)
    u_city = jnp.take(city_table, user_city_id, axis=0)
    u_age = jnp.take(age_table, age_bucket, axis=0)
    user_label_emb = jnp.take(label_table, user_labels, axis=0)  # [B, L, 32]
    u_labels_pooled = _dynamic_pool(user_label_emb, w_pool)
    i_id = jnp.take(item_id_table, item_id, axis=0)
    i_category = jnp.take(category_table, category_id, axis=0)
    i_city = jnp.take(city_table, item_city_id, axis=0)
    item_label_emb = jnp.take(label_table, item_labels, axis=0)
    i_labels_pooled = _dynamic_pool(item_label_emb, w_pool)
    user_feat = jnp.concatenate([u_id, u_gender, u_job, u_city, u_age, u_labels_pooled], axis=1)
    item_feat = jnp.concatenate([i_id, i_category, i_city, i_labels_pooled], axis=1)
    user_vec = jnp.dot(jax.nn.relu(jnp.dot(user_feat, U1) + Ub1), U2) + Ub2
    item_vec = jnp.dot(jnp.dot(item_feat, I1) + Ib1, I2) + Ib2
    return jax.nn.sigmoid(jnp.sum(user_vec * item_vec, axis=1))

if __name__ == "__main__":
    import jax
    _d = setup_inputs()
    print(jax.jit(kernel)(*tuple(_d.values())))

</pallas_src>

<mosaic_0001>
#map = affine_map<(d0, d1) -> (0, 0, 0)>
#map1 = affine_map<(d0, d1) -> (0, 0)>
module attributes {stable_mosaic.version = 14 : i64} {
  func.func @_sc_gather_body(%arg0: i32, %arg1: i32, %arg2: memref<32x4x128xi32, #tpu.memory_space<hbm>>, %arg3: memref<32x20x128xi32, #tpu.memory_space<hbm>>, %arg4: memref<32x160x128xi32, #tpu.memory_space<hbm>>, %arg5: memref<1000x32xf32, #tpu.memory_space<hbm>>, %arg6: memref<1115x16xf32, #tpu.memory_space<hbm>>, %arg7: memref<100000x32xbf16, #tpu.memory_space<hbm>>, %arg8: memref<16384x32xf32, #tpu.memory_space<hbm>>, %arg9: memref<81920x16xf32, #tpu.memory_space<hbm>>, %arg10: memref<655360x32xbf16, #tpu.memory_space<hbm>>, %arg11: memref<20x128xi32, #tpu.memory_space<vmem>>, %arg12: memref<2048x32xbf16, #tpu.memory_space<vmem>>, %arg13: memref<512x32xf32, #tpu.memory_space<vmem>>, %arg14: memref<1280x16xf32, #tpu.memory_space<vmem>>, %arg15: memref<!tpu.dma_semaphore, #tpu.memory_space<semaphore_mem>>) attributes {dimension_semantics = [#tpu.dimension_semantics<core_parallel>, #tpu.dimension_semantics<subcore_parallel>], iteration_bounds = array<i64: 2, 16>, scalar_prefetch = 0 : i64, scratch_operands = 5 : i64, tpu.core_type = #tpu.core_type<sc_vector_subcore>, window_params = [{transform_indices = #map}, {transform_indices = #map}, {transform_indices = #map}, {transform_indices = #map1}, {transform_indices = #map1}, {transform_indices = #map1}, {transform_indices = #map1}, {transform_indices = #map1}, {transform_indices = #map1}]} {
    %mul3A = arith.constant 2 : i32
    %mul3A_0 = arith.muli %arg1, %mul3A : i32
    %add3A = arith.addi %mul3A_0, %arg0 : i32
    "tpu.region"() ({
      %run_scoped3A = tpu.sem_alloc : memref<!tpu.dma_semaphore, #tpu.memory_space<semaphore_mem>>
      %dma_start3A_94 = arith.constant 0 : i32
      %dma_start3A_95 = arith.constant 0 : i32
      %dma_start3A_96 = tpu.memref_slice %arg11[%dma_start3A_94, %dma_start3A_95] : memref<20x128xi32, #tpu.memory_space<vmem>> -> memref<4x128xi32, #tpu.memory_space<vmem>>
      %dma_start3A_97 = arith.constant 0 : i32
      %dma_start3A_98 = arith.constant 0 : i32
      %dma_start3A_99 = tpu.memref_slice %arg2[%add3A, %dma_start3A_97, %dma_start3A_98] : memref<32x4x128xi32, #tpu.memory_space<hbm>> -> memref<1x4x128xi32, #tpu.memory_space<hbm>>
      %dma_start3A_100 = tpu.memref_squeeze %dma_start3A_99 : memref<1x4x128xi32, #tpu.memory_space<hbm>> -> memref<4x128xi32, #tpu.memory_space<hbm>>
      %dma_start3A_101 = arith.constant 0 : i32
      %dma_start3A_102 = arith.constant 0 : i32
      %dma_start3A_103 = tpu.memref_slice %arg11[%dma_start3A_101, %dma_start3A_102] : memref<20x128xi32, #tpu.memory_space<vmem>> -> memref<4x128xi32, #tpu.memory_space<vmem>>
      %dma_start3A_104 = arith.constant 0 : i32
      %dma_start3A_105 = arith.constant 0 : i32
      %dma_start3A_106 = tpu.memref_slice %arg2[%add3A, %dma_start3A_104, %dma_start3A_105] : memref<32x4x128xi32, #tpu.memory_space<hbm>> -> memref<1x4x128xi32, #tpu.memory_space<hbm>>
      %dma_start3A_107 = tpu.memref_squeeze %dma_start3A_106 : memref<1x4x128xi32, #tpu.memory_space<hbm>> -> memref<4x128xi32, #tpu.memory_space<hbm>>
      tpu.enqueue_dma source(%dma_start3A_107 : memref<4x128xi32, #tpu.memory_space<hbm>>) target(%dma_start3A_103 : memref<4x128xi32, #tpu.memory_space<vmem>>) target_semaphore(%run_scoped3A : memref<!tpu.dma_semaphore, #tpu.memory_space<semaphore_mem>>)
      %dma_wait3A_108 = arith.constant 0 : i32
      %dma_wait3A_109 = arith.constant 0 : i32
      %dma_wait3A_110 = tpu.memref_slice %arg11[%dma_wait3A_108, %dma_wait3A_109] : memref<20x128xi32, #tpu.memory_space<vmem>> -> memref<4x128xi32, #tpu.memory_space<vmem>>
      %dma_wait3A_111 = arith.constant 0 : i32
      %dma_wait3A_112 = arith.constant 0 : i32
      %dma_wait3A_113 = tpu.memref_slice %arg2[%add3A, %dma_wait3A_111, %dma_wait3A_112] : memref<32x4x128xi32, #tpu.memory_space<hbm>> -> memref<1x4x128xi32, #tpu.memory_space<hbm>>
      %dma_wait3A_114 = tpu.memref_squeeze %dma_wait3A_113 : memref<1x4x128xi32, #tpu.memory_space<hbm>> -> memref<4x128xi32, #tpu.memory_space<hbm>>
      %dma_wait3A_115 = arith.constant 0 : i32
      %dma_wait3A_116 = arith.constant 0 : i32
      %dma_wait3A_117 = tpu.memref_slice %arg11[%dma_wait3A_115, %dma_wait3A_116] : memref<20x128xi32, #tpu.memory_space<vmem>> -> memref<4x128xi32, #tpu.memory_space<vmem>>
      %dma_wait3A_118 = arith.constant 0 : i32
      %dma_wait3A_119 = arith.constant 0 : i32
      %dma_wait3A_120 = tpu.memref_slice %arg2[%add3A, %dma_wait3A_118, %dma_wait3A_119] : memref<32x4x128xi32, #tpu.memory_space<hbm>> -> memref<1x4x128xi32, #tpu.memory_space<hbm>>
      %dma_wait3A_121 = tpu.memref_squeeze %dma_wait3A_120 : memref<1x4x128xi32, #tpu.memory_space<hbm>> -> memref<4x128xi32, #tpu.memory_space<hbm>>
      tpu.wait_dma2 semaphore(%run_scoped3A : memref<!tpu.dma_semaphore, #tpu.memory_space<semaphore_mem>>) src(%dma_wait3A_121 : memref<4x128xi32, #tpu.memory_space<hbm>>) dst(%dma_wait3A_117 : memref<4x128xi32, #tpu.memory_space<vmem>>)
      tpu.yield
    }) : () -> ()
    %dma_start3A = arith.constant 0 : i32
    %dma_start3A_1 = arith.constant 0 : i32
    %dma_start3A_2 = arith.constant 0 : i32
    %dma_start3A_3 = tpu.memref_slice %arg13[%dma_start3A_1, %dma_start3A_2] : memref<512x32xf32, #tpu.memory_space<vmem>> -> memref<128x32xf32, #tpu.memory_space<vmem>>
    %dma_start3A_4 = arith.constant 0 : i32
    %dma_start3A_5 = tpu.memref_slice %arg11[%dma_start3A, %dma_start3A_4] : memref<20x128xi32, #tpu.memory_space<vmem>> -> memref<1x128xi32, #tpu.memory_space<vmem>>
    %dma_start3A_6 = tpu.memref_squeeze %dma_start3A_5 : memref<1x128xi32, #tpu.memory_space<vmem>> -> memref<128xi32, #tpu.memory_space<vmem>>
    %dma_start3A_7 = arith.constant 0 : i32
    %dma_start3A_8 = arith.constant 0 : i32
    %dma_start3A_9 = tpu.memref_slice %arg5[%dma_start3A_7, %dma_start3A_8] : memref<1000x32xf32, #tpu.memory_space<hbm>> -> memref<1000x32xf32, #tpu.memory_space<hbm>>
    tpu.enqueue_indirect_dma source(%dma_start3A_9 : memref<1000x32xf32, #tpu.memory_space<hbm>>) target(%dma_start3A_3 : memref<128x32xf32, #tpu.memory_space<vmem>>) offsets(%dma_start3A_6 : memref<128xi32, #tpu.memory_space<vmem>>) semaphore(%arg15 : memref<!tpu.dma_semaphore, #tpu.memory_space<semaphore_mem>>)
    %dma_start3A_10 = arith.constant 1 : i32
    %dma_start3A_11 = arith.constant 128 : i32
    %dma_start3A_12 = arith.constant 0 : i32
    %dma_start3A_13 = tpu.memref_slice %arg13[%dma_start3A_11, %dma_start3A_12] : memref<512x32xf32, #tpu.memory_space<vmem>> -> memref<128x32xf32, #tpu.memory_space<vmem>>
    %dma_start3A_14 = arith.constant 0 : i32
    %dma_start3A_15 = tpu.memref_slice %arg11[%dma_start3A_10, %dma_start3A_14] : memref<20x128xi32, #tpu.memory_space<vmem>> -> memref<1x128xi32, #tpu.memory_space<vmem>>
    %dma_start3A_16 = tpu.memref_squeeze %dma_start3A_15 : memref<1x128xi32, #tpu.memory_space<vmem>> -> memref<128xi32, #tpu.memory_space<vmem>>
    %dma_start3A_17 = arith.constant 0 : i32
    %dma_start3A_18 = arith.constant 0 : i32
    %dma_start3A_19 = tpu.memref_slice %arg5[%dma_start3A_17, %dma_start3A_18] : memref<1000x32xf32, #tpu.memory_space<hbm>> -> memref<1000x32xf32, #tpu.memory_space<hbm>>
    tpu.enqueue_indirect_dma source(%dma_start3A_19 : memref<1000x32xf32, #tpu.memory_space<hbm>>) target(%dma_start3A_13 : memref<128x32xf32, #tpu.memory_space<vmem>>) offsets(%dma_start3A_16 : memref<128xi32, #tpu.memory_space<vmem>>) semaphore(%arg15 : memref<!tpu.dma_semaphore, #tpu.memory_space<semaphore_mem>>)
    %dma_start3A_20 = arith.constant 2 : i32
    %dma_start3A_21 = arith.constant 256 : i32
    %dma_start3A_22 = arith.constant 0 : i32
    %dma_start3A_23 = tpu.memref_slice %arg13[%dma_start3A_21, %dma_start3A_22] : memref<512x32xf32, #tpu.memory_space<vmem>> -> memref<128x32xf32, #tpu.memory_space<vmem>>
    %dma_start3A_24 = arith.constant 0 : i32
    %dma_start3A_25 = tpu.memref_slice %arg11[%dma_start3A_20, %dma_start3A_24] : memref<20x128xi32, #tpu.memory_space<vmem>> -> memref<1x128xi32, #tpu.memory_space<vmem>>
    %dma_start3A_26 = tpu.memref_squeeze %dma_start3A_25 : memref<1x128xi32, #tpu.memory_space<vmem>> -> memref<128xi32, #tpu.memory_space<vmem>>
    %dma_start3A_27 = arith.constant 0 : i32
    %dma_start3A_28 = arith.constant 0 : i32
    %dma_start3A_29 = tpu.memref_slice %arg5[%dma_start3A_27, %dma_start3A_28] : memref<1000x32xf32, #tpu.memory_space<hbm>> -> memref<1000x32xf32, #tpu.memory_space<hbm>>
    tpu.enqueue_indirect_dma source(%dma_start3A_29 : memref<1000x32xf32, #tpu.memory_space<hbm>>) target(%dma_start3A_23 : memref<128x32xf32, #tpu.memory_space<vmem>>) offsets(%dma_start3A_26 : memref<128xi32, #tpu.memory_space<vmem>>) semaphore(%arg15 : memref<!tpu.dma_semaphore, #tpu.memory_space<semaphore_mem>>)
    %dma_start3A_30 = arith.constant 3 : i32
    %dma_start3A_31 = arith.constant 384 : i32
    %dma_start3A_32 = arith.constant 0 : i32
    %dma_start3A_33 = tpu.memref_slice %arg13[%dma_start3A_31, %dma_start3A_32] : memref<512x32xf32, #tpu.memory_space<vmem>> -> memref<128x32xf32, #tpu.memory_space<vmem>>
    %dma_start3A_34 = arith.constant 0 : i32
    %dma_start3A_35 = tpu.memref_slice %arg11[%dma_start3A_30, %dma_start3A_34] : memref<20x128xi32, #tpu.memory_space<vmem>> -> memref<1x128xi32, #tpu.memory_space<vmem>>
    %dma_start3A_36 = tpu.memref_squeeze %dma_start3A_35 : memref<1x128xi32, #tpu.memory_space<vmem>> -> memref<128xi32, #tpu.memory_space<vmem>>
    %dma_start3A_37 = arith.constant 0 : i32
    %dma_start3A_38 = arith.constant 0 : i32
    %dma_start3A_39 = tpu.memref_slice %arg5[%dma_start3A_37, %dma_start3A_38] : memref<1000x32xf32, #tpu.memory_space<hbm>> -> memref<1000x32xf32, #tpu.memory_space<hbm>>
    tpu.enqueue_indirect_dma source(%dma_start3A_39 : memref<1000x32xf32, #tpu.memory_space<hbm>>) target(%dma_start3A_33 : memref<128x32xf32, #tpu.memory_space<vmem>>) offsets(%dma_start3A_36 : memref<128xi32, #tpu.memory_space<vmem>>) semaphore(%arg15 : memref<!tpu.dma_semaphore, #tpu.memory_space<semaphore_mem>>)
    %dma_wait3A = arith.constant 0 : i32
    %dma_wait3A_40 = arith.constant 0 : i32
    %dma_wait3A_41 = arith.constant 0 : i32
    %dma_wait3A_42 = tpu.memref_slice %arg13[%dma_wait3A_40, %dma_wait3A_41] : memref<512x32xf32, #tpu.memory_space<vmem>> -> memref<128x32xf32, #tpu.memory_space<vmem>>
    %dma_wait3A_43 = arith.constant 0 : i32
    %dma_wait3A_44 = tpu.memref_slice %arg11[%dma_wait3A, %dma_wait3A_43] : memref<20x128xi32, #tpu.memory_space<vmem>> -> memref<1x128xi32, #tpu.memory_space<vmem>>
    %dma_wait3A_45 = tpu.memref_squeeze %dma_wait3A_44 : memref<1x128xi32, #tpu.memory_space<vmem>> -> memref<128xi32, #tpu.memory_space<vmem>>
    %dma_wait3A_46 = arith.constant 0 : i32
    %dma_wait3A_47 = arith.constant 0 : i32
    %dma_wait3A_48 = tpu.memref_slice %arg5[%dma_wait3A_46, %dma_wait3A_47] : memref<1000x32xf32, #tpu.memory_space<hbm>> -> memref<1000x32xf32, #tpu.memory_space<hbm>>
    tpu.wait_indirect_dma semaphore(%arg15 : memref<!tpu.dma_semaphore, #tpu.memory_space<semaphore_mem>>) src(%dma_wait3A_48 : memref<1000x32xf32, #tpu.memory_space<hbm>>) dst(%dma_wait3A_42 : memref<128x32xf32, #tpu.memory_space<vmem>>)
    %dma_wait3A_49 = arith.constant 1 : i32
    %dma_wait3A_50 = arith.constant 128 : i32
    %dma_wait3A_51 = arith.constant 0 : i32
    %dma_wait3A_52 = tpu.memref_slice %arg13[%dma_wait3A_50, %dma_wait3A_51] : memref<512x32xf32, #tpu.memory_space<vmem>> -> memref<128x32xf32, #tpu.memory_space<vmem>>
    %dma_wait3A_53 = arith.constant 0 : i32
    %dma_wait3A_54 = tpu.memref_slice %arg11[%dma_wait3A_49, %dma_wait3A_53] : memref<20x128xi32, #tpu.memory_space<vmem>> -> memref<1x128xi32, #tpu.memory_space<vmem>>
    %dma_wait3A_55 = tpu.memref_squeeze %dma_wait3A_54 : memref<1x128xi32, #tpu.memory_space<vmem>> -> memref<128xi32, #tpu.memory_space<vmem>>
    %dma_wait3A_56 = arith.constant 0 : i32
    %dma_wait3A_57 = arith.constant 0 : i32
    %dma_wait3A_58 = tpu.memref_slice %arg5[%dma_wait3A_56, %dma_wait3A_57] : memref<1000x32xf32, #tpu.memory_space<hbm>> -> memref<1000x32xf32, #tpu.memory_space<hbm>>
    tpu.wait_indirect_dma semaphore(%arg15 : memref<!tpu.dma_semaphore, #tpu.memory_space<semaphore_mem>>) src(%dma_wait3A_58 : memref<1000x32xf32, #tpu.memory_space<hbm>>) dst(%dma_wait3A_52 : memref<128x32xf32, #tpu.memory_space<vmem>>)
    %dma_wait3A_59 = arith.constant 2 : i32
    %dma_wait3A_60 = arith.constant 256 : i32
    %dma_wait3A_61 = arith.constant 0 : i32
    %dma_wait3A_62 = tpu.memref_slice %arg13[%dma_wait3A_60, %dma_wait3A_61] : memref<512x32xf32, #tpu.memory_space<vmem>> -> memref<128x32xf32, #tpu.memory_space<vmem>>
    %dma_wait3A_63 = arith.constant 0 : i32
    %dma_wait3A_64 = tpu.memref_slice %arg11[%dma_wait3A_59, %dma_wait3A_63] : memref<20x128xi32, #tpu.memory_space<vmem>> -> memref<1x128xi32, #tpu.memory_space<vmem>>
    %dma_wait3A_65 = tpu.memref_squeeze %dma_wait3A_64 : memref<1x128xi32, #tpu.memory_space<vmem>> -> memref<128xi32, #tpu.memory_space<vmem>>
    %dma_wait3A_66 = arith.constant 0 : i32
    %dma_wait3A_67 = arith.constant 0 : i32
    %dma_wait3A_68 = tpu.memref_slice %arg5[%dma_wait3A_66, %dma_wait3A_67] : memref<1000x32xf32, #tpu.memory_space<hbm>> -> memref<1000x32xf32, #tpu.memory_space<hbm>>
    tpu.wait_indirect_dma semaphore(%arg15 : memref<!tpu.dma_semaphore, #tpu.memory_space<semaphore_mem>>) src(%dma_wait3A_68 : memref<1000x32xf32, #tpu.memory_space<hbm>>) dst(%dma_wait3A_62 : memref<128x32xf32, #tpu.memory_space<vmem>>)
    %dma_wait3A_69 = arith.constant 3 : i32
    %dma_wait3A_70 = arith.constant 384 : i32
    %dma_wait3A_71 = arith.constant 0 : i32
    %dma_wait3A_72 = tpu.memref_slice %arg13[%dma_wait3A_70, %dma_wait3A_71] : memref<512x32xf32, #tpu.memory_space<vmem>> -> memref<128x32xf32, #tpu.memory_space<vmem>>
    %dma_wait3A_73 = arith.constant 0 : i32
    %dma_wait3A_74 = tpu.memref_slice %arg11[%dma_wait3A_69, %dma_wait3A_73] : memref<20x128xi32, #tpu.memory_space<vmem>> -> memref<1x128xi32, #tpu.memory_space<vmem>>
    %dma_wait3A_75 = tpu.memref_squeeze %dma_wait3A_74 : memref<1x128xi32, #tpu.memory_space<vmem>> -> memref<128xi32, #tpu.memory_space<vmem>>
    %dma_wait3A_76 = arith.constant 0 : i32
    %dma_wait3A_77 = arith.constant 0 : i32
    %dma_wait3A_78 = tpu.memref_slice %arg5[%dma_wait3A_76, %dma_wait3A_77] : memref<1000x32xf32, #tpu.memory_space<hbm>> -> memref<1000x32xf32, #tpu.memory_space<hbm>>
    tpu.wait_indirect_dma semaphore(%arg15 : memref<!tpu.dma_semaphore, #tpu.memory_space<semaphore_mem>>) src(%dma_wait3A_78 : memref<1000x32xf32, #tpu.memory_space<hbm>>) dst(%dma_wait3A_72 : memref<128x32xf32, #tpu.memory_space<vmem>>)
    %mul3A_79 = arith.constant 4 : i32
    %mul3A_80 = arith.muli %add3A, %mul3A_79 : i32
    %mul3A_81 = arith.constant 128 : i32
    %mul3A_82 = arith.muli %mul3A_80, %mul3A_81 : i32
    "tpu.region"() ({
      %run_scoped3A = tpu.sem_alloc : memref<!tpu.dma_semaphore, #tpu.memory_space<semaphore_mem>>
      %dma_start3A_94 = arith.constant 0 : i32
      %dma_start3A_95 = tpu.memref_slice %arg8[%mul3A_82, %dma_start3A_94] : memref<16384x32xf32, #tpu.memory_space<hbm>> -> memref<512x32xf32, #tpu.memory_space<hbm>>
      %dma_start3A_96 = arith.constant 0 : i32
      %dma_start3A_97 = tpu.memref_slice %arg8[%mul3A_82, %dma_start3A_96] : memref<16384x32xf32, #tpu.memory_space<hbm>> -> memref<512x32xf32, #tpu.memory_space<hbm>>
      tpu.enqueue_dma source(%arg13 : memref<512x32xf32, #tpu.memory_space<vmem>>) target(%dma_start3A_97 : memref<512x32xf32, #tpu.memory_space<hbm>>) target_semaphore(%run_scoped3A : memref<!tpu.dma_semaphore, #tpu.memory_space<semaphore_mem>>)
      %dma_wait3A_98 = arith.constant 0 : i32
      %dma_wait3A_99 = tpu.memref_slice %arg8[%mul3A_82, %dma_wait3A_98] : memref<16384x32xf32, #tpu.memory_space<hbm>> -> memref<512x32xf32, #tpu.memory_space<hbm>>
      %dma_wait3A_100 = arith.constant 0 : i32
      %dma_wait3A_101 = tpu.memref_slice %arg8[%mul3A_82, %dma_wait3A_100] : memref<16384x32xf32, #tpu.memory_space<hbm>> -> memref<512x32xf32, #tpu.memory_space<hbm>>
      tpu.wait_dma2 semaphore(%run_scoped3A : memref<!tpu.dma_semaphore, #tpu.memory_space<semaphore_mem>>) src(%arg13 : memref<512x32xf32, #tpu.memory_space<vmem>>) dst(%dma_wait3A_101 : memref<512x32xf32, #tpu.memory_space<hbm>>)
      tpu.yield
    }) : () -> ()
    "tpu.region"() ({
      %run_scoped3A = tpu.sem_alloc : memref<!tpu.dma_semaphore, #tpu.memory_space<semaphore_mem>>
      %dma_start3A_94 = arith.constant 0 : i32
      %dma_start3A_95 = arith.constant 0 : i32
      %dma_start3A_96 = tpu.memref_slice %arg11[%dma_start3A_94, %dma_start3A_95] : memref<20x128xi32, #tpu.memory_space<vmem>> -> memref<20x128xi32, #tpu.memory_space<vmem>>
      %dma_start3A_97 = arith.constant 0 : i32
      %dma_start3A_98 = arith.constant 0 : i32
      %dma_start3A_99 = tpu.memref_slice %arg3[%add3A, %dma_start3A_97, %dma_start3A_98] : memref<32x20x128xi32, #tpu.memory_space<hbm>> -> memref<1x20x128xi32, #tpu.memory_space<hbm>>
      %dma_start3A_100 = tpu.memref_squeeze %dma_start3A_99 : memref<1x20x128xi32, #tpu.memory_space<hbm>> -> memref<20x128xi32, #tpu.memory_space<hbm>>
      %dma_start3A_101 = arith.constant 0 : i32
      %dma_start3A_102 = arith.constant 0 : i32
      %dma_start3A_103 = tpu.memref_slice %arg11[%dma_start3A_101, %dma_start3A_102] : memref<20x128xi32, #tpu.memory_space<vmem>> -> memref<20x128xi32, #tpu.memory_space<vmem>>
      %dma_start3A_104 = arith.constant 0 : i32
      %dma_start3A_105 = arith.constant 0 : i32
      %dma_start3A_106 = tpu.memref_slice %arg3[%add3A, %dma_start3A_104, %dma_start3A_105] : memref<32x20x128xi32, #tpu.memory_space<hbm>> -> memref<1x20x128xi32, #tpu.memory_space<hbm>>
      %dma_start3A_107 = tpu.memref_squeeze %dma_start3A_106 : memref<1x20x128xi32, #tpu.memory_space<hbm>> -> memref<20x128xi32, #tpu.memory_space<hbm>>
      tpu.enqueue_dma source(%dma_start3A_107 : memref<20x128xi32, #tpu.memory_space<hbm>>) target(%dma_start3A_103 : memref<20x128xi32, #tpu.memory_space<vmem>>) target_semaphore(%run_scoped3A : memref<!tpu.dma_semaphore, #tpu.memory_space<semaphore_mem>>)
      %dma_wait3A_108 = arith.constant 0 : i32
      %dma_wait3A_109 = arith.constant 0 : i32
      %dma_wait3A_110 = tpu.memref_slice %arg11[%dma_wait3A_108, %dma_wait3A_109] : memref<20x128xi32, #tpu.memory_space<vmem>> -> memref<20x128xi32, #tpu.memory_space<vmem>>
      %dma_wait3A_111 = arith.constant 0 : i32
      %dma_wait3A_112 = arith.constant 0 : i32
      %dma_wait3A_113 = tpu.memref_slice %arg3[%add3A, %dma_wait3A_111, %dma_wait3A_112] : memref<32x20x128xi32, #tpu.memory_space<hbm>> -> memref<1x20x128xi32, #tpu.memory_space<hbm>>
      %dma_wait3A_114 = tpu.memref_squeeze %dma_wait3A_113 : memref<1x20x128xi32, #tpu.memory_space<hbm>> -> memref<20x128xi32, #tpu.memory_space<hbm>>
      %dma_wait3A_115 = arith.constant 0 : i32
      %dma_wait3A_116 = arith.constant 0 : i32
      %dma_wait3A_117 = tpu.memref_slice %arg11[%dma_wait3A_115, %dma_wait3A_116] : memref<20x128xi32, #tpu.memory_space<vmem>> -> memref<20x128xi32, #tpu.memory_space<vmem>>
      %dma_wait3A_118 = arith.constant 0 : i32
      %dma_wait3A_119 = arith.constant 0 : i32
      %dma_wait3A_120 = tpu.memref_slice %arg3[%add3A, %dma_wait3A_118, %dma_wait3A_119] : memref<32x20x128xi32, #tpu.memory_space<hbm>> -> memref<1x20x128xi32, #tpu.memory_space<hbm>>
      %dma_wait3A_121 = tpu.memref_squeeze %dma_wait3A_120 : memref<1x20x128xi32, #tpu.memory_space<hbm>> -> memref<20x128xi32, #tpu.memory_space<hbm>>
      tpu.wait_dma2 semaphore(%run_scoped3A : memref<!tpu.dma_semaphore, #tpu.memory_space<semaphore_mem>>) src(%dma_wait3A_121 : memref<20x128xi32, #tpu.memory_space<hbm>>) dst(%dma_wait3A_117 : memref<20x128xi32, #tpu.memory_space<vmem>>)
      tpu.yield
    }) : () -> ()
    %scan3A = arith.constant 0 : i32
    %scan3A_83 = arith.constant 0 : i32
    %scan3A_84 = arith.constant 2 : i32
    %scan3A_85 = arith.addi %scan3A_83, %scan3A_84 : i32
    %scan3A_86 = arith.constant 1 : i32
    scf.for %scan3A_94 = %scan3A_83 to %scan3A_85 step %scan3A_86  : i32 {
      %mul3A_95 = arith.constant 10 : i32
      %mul3A_96 = arith.muli %scan3A_94, %mul3A_95 : i32
      %add3A_97 = arith.constant 0 : i32
      %add3A_98 = arith.addi %mul3A_96, %add3A_97 : i32
      %dma_start3A_99 = arith.constant 0 : i32
      %dma_start3A_100 = arith.constant 0 : i32
      %dma_start3A_101 = tpu.memref_slice %arg14[%dma_start3A_99, %dma_start3A_100] : memref<1280x16xf32, #tpu.memory_space<vmem>> -> memref<128x16xf32, #tpu.memory_space<vmem>>
      %dma_start3A_102 = arith.constant 0 : i32
      %dma_start3A_103 = tpu.memref_slice %arg11[%add3A_98, %dma_start3A_102] : memref<20x128xi32, #tpu.memory_space<vmem>> -> memref<1x128xi32, #tpu.memory_space<vmem>>
      %dma_start3A_104 = tpu.memref_squeeze %dma_start3A_103 : memref<1x128xi32, #tpu.memory_space<vmem>> -> memref<128xi32, #tpu.memory_space<vmem>>
      %dma_start3A_105 = arith.constant 0 : i32
      %dma_start3A_106 = arith.constant 0 : i32
      %dma_start3A_107 = tpu.memref_slice %arg6[%dma_start3A_105, %dma_start3A_106] : memref<1115x16xf32, #tpu.memory_space<hbm>> -> memref<1115x16xf32, #tpu.memory_space<hbm>>
      tpu.enqueue_indirect_dma source(%dma_start3A_107 : memref<1115x16xf32, #tpu.memory_space<hbm>>) target(%dma_start3A_101 : memref<128x16xf32, #tpu.memory_space<vmem>>) offsets(%dma_start3A_104 : memref<128xi32, #tpu.memory_space<vmem>>) semaphore(%arg15 : memref<!tpu.dma_semaphore, #tpu.memory_space<semaphore_mem>>)
      %mul3A_108 = arith.constant 10 : i32
      %mul3A_109 = arith.muli %scan3A_94, %mul3A_108 : i32
      %add3A_110 = arith.constant 1 : i32
      %add3A_111 = arith.addi %mul3A_109, %add3A_110 : i32
      %dma_start3A_112 = arith.constant 128 : i32
      %dma_start3A_113 = arith.constant 0 : i32
      %dma_start3A_114 = tpu.memref_slice %arg14[%dma_start3A_112, %dma_start3A_113] : memref<1280x16xf32, #tpu.memory_space<vmem>> -> memref<128x16xf32, #tpu.memory_space<vmem>>
      %dma_start3A_115 = arith.constant 0 : i32
      %dma_start3A_116 = tpu.memref_slice %arg11[%add3A_111, %dma_start3A_115] : memref<20x128xi32, #tpu.memory_space<vmem>> -> memref<1x128xi32, #tpu.memory_space<vmem>>
      %dma_start3A_117 = tpu.memref_squeeze %dma_start3A_116 : memref<1x128xi32, #tpu.memory_space<vmem>> -> memref<128xi32, #tpu.memory_space<vmem>>
      %dma_start3A_118 = arith.constant 0 : i32
      %dma_start3A_119 = arith.constant 0 : i32
      %dma_start3A_120 = tpu.memref_slice %arg6[%dma_start3A_118, %dma_start3A_119] : memref<1115x16xf32, #tpu.memory_space<hbm>> -> memref<1115x16xf32, #tpu.memory_space<hbm>>
      tpu.enqueue_indirect_dma source(%dma_start3A_120 : memref<1115x16xf32, #tpu.memory_space<hbm>>) target(%dma_start3A_114 : memref<128x16xf32, #tpu.memory_space<vmem>>) offsets(%dma_start3A_117 : memref<128xi32, #tpu.memory_space<vmem>>) semaphore(%arg15 : memref<!tpu.dma_semaphore, #tpu.memory_space<semaphore_mem>>)
      %mul3A_121 = arith.constant 10 : i32
      %mul3A_122 = arith.muli %scan3A_94, %mul3A_121 : i32
      %add3A_123 = arith.constant 2 : i32
      %add3A_124 = arith.addi %mul3A_122, %add3A_123 : i32
      %dma_start3A_125 = arith.constant 256 : i32
      %dma_start3A_126 = arith.constant 0 : i32
      %dma_start3A_127 = tpu.memref_slice %arg14[%dma_start3A_125, %dma_start3A_126] : memref<1280x16xf32, #tpu.memory_space<vmem>> -> memref<128x16xf32, #tpu.memory_space<vmem>>
      %dma_start3A_128 = arith.constant 0 : i32
      %dma_start3A_129 = tpu.memref_slice %arg11[%add3A_124, %dma_start3A_128] : memref<20x128xi32, #tpu.memory_space<vmem>> -> memref<1x128xi32, #tpu.memory_space<vmem>>
      %dma_start3A_130 = tpu.memref_squeeze %dma_start3A_129 : memref<1x128xi32, #tpu.memory_space<vmem>> -> memref<128xi32, #tpu.memory_space<vmem>>
      %dma_start3A_131 = arith.constant 0 : i32
      %dma_start3A_132 = arith.constant 0 : i32
      %dma_start3A_133 = tpu.memref_slice %arg6[%dma_start3A_131, %dma_start3A_132] : memref<1115x16xf32, #tpu.memory_space<hbm>> -> memref<1115x16xf32, #tpu.memory_space<hbm>>
      tpu.enqueue_indirect_dma source(%dma_start3A_133 : memref<1115x16xf32, #tpu.memory_space<hbm>>) target(%dma_start3A_127 : memref<128x16xf32, #tpu.memory_space<vmem>>) offsets(%dma_start3A_130 : memref<128xi32, #tpu.memory_space<vmem>>) semaphore(%arg15 : memref<!tpu.dma_semaphore, #tpu.memory_space<semaphore_mem>>)
      %mul3A_134 = arith.constant 10 : i32
      %mul3A_135 = arith.muli %scan3A_94, %mul3A_134 : i32
      %add3A_136 = arith.constant 3 : i32
      %add3A_137 = arith.addi %mul3A_135, %add3A_136 : i32
      %dma_start3A_138 = arith.constant 384 : i32
      %dma_start3A_139 = arith.constant 0 : i32
      %dma_start3A_140 = tpu.memref_slice %arg14[%dma_start3A_138, %dma_start3A_139] : memref<1280x16xf32, #tpu.memory_space<vmem>> -> memref<128x16xf32, #tpu.memory_space<vmem>>
      %dma_start3A_141 = arith.constant 0 : i32
      %dma_start3A_142 = tpu.memref_slice %arg11[%add3A_137, %dma_start3A_141] : memref<20x128xi32, #tpu.memory_space<vmem>> -> memref<1x128xi32, #tpu.memory_space<vmem>>
      %dma_start3A_143 = tpu.memref_squeeze %dma_start3A_142 : memref<1x128xi32, #tpu.memory_space<vmem>> -> memref<128xi32, #tpu.memory_space<vmem>>
      %dma_start3A_144 = arith.constant 0 : i32
      %dma_start3A_145 = arith.constant 0 : i32
      %dma_start3A_146 = tpu.memref_slice %arg6[%dma_start3A_144, %dma_start3A_145] : memref<1115x16xf32, #tpu.memory_space<hbm>> -> memref<1115x16xf32, #tpu.memory_space<hbm>>
      tpu.enqueue_indirect_dma source(%dma_start3A_146 : memref<1115x16xf32, #tpu.memory_space<hbm>>) target(%dma_start3A_140 : memref<128x16xf32, #tpu.memory_space<vmem>>) offsets(%dma_start3A_143 : memref<128xi32, #tpu.memory_space<vmem>>) semaphore(%arg15 : memref<!tpu.dma_semaphore, #tpu.memory_space<semaphore_mem>>)
      %mul3A_147 = arith.constant 10 : i32
      %mul3A_148 = arith.muli %scan3A_94, %mul3A_147 : i32
      %add3A_149 = arith.constant 4 : i32
      %add3A_150 = arith.addi %mul3A_148, %add3A_149 : i32
      %dma_start3A_151 = arith.constant 512 : i32
      %dma_start3A_152 = arith.constant 0 : i32
      %dma_start3A_153 = tpu.memref_slice %arg14[%dma_start3A_151, %dma_start3A_152] : memref<1280x16xf32, #tpu.memory_space<vmem>> -> memref<128x16xf32, #tpu.memory_space<vmem>>
      %dma_start3A_154 = arith.constant 0 : i32
      %dma_start3A_155 = tpu.memref_slice %arg11[%add3A_150, %dma_start3A_154] : memref<20x128xi32, #tpu.memory_space<vmem>> -> memref<1x128xi32, #tpu.memory_space<vmem>>
      %dma_start3A_156 = tpu.memref_squeeze %dma_start3A_155 : memref<1x128xi32, #tpu.memory_space<vmem>> -> memref<128xi32, #tpu.memory_space<vmem>>
      %dma_start3A_157 = arith.constant 0 : i32
      %dma_start3A_158 = arith.constant 0 : i32
      %dma_start3A_159 = tpu.memref_slice %arg6[%dma_start3A_157, %dma_start3A_158] : memref<1115x16xf32, #tpu.memory_space<hbm>> -> memref<1115x16xf32, #tpu.memory_space<hbm>>
      tpu.enqueue_indirect_dma source(%dma_start3A_159 : memref<1115x16xf32, #tpu.memory_space<hbm>>) target(%dma_start3A_153 : memref<128x16xf32, #tpu.memory_space<vmem>>) offsets(%dma_start3A_156 : memref<128xi32, #tpu.memory_space<vmem>>) semaphore(%arg15 : memref<!tpu.dma_semaphore, #tpu.memory_space<semaphore_mem>>)
      %mul3A_160 = arith.constant 10 : i32
      %mul3A_161 = arith.muli %scan3A_94, %mul3A_160 : i32
      %add3A_162 = arith.constant 5 : i32
      %add3A_163 = arith.addi %mul3A_161, %add3A_162 : i32
      %dma_start3A_164 = arith.constant 640 : i32
      %dma_start3A_165 = arith.constant 0 : i32
      %dma_start3A_166 = tpu.memref_slice %arg14[%dma_start3A_164, %dma_start3A_165] : memref<1280x16xf32, #tpu.memory_space<vmem>> -> memref<128x16xf32, #tpu.memory_space<vmem>>
      %dma_start3A_167 = arith.constant 0 : i32
      %dma_start3A_168 = tpu.memref_slice %arg11[%add3A_163, %dma_start3A_167] : memref<20x128xi32, #tpu.memory_space<vmem>> -> memref<1x128xi32, #tpu.memory_space<vmem>>
      %dma_start3A_169 = tpu.memref_squeeze %dma_start3A_168 : memref<1x128xi32, #tpu.memory_space<vmem>> -> memref<128xi32, #tpu.memory_space<vmem>>
      %dma_start3A_170 = arith.constant 0 : i32
      %dma_start3A_171 = arith.constant 0 : i32
      %dma_start3A_172 = tpu.memref_slice %arg6[%dma_start3A_170, %dma_start3A_171] : memref<1115x16xf32, #tpu.memory_space<hbm>> -> memref<1115x16xf32, #tpu.memory_space<hbm>>
      tpu.enqueue_indirect_dma source(%dma_start3A_172 : memref<1115x16xf32, #tpu.memory_space<hbm>>) target(%dma_start3A_166 : memref<128x16xf32, #tpu.memory_space<vmem>>) offsets(%dma_start3A_169 : memref<128xi32, #tpu.memory_space<vmem>>) semaphore(%arg15 : memref<!tpu.dma_semaphore, #tpu.memory_space<semaphore_mem>>)
      %mul3A_173 = arith.constant 10 : i32
      %mul3A_174 = arith.muli %scan3A_94, %mul3A_173 : i32
      %add3A_175 = arith.constant 6 : i32
      %add3A_176 = arith.addi %mul3A_174, %add3A_175 : i32
      %dma_start3A_177 = arith.constant 768 : i32
      %dma_start3A_178 = arith.constant 0 : i32
      %dma_start3A_179 = tpu.memref_slice %arg14[%dma_start3A_177, %dma_start3A_178] : memref<1280x16xf32, #tpu.memory_space<vmem>> -> memref<128x16xf32, #tpu.memory_space<vmem>>
      %dma_start3A_180 = arith.constant 0 : i32
      %dma_start3A_181 = tpu.memref_slice %arg11[%add3A_176, %dma_start3A_180] : memref<20x128xi32, #tpu.memory_space<vmem>> -> memref<1x128xi32, #tpu.memory_space<vmem>>
      %dma_start3A_182 = tpu.memref_squeeze %dma_start3A_181 : memref<1x128xi32, #tpu.memory_space<vmem>> -> memref<128xi32, #tpu.memory_space<vmem>>
      %dma_start3A_183 = arith.constant 0 : i32
      %dma_start3A_184 = arith.constant 0 : i32
      %dma_start3A_185 = tpu.memref_slice %arg6[%dma_start3A_183, %dma_start3A_184] : memref<1115x16xf32, #tpu.memory_space<hbm>> -> memref<1115x16xf32, #tpu.memory_space<hbm>>
      tpu.enqueue_indirect_dma source(%dma_start3A_185 : memref<1115x16xf32, #tpu.memory_space<hbm>>) target(%dma_start3A_179 : memref<128x16xf32, #tpu.memory_space<vmem>>) offsets(%dma_start3A_182 : memref<128xi32, #tpu.memory_space<vmem>>) semaphore(%arg15 : memref<!tpu.dma_semaphore, #tpu.memory_space<semaphore_mem>>)
      %mul3A_186 = arith.constant 10 : i32
      %mul3A_187 = arith.muli %scan3A_94, %mul3A_186 : i32
      %add3A_188 = arith.constant 7 : i32
      %add3A_189 = arith.addi %mul3A_187, %add3A_188 : i32
      %dma_start3A_190 = arith.constant 896 : i32
      %dma_start3A_191 = arith.constant 0 : i32
      %dma_start3A_192 = tpu.memref_slice %arg14[%dma_start3A_190, %dma_start3A_191] : memref<1280x16xf32, #tpu.memory_space<vmem>> -> memref<128x16xf32, #tpu.memory_space<vmem>>
      %dma_start3A_193 = arith.constant 0 : i32
      %dma_start3A_194 = tpu.memref_slice %arg11[%add3A_189, %dma_start3A_193] : memref<20x128xi32, #tpu.memory_space<vmem>> -> memref<1x128xi32, #tpu.memory_space<vmem>>
      %dma_start3A_195 = tpu.memref_squeeze %dma_start3A_194 : memref<1x128xi32, #tpu.memory_space<vmem>> -> memref<128xi32, #tpu.memory_space<vmem>>
      %dma_start3A_196 = arith.constant 0 : i32
      %dma_start3A_197 = arith.constant 0 : i32
      %dma_start3A_198 = tpu.memref_slice %arg6[%dma_start3A_196, %dma_start3A_197] : memref<1115x16xf32, #tpu.memory_space<hbm>> -> memref<1115x16xf32, #tpu.memory_space<hbm>>
      tpu.enqueue_indirect_dma source(%dma_start3A_198 : memref<1115x16xf32, #tpu.memory_space<hbm>>) target(%dma_start3A_192 : memref<128x16xf32, #tpu.memory_space<vmem>>) offsets(%dma_start3A_195 : memref<128xi32, #tpu.memory_space<vmem>>) semaphore(%arg15 : memref<!tpu.dma_semaphore, #tpu.memory_space<semaphore_mem>>)
      %mul3A_199 = arith.constant 10 : i32
      %mul3A_200 = arith.muli %scan3A_94, %mul3A_199 : i32
      %add3A_201 = arith.constant 8 : i32
      %add3A_202 = arith.addi %mul3A_200, %add3A_201 : i32
      %dma_start3A_203 = arith.constant 1024 : i32
      %dma_start3A_204 = arith.constant 0 : i32
      %dma_start3A_205 = tpu.memref_slice %arg14[%dma_start3A_203, %dma_start3A_204] : memref<1280x16xf32, #tpu.memory_space<vmem>> -> memref<128x16xf32, #tpu.memory_space<vmem>>
      %dma_start3A_206 = arith.constant 0 : i32
      %dma_start3A_207 = tpu.memref_slice %arg11[%add3A_202, %dma_start3A_206] : memref<20x128xi32, #tpu.memory_space<vmem>> -> memref<1x128xi32, #tpu.memory_space<vmem>>
      %dma_start3A_208 = tpu.memref_squeeze %dma_start3A_207 : memref<1x128xi32, #tpu.memory_space<vmem>> -> memref<128xi32, #tpu.memory_space<vmem>>
      %dma_start3A_209 = arith.constant 0 : i32
      %dma_start3A_210 = arith.constant 0 : i32
      %dma_start3A_211 = tpu.memref_slice %arg6[%dma_start3A_209, %dma_start3A_210] : memref<1115x16xf32, #tpu.memory_space<hbm>> -> memref<1115x16xf32, #tpu.memory_space<hbm>>
      tpu.enqueue_indirect_dma source(%dma_start3A_211 : memref<1115x16xf32, #tpu.memory_space<hbm>>) target(%dma_start3A_205 : memref<128x16xf32, #tpu.memory_space<vmem>>) offsets(%dma_start3A_208 : memref<128xi32, #tpu.memory_space<vmem>>) semaphore(%arg15 : memref<!tpu.dma_semaphore, #tpu.memory_space<semaphore_mem>>)
      %mul3A_212 = arith.constant 10 : i32
      %mul3A_213 = arith.muli %scan3A_94, %mul3A_212 : i32
      %add3A_214 = arith.constant 9 : i32
      %add3A_215 = arith.addi %mul3A_213, %add3A_214 : i32
      %dma_start3A_216 = arith.constant 1152 : i32
      %dma_start3A_217 = arith.constant 0 : i32
      %dma_start3A_218 = tpu.memref_slice %arg14[%dma_start3A_216, %dma_start3A_217] : memref<1280x16xf32, #tpu.memory_space<vmem>> -> memref<128x16xf32, #tpu.memory_space<vmem>>
      %dma_start3A_219 = arith.constant 0 : i32
      %dma_start3A_220 = tpu.memref_slice %arg11[%add3A_215, %dma_start3A_219] : memref<20x128xi32, #tpu.memory_space<vmem>> -> memref<1x128xi32, #tpu.memory_space<vmem>>
      %dma_start3A_221 = tpu.memref_squeeze %dma_start3A_220 : memref<1x128xi32, #tpu.memory_space<vmem>> -> memref<128xi32, #tpu.memory_space<vmem>>
      %dma_start3A_222 = arith.constant 0 : i32
      %dma_start3A_223 = arith.constant 0 : i32
      %dma_start3A_224 = tpu.memref_slice %arg6[%dma_start3A_222, %dma_start3A_223] : memref<1115x16xf32, #tpu.memory_space<hbm>> -> memref<1115x16xf32, #tpu.memory_space<hbm>>
      tpu.enqueue_indirect_dma source(%dma_start3A_224 : memref<1115x16xf32, #tpu.memory_space<hbm>>) target(%dma_start3A_218 : memref<128x16xf32, #tpu.memory_space<vmem>>) offsets(%dma_start3A_221 : memref<128xi32, #tpu.memory_space<vmem>>) semaphore(%arg15 : memref<!tpu.dma_semaphore, #tpu.memory_space<semaphore_mem>>)
      %dma_wait3A_225 = arith.constant 0 : i32
      %dma_wait3A_226 = arith.constant 0 : i32
      %dma_wait3A_227 = tpu.memref_slice %arg14[%dma_wait3A_225, %dma_wait3A_226] : memref<1280x16xf32, #tpu.memory_space<vmem>> -> memref<128x16xf32, #tpu.memory_space<vmem>>
      %dma_wait3A_228 = arith.constant 0 : i32
      %dma_wait3A_229 = tpu.memref_slice %arg11[%add3A_98, %dma_wait3A_228] : memref<20x128xi32, #tpu.memory_space<vmem>> -> memref<1x128xi32, #tpu.memory_space<vmem>>
      %dma_wait3A_230 = tpu.memref_squeeze %dma_wait3A_229 : memref<1x128xi32, #tpu.memory_space<vmem>> -> memref<128xi32, #tpu.memory_space<vmem>>
      %dma_wait3A_231 = arith.constant 0 : i32
      %dma_wait3A_232 = arith.constant 0 : i32
      %dma_wait3A_233 = tpu.memref_slice %arg6[%dma_wait3A_231, %dma_wait3A_232] : memref<1115x16xf32, #tpu.memory_space<hbm>> -> memref<1115x16xf32, #tpu.memory_space<hbm>>
      tpu.wait_indirect_dma semaphore(%arg15 : memref<!tpu.dma_semaphore, #tpu.memory_space<semaphore_mem>>) src(%dma_wait3A_233 : memref<1115x16xf32, #tpu.memory_space<hbm>>) dst(%dma_wait3A_227 : memref<128x16xf32, #tpu.memory_space<vmem>>)
      %dma_wait3A_234 = arith.constant 128 : i32
      %dma_wait3A_235 = arith.constant 0 : i32
      %dma_wait3A_236 = tpu.memref_slice %arg14[%dma_wait3A_234, %dma_wait3A_235] : memref<1280x16xf32, #tpu.memory_space<vmem>> -> memref<128x16xf32, #tpu.memory_space<vmem>>
      %dma_wait3A_237 = arith.constant 0 : i32
      %dma_wait3A_238 = tpu.memref_slice %arg11[%add3A_111, %dma_wait3A_237] : memref<20x128xi32, #tpu.memory_space<vmem>> -> memref<1x128xi32, #tpu.memory_space<vmem>>
      %dma_wait3A_239 = tpu.memref_squeeze %dma_wait3A_238 : memref<1x128xi32, #tpu.memory_space<vmem>> -> memref<128xi32, #tpu.memory_space<vmem>>
      %dma_wait3A_240 = arith.constant 0 : i32
      %dma_wait3A_241 = arith.constant 0 : i32
      %dma_wait3A_242 = tpu.memref_slice %arg6[%dma_wait3A_240, %dma_wait3A_241] : memref<1115x16xf32, #tpu.memory_space<hbm>> -> memref<1115x16xf32, #tpu.memory_space<hbm>>
      tpu.wait_indirect_dma semaphore(%arg15 : memref<!tpu.dma_semaphore, #tpu.memory_space<semaphore_mem>>) src(%dma_wait3A_242 : memref<1115x16xf32, #tpu.memory_space<hbm>>) dst(%dma_wait3A_236 : memref<128x16xf32, #tpu.memory_space<vmem>>)
      %dma_wait3A_243 = arith.constant 256 : i32
      %dma_wait3A_244 = arith.constant 0 : i32
      %dma_wait3A_245 = tpu.memref_slice %arg14[%dma_wait3A_243, %dma_wait3A_244] : memref<1280x16xf32, #tpu.memory_space<vmem>> -> memref<128x16xf32, #tpu.memory_space<vmem>>
      %dma_wait3A_246 = arith.constant 0 : i32
      %dma_wait3A_247 = tpu.memref_slice %arg11[%add3A_124, %dma_wait3A_246] : memref<20x128xi32, #tpu.memory_space<vmem>> -> memref<1x128xi32, #tpu.memory_space<vmem>>
      %dma_wait3A_248 = tpu.memref_squeeze %dma_wait3A_247 : memref<1x128xi32, #tpu.memory_space<vmem>> -> memref<128xi32, #tpu.memory_space<vmem>>
      %dma_wait3A_249 = arith.constant 0 : i32
      %dma_wait3A_250 = arith.constant 0 : i32
      %dma_wait3A_251 = tpu.memref_slice %arg6[%dma_wait3A_249, %dma_wait3A_250] : memref<1115x16xf32, #tpu.memory_space<hbm>> -> memref<1115x16xf32, #tpu.memory_space<hbm>>
      tpu.wait_indirect_dma semaphore(%arg15 : memref<!tpu.dma_semaphore, #tpu.memory_space<semaphore_mem>>) src(%dma_wait3A_251 : memref<1115x16xf32, #tpu.memory_space<hbm>>) dst(%dma_wait3A_245 : memref<128x16xf32, #tpu.memory_space<vmem>>)
      %dma_wait3A_252 = arith.constant 384 : i32
      %dma_wait3A_253 = arith.constant 0 : i32
      %dma_wait3A_254 = tpu.memref_slice %arg14[%dma_wait3A_252, %dma_wait3A_253] : memref<1280x16xf32, #tpu.memory_space<vmem>> -> memref<128x16xf32, #tpu.memory_space<vmem>>
      %dma_wait3A_255 = arith.constant 0 : i32
      %dma_wait3A_256 = tpu.memref_slice %arg11[%add3A_137, %dma_wait3A_255] : memref<20x128xi32, #tpu.memory_space<vmem>> -> memref<1x128xi32, #tpu.memory_space<vmem>>
      %dma_wait3A_257 = tpu.memref_squeeze %dma_wait3A_256 : memref<1x128xi32, #tpu.memory_space<vmem>> -> memref<128xi32, #tpu.memory_space<vmem>>
      %dma_wait3A_258 = arith.constant 0 : i32
      %dma_wait3A_259 = arith.constant 0 : i32
      %dma_wait3A_260 = tpu.memref_slice %arg6[%dma_wait3A_258, %dma_wait3A_259] : memref<1115x16xf32, #tpu.memory_space<hbm>> -> memref<1115x16xf32, #tpu.memory_space<hbm>>
      tpu.wait_indirect_dma semaphore(%arg15 : memref<!tpu.dma_semaphore, #tpu.memory_space<semaphore_mem>>) src(%dma_wait3A_260 : memref<1115x16xf32, #tpu.memory_space<hbm>>) dst(%dma_wait3A_254 : memref<128x16xf32, #tpu.memory_space<vmem>>)
      %dma_wait3A_261 = arith.constant 512 : i32
      %dma_wait3A_262 = arith.constant 0 : i32
      %dma_wait3A_263 = tpu.memref_slice %arg14[%dma_wait3A_261, %dma_wait3A_262] : memref<1280x16xf32, #tpu.memory_space<vmem>> -> memref<128x16xf32, #tpu.memory_space<vmem>>
      %dma_wait3A_264 = arith.constant 0 : i32
      %dma_wait3A_265 = tpu.memref_slice %arg11[%add3A_150, %dma_wait3A_264] : memref<20x128xi32, #tpu.memory_space<vmem>> -> memref<1x128xi32, #tpu.memory_space<vmem>>
      %dma_wait3A_266 = tpu.memref_squeeze %dma_wait3A_265 : memref<1x128xi32, #tpu.memory_space<vmem>> -> memref<128xi32, #tpu.memory_space<vmem>>
      %dma_wait3A_267 = arith.constant 0 : i32
      %dma_wait3A_268 = arith.constant 0 : i32
      %dma_wait3A_269 = tpu.memref_slice %arg6[%dma_wait3A_267, %dma_wait3A_268] : memref<1115x16xf32, #tpu.memory_space<hbm>> -> memref<1115x16xf32, #tpu.memory_space<hbm>>
      tpu.wait_indirect_dma semaphore(%arg15 : memref<!tpu.dma_semaphore, #tpu.memory_space<semaphore_mem>>) src(%dma_wait3A_269 : memref<1115x16xf32, #tpu.memory_space<hbm>>) dst(%dma_wait3A_263 : memref<128x16xf32, #tpu.memory_space<vmem>>)
      %dma_wait3A_270 = arith.constant 640 : i32
      %dma_wait3A_271 = arith.constant 0 : i32
      %dma_wait3A_272 = tpu.memref_slice %arg14[%dma_wait3A_270, %dma_wait3A_271] : memref<1280x16xf32, #tpu.memory_space<vmem>> -> memref<128x16xf32, #tpu.memory_space<vmem>>
      %dma_wait3A_273 = arith.constant 0 : i32
      %dma_wait3A_274 = tpu.memref_slice %arg11[%add3A_163, %dma_wait3A_273] : memref<20x128xi32, #tpu.memory_space<vmem>> -> memref<1x128xi32, #tpu.memory_space<vmem>>
      %dma_wait3A_275 = tpu.memref_squeeze %dma_wait3A_274 : memref<1x128xi32, #tpu.memory_space<vmem>> -> memref<128xi32, #tpu.memory_space<vmem>>
      %dma_wait3A_276 = arith.constant 0 : i32
      %dma_wait3A_277 = arith.constant 0 : i32
      %dma_wait3A_278 = tpu.memref_slice %arg6[%dma_wait3A_276, %dma_wait3A_277] : memref<1115x16xf32, #tpu.memory_space<hbm>> -> memref<1115x16xf32, #tpu.memory_space<hbm>>
      tpu.wait_indirect_dma semaphore(%arg15 : memref<!tpu.dma_semaphore, #tpu.memory_space<semaphore_mem>>) src(%dma_wait3A_278 : memref<1115x16xf32, #tpu.memory_space<hbm>>) dst(%dma_wait3A_272 : memref<128x16xf32, #tpu.memory_space<vmem>>)
      %dma_wait3A_279 = arith.constant 768 : i32
      %dma_wait3A_280 = arith.constant 0 : i32
      %dma_wait3A_281 = tpu.memref_slice %arg14[%dma_wait3A_279, %dma_wait3A_280] : memref<1280x16xf32, #tpu.memory_space<vmem>> -> memref<128x16xf32, #tpu.memory_space<vmem>>
      %dma_wait3A_282 = arith.constant 0 : i32
      %dma_wait3A_283 = tpu.memref_slice %arg11[%add3A_176, %dma_wait3A_282] : memref<20x128xi32, #tpu.memory_space<vmem>> -> memref<1x128xi32, #tpu.memory_space<vmem>>
      %dma_wait3A_284 = tpu.memref_squeeze %dma_wait3A_283 : memref<1x128xi32, #tpu.memory_space<vmem>> -> memref<128xi32, #tpu.memory_space<vmem>>
      %dma_wait3A_285 = arith.constant 0 : i32
      %dma_wait3A_286 = arith.constant 0 : i32
      %dma_wait3A_287 = tpu.memref_slice %arg6[%dma_wait3A_285, %dma_wait3A_286] : memref<1115x16xf32, #tpu.memory_space<hbm>> -> memref<1115x16xf32, #tpu.memory_space<hbm>>
      tpu.wait_indirect_dma semaphore(%arg15 : memref<!tpu.dma_semaphore, #tpu.memory_space<semaphore_mem>>) src(%dma_wait3A_287 : memref<1115x16xf32, #tpu.memory_space<hbm>>) dst(%dma_wait3A_281 : memref<128x16xf32, #tpu.memory_space<vmem>>)
      %dma_wait3A_288 = arith.constant 896 : i32
      %dma_wait3A_289 = arith.constant 0 : i32
      %dma_wait3A_290 = tpu.memref_slice %arg14[%dma_wait3A_288, %dma_wait3A_289] : memref<1280x16xf32, #tpu.memory_space<vmem>> -> memref<128x16xf32, #tpu.memory_space<vmem>>
      %dma_wait3A_291 = arith.constant 0 : i32
      %dma_wait3A_292 = tpu.memref_slice %arg11[%add3A_189, %dma_wait3A_291] : memref<20x128xi32, #tpu.memory_space<vmem>> -> memref<1x128xi32, #tpu.memory_space<vmem>>
      %dma_wait3A_293 = tpu.memref_squeeze %dma_wait3A_292 : memref<1x128xi32, #tpu.memory_space<vmem>> -> memref<128xi32, #tpu.memory_space<vmem>>
      %dma_wait3A_294 = arith.constant 0 : i32
      %dma_wait3A_295 = arith.constant 0 : i32
      %dma_wait3A_296 = tpu.memref_slice %arg6[%dma_wait3A_294, %dma_wait3A_295] : memref<1115x16xf32, #tpu.memory_space<hbm>> -> memref<1115x16xf32, #tpu.memory_space<hbm>>
      tpu.wait_indirect_dma semaphore(%arg15 : memref<!tpu.dma_semaphore, #tpu.memory_space<semaphore_mem>>) src(%dma_wait3A_296 : memref<1115x16xf32, #tpu.memory_space<hbm>>) dst(%dma_wait3A_290 : memref<128x16xf32, #tpu.memory_space<vmem>>)
      %dma_wait3A_297 = arith.constant 1024 : i32
      %dma_wait3A_298 = arith.constant 0 : i32
      %dma_wait3A_299 = tpu.memref_slice %arg14[%dma_wait3A_297, %dma_wait3A_298] : memref<1280x16xf32, #tpu.memory_space<vmem>> -> memref<128x16xf32, #tpu.memory_space<vmem>>
      %dma_wait3A_300 = arith.constant 0 : i32
      %dma_wait3A_301 = tpu.memref_slice %arg11[%add3A_202, %dma_wait3A_300] : memref<20x128xi32, #tpu.memory_space<vmem>> -> memref<1x128xi32, #tpu.memory_space<vmem>>
      %dma_wait3A_302 = tpu.memref_squeeze %dma_wait3A_301 : memref<1x128xi32, #tpu.memory_space<vmem>> -> memref<128xi32, #tpu.memory_space<vmem>>
      %dma_wait3A_303 = arith.constant 0 : i32
      %dma_wait3A_304 = arith.constant 0 : i32
      %dma_wait3A_305 = tpu.memref_slice %arg6[%dma_wait3A_303, %dma_wait3A_304] : memref<1115x16xf32, #tpu.memory_space<hbm>> -> memref<1115x16xf32, #tpu.memory_space<hbm>>
      tpu.wait_indirect_dma semaphore(%arg15 : memref<!tpu.dma_semaphore, #tpu.memory_space<semaphore_mem>>) src(%dma_wait3A_305 : memref<1115x16xf32, #tpu.memory_space<hbm>>) dst(%dma_wait3A_299 : memref<128x16xf32, #tpu.memory_space<vmem>>)
      %dma_wait3A_306 = arith.constant 1152 : i32
      %dma_wait3A_307 = arith.constant 0 : i32
      %dma_wait3A_308 = tpu.memref_slice %arg14[%dma_wait3A_306, %dma_wait3A_307] : memref<1280x16xf32, #tpu.memory_space<vmem>> -> memref<128x16xf32, #tpu.memory_space<vmem>>
      %dma_wait3A_309 = arith.constant 0 : i32
      %dma_wait3A_310 = tpu.memref_slice %arg11[%add3A_215, %dma_wait3A_309] : memref<20x128xi32, #tpu.memory_space<vmem>> -> memref<1x128xi32, #tpu.memory_space<vmem>>
      %dma_wait3A_311 = tpu.memref_squeeze %dma_wait3A_310 : memref<1x128xi32, #tpu.memory_space<vmem>> -> memref<128xi32, #tpu.memory_space<vmem>>
      %dma_wait3A_312 = arith.constant 0 : i32
      %dma_wait3A_313 = arith.constant 0 : i32
      %dma_wait3A_314 = tpu.memref_slice %arg6[%dma_wait3A_312, %dma_wait3A_313] : memref<1115x16xf32, #tpu.memory_space<hbm>> -> memref<1115x16xf32, #tpu.memory_space<hbm>>
      tpu.wait_indirect_dma semaphore(%arg15 : memref<!tpu.dma_semaphore, #tpu.memory_space<semaphore_mem>>) src(%dma_wait3A_314 : memref<1115x16xf32, #tpu.memory_space<hbm>>) dst(%dma_wait3A_308 : memref<128x16xf32, #tpu.memory_space<vmem>>)
      %mul3A_315 = arith.constant 20 : i32
      %mul3A_316 = arith.muli %add3A, %mul3A_315 : i32
      %mul3A_317 = arith.constant 128 : i32
      %mul3A_318 = arith.muli %mul3A_316, %mul3A_317 : i32
      %mul3A_319 = arith.constant 10 : i32
      %mul3A_320 = arith.muli %scan3A_94, %mul3A_319 : i32
      %mul3A_321 = arith.constant 128 : i32
      %mul3A_322 = arith.muli %mul3A_320, %mul3A_321 : i32
      %add3A_323 = arith.addi %mul3A_318, %mul3A_322 : i32
      "tpu.region"() ({
        %run_scoped3A = tpu.sem_alloc : memref<!tpu.dma_semaphore, #tpu.memory_space<semaphore_mem>>
        %dma_start3A_324 = arith.constant 0 : i32
        %dma_start3A_325 = tpu.memref_slice %arg9[%add3A_323, %dma_start3A_324] : memref<81920x16xf32, #tpu.memory_space<hbm>> -> memref<1280x16xf32, #tpu.memory_space<hbm>>
        %dma_start3A_326 = arith.constant 0 : i32
        %dma_start3A_327 = tpu.memref_slice %arg9[%add3A_323, %dma_start3A_326] : memref<81920x16xf32, #tpu.memory_space<hbm>> -> memref<1280x16xf32, #tpu.memory_space<hbm>>
        tpu.enqueue_dma source(%arg14 : memref<1280x16xf32, #tpu.memory_space<vmem>>) target(%dma_start3A_327 : memref<1280x16xf32, #tpu.memory_space<hbm>>) target_semaphore(%run_scoped3A : memref<!tpu.dma_semaphore, #tpu.memory_space<semaphore_mem>>)
        %dma_wait3A_328 = arith.constant 0 : i32
        %dma_wait3A_329 = tpu.memref_slice %arg9[%add3A_323, %dma_wait3A_328] : memref<81920x16xf32, #tpu.memory_space<hbm>> -> memref<1280x16xf32, #tpu.memory_space<hbm>>
        %dma_wait3A_330 = arith.constant 0 : i32
        %dma_wait3A_331 = tpu.memref_slice %arg9[%add3A_323, %dma_wait3A_330] : memref<81920x16xf32, #tpu.memory_space<hbm>> -> memref<1280x16xf32, #tpu.memory_space<hbm>>
        tpu.wait_dma2 semaphore(%run_scoped3A : memref<!tpu.dma_semaphore, #tpu.memory_space<semaphore_mem>>) src(%arg14 : memref<1280x16xf32, #tpu.memory_space<vmem>>) dst(%dma_wait3A_331 : memref<1280x16xf32, #tpu.memory_space<hbm>>)
        tpu.yield
      }) : () -> ()
    }
    %scan3A_87 = arith.constant 2 : i32
    %scan3A_88 = arith.constant 0 : i32
    %scan3A_89 = arith.constant 0 : i32
    %scan3A_90 = arith.constant 10 : i32
    %scan3A_91 = arith.addi %scan3A_89, %scan3A_90 : i32
    %scan3A_92 = arith.constant 1 : i32
    scf.for %scan3A_94 = %scan3A_89 to %scan3A_91 step %scan3A_92  : i32 {
      %mul3A_95 = arith.constant 16 : i32
      %mul3A_96 = arith.muli %scan3A_94, %mul3A_95 : i32
      "tpu.region"() ({
        %run_scoped3A = tpu.sem_alloc : memref<!tpu.dma_semaphore, #tpu.memory_space<semaphore_mem>>
        %dma_start3A_426 = arith.constant 0 : i32
        %dma_start3A_427 = arith.constant 0 : i32
        %dma_start3A_428 = tpu.memref_slice %arg11[%dma_start3A_426, %dma_start3A_427] : memref<20x128xi32, #tpu.memory_space<vmem>> -> memref<16x128xi32, #tpu.memory_space<vmem>>
        %dma_start3A_429 = arith.constant 0 : i32
        %dma_start3A_430 = tpu.memref_slice %arg4[%add3A, %mul3A_96, %dma_start3A_429] : memref<32x160x128xi32, #tpu.memory_space<hbm>> -> memref<1x16x128xi32, #tpu.memory_space<hbm>>
        %dma_start3A_431 = tpu.memref_squeeze %dma_start3A_430 : memref<1x16x128xi32, #tpu.memory_space<hbm>> -> memref<16x128xi32, #tpu.memory_space<hbm>>
        %dma_start3A_432 = arith.constant 0 : i32
        %dma_start3A_433 = arith.constant 0 : i32
        %dma_start3A_434 = tpu.memref_slice %arg11[%dma_start3A_432, %dma_start3A_433] : memref<20x128xi32, #tpu.memory_space<vmem>> -> memref<16x128xi32, #tpu.memory_space<vmem>>
        %dma_start3A_435 = arith.constant 0 : i32
        %dma_start3A_436 = tpu.memref_slice %arg4[%add3A, %mul3A_96, %dma_start3A_435] : memref<32x160x128xi32, #tpu.memory_space<hbm>> -> memref<1x16x128xi32, #tpu.memory_space<hbm>>
        %dma_start3A_437 = tpu.memref_squeeze %dma_start3A_436 : memref<1x16x128xi32, #tpu.memory_space<hbm>> -> memref<16x128xi32, #tpu.memory_space<hbm>>
        tpu.enqueue_dma source(%dma_start3A_437 : memref<16x128xi32, #tpu.memory_space<hbm>>) target(%dma_start3A_434 : memref<16x128xi32, #tpu.memory_space<vmem>>) target_semaphore(%run_scoped3A : memref<!tpu.dma_semaphore, #tpu.memory_space<semaphore_mem>>)
        %dma_wait3A_438 = arith.constant 0 : i32
        %dma_wait3A_439 = arith.constant 0 : i32
        %dma_wait3A_440 = tpu.memref_slice %arg11[%dma_wait3A_438, %dma_wait3A_439] : memref<20x128xi32, #tpu.memory_space<vmem>> -> memref<16x128xi32, #tpu.memory_space<vmem>>
        %dma_wait3A_441 = arith.constant 0 : i32
        %dma_wait3A_442 = tpu.memref_slice %arg4[%add3A, %mul3A_96, %dma_wait3A_441] : memref<32x160x128xi32, #tpu.memory_space<hbm>> -> memref<1x16x128xi32, #tpu.memory_space<hbm>>
        %dma_wait3A_443 = tpu.memref_squeeze %dma_wait3A_442 : memref<1x16x128xi32, #tpu.memory_space<hbm>> -> memref<16x128xi32, #tpu.memory_space<hbm>>
        %dma_wait3A_444 = arith.constant 0 : i32
        %dma_wait3A_445 = arith.constant 0 : i32
        %dma_wait3A_446 = tpu.memref_slice %arg11[%dma_wait3A_444, %dma_wait3A_445] : memref<20x128xi32, #tpu.memory_space<vmem>> -> memref<16x128xi32, #tpu.memory_space<vmem>>
        %dma_wait3A_447 = arith.constant 0 : i32
        %dma_wait3A_448 = tpu.memref_slice %arg4[%add3A, %mul3A_96, %dma_wait3A_447] : memref<32x160x128xi32, #tpu.memory_space<hbm>> -> memref<1x16x128xi32, #tpu.memory_space<hbm>>
        %dma_wait3A_449 = tpu.memref_squeeze %dma_wait3A_448 : memref<1x16x128xi32, #tpu.memory_space<hbm>> -> memref<16x128xi32, #tpu.memory_space<hbm>>
        tpu.wait_dma2 semaphore(%run_scoped3A : memref<!tpu.dma_semaphore, #tpu.memory_space<semaphore_mem>>) src(%dma_wait3A_449 : memref<16x128xi32, #tpu.memory_space<hbm>>) dst(%dma_wait3A_446 : memref<16x128xi32, #tpu.memory_space<vmem>>)
        tpu.yield
      }) : () -> ()
      %dma_start3A_97 = arith.constant 0 : i32
      %dma_start3A_98 = arith.constant 0 : i32
      %dma_start3A_99 = arith.constant 0 : i32
      %dma_start3A_100 = tpu.memref_slice %arg12[%dma_start3A_98, %dma_start3A_99] : memref<2048x32xbf16, #tpu.memory_space<vmem>> -> memref<128x32xbf16, #tpu.memory_space<vmem>>
      %dma_start3A_101 = arith.constant 0 : i32
      %dma_start3A_102 = tpu.memref_slice %arg11[%dma_start3A_97, %dma_start3A_101] : memref<20x128xi32, #tpu.memory_space<vmem>> -> memref<1x128xi32, #tpu.memory_space<vmem>>
      %dma_start3A_103 = tpu.memref_squeeze %dma_start3A_102 : memref<1x128xi32, #tpu.memory_space<vmem>> -> memref<128xi32, #tpu.memory_space<vmem>>
      %dma_start3A_104 = arith.constant 0 : i32
      %dma_start3A_105 = arith.constant 0 : i32
      %dma_start3A_106 = tpu.memref_slice %arg7[%dma_start3A_104, %dma_start3A_105] : memref<100000x32xbf16, #tpu.memory_space<hbm>> -> memref<100000x32xbf16, #tpu.memory_space<hbm>>
      tpu.enqueue_indirect_dma source(%dma_start3A_106 : memref<100000x32xbf16, #tpu.memory_space<hbm>>) target(%dma_start3A_100 : memref<128x32xbf16, #tpu.memory_space<vmem>>) offsets(%dma_start3A_103 : memref<128xi32, #tpu.memory_space<vmem>>) semaphore(%arg15 : memref<!tpu.dma_semaphore, #tpu.memory_space<semaphore_mem>>)
      %dma_start3A_107 = arith.constant 1 : i32
      %dma_start3A_108 = arith.constant 128 : i32
      %dma_start3A_109 = arith.constant 0 : i32
      %dma_start3A_110 = tpu.memref_slice %arg12[%dma_start3A_108, %dma_start3A_109] : memref<2048x32xbf16, #tpu.memory_space<vmem>> -> memref<128x32xbf16, #tpu.memory_space<vmem>>
      %dma_start3A_111 = arith.constant 0 : i32
      %dma_start3A_112 = tpu.memref_slice %arg11[%dma_start3A_107, %dma_start3A_111] : memref<20x128xi32, #tpu.memory_space<vmem>> -> memref<1x128xi32, #tpu.memory_space<vmem>>
      %dma_start3A_113 = tpu.memref_squeeze %dma_start3A_112 : memref<1x128xi32, #tpu.memory_space<vmem>> -> memref<128xi32, #tpu.memory_space<vmem>>
      %dma_start3A_114 = arith.constant 0 : i32
      %dma_start3A_115 = arith.constant 0 : i32
      %dma_start3A_116 = tpu.memref_slice %arg7[%dma_start3A_114, %dma_start3A_115] : memref<100000x32xbf16, #tpu.memory_space<hbm>> -> memref<100000x32xbf16, #tpu.memory_space<hbm>>
      tpu.enqueue_indirect_dma source(%dma_start3A_116 : memref<100000x32xbf16, #tpu.memory_space<hbm>>) target(%dma_start3A_110 : memref<128x32xbf16, #tpu.memory_space<vmem>>) offsets(%dma_start3A_113 : memref<128xi32, #tpu.memory_space<vmem>>) semaphore(%arg15 : memref<!tpu.dma_semaphore, #tpu.memory_space<semaphore_mem>>)
      %dma_start3A_117 = arith.constant 2 : i32
      %dma_start3A_118 = arith.constant 256 : i32
      %dma_start3A_119 = arith.constant 0 : i32
      %dma_start3A_120 = tpu.memref_slice %arg12[%dma_start3A_118, %dma_start3A_119] : memref<2048x32xbf16, #tpu.memory_space<vmem>> -> memref<128x32xbf16, #tpu.memory_space<vmem>>
      %dma_start3A_121 = arith.constant 0 : i32
      %dma_start3A_122 = tpu.memref_slice %arg11[%dma_start3A_117, %dma_start3A_121] : memref<20x128xi32, #tpu.memory_space<vmem>> -> memref<1x128xi32, #tpu.memory_space<vmem>>
      %dma_start3A_123 = tpu.memref_squeeze %dma_start3A_122 : memref<1x128xi32, #tpu.memory_space<vmem>> -> memref<128xi32, #tpu.memory_space<vmem>>
      %dma_start3A_124 = arith.constant 0 : i32
      %dma_start3A_125 = arith.constant 0 : i32
      %dma_start3A_126 = tpu.memref_slice %arg7[%dma_start3A_124, %dma_start3A_125] : memref<100000x32xbf16, #tpu.memory_space<hbm>> -> memref<100000x32xbf16, #tpu.memory_space<hbm>>
      tpu.enqueue_indirect_dma source(%dma_start3A_126 : memref<100000x32xbf16, #tpu.memory_space<hbm>>) target(%dma_start3A_120 : memref<128x32xbf16, #tpu.memory_space<vmem>>) offsets(%dma_start3A_123 : memref<128xi32, #tpu.memory_space<vmem>>) semaphore(%arg15 : memref<!tpu.dma_semaphore, #tpu.memory_space<semaphore_mem>>)
      %dma_start3A_127 = arith.constant 3 : i32
      %dma_start3A_128 = arith.constant 384 : i32
      %dma_start3A_129 = arith.constant 0 : i32
      %dma_start3A_130 = tpu.memref_slice %arg12[%dma_start3A_128, %dma_start3A_129] : memref<2048x32xbf16, #tpu.memory_space<vmem>> -> memref<128x32xbf16, #tpu.memory_space<vmem>>
      %dma_start3A_131 = arith.constant 0 : i32
      %dma_start3A_132 = tpu.memref_slice %arg11[%dma_start3A_127, %dma_start3A_131] : memref<20x128xi32, #tpu.memory_space<vmem>> -> memref<1x128xi32, #tpu.memory_space<vmem>>
      %dma_start3A_133 = tpu.memref_squeeze %dma_start3A_132 : memref<1x128xi32, #tpu.memory_space<vmem>> -> memref<128xi32, #tpu.memory_space<vmem>>
      %dma_start3A_134 = arith.constant 0 : i32
      %dma_start3A_135 = arith.constant 0 : i32
      %dma_start3A_136 = tpu.memref_slice %arg7[%dma_start3A_134, %dma_start3A_135] : memref<100000x32xbf16, #tpu.memory_space<hbm>> -> memref<100000x32xbf16, #tpu.memory_space<hbm>>
      tpu.enqueue_indirect_dma source(%dma_start3A_136 : memref<100000x32xbf16, #tpu.memory_space<hbm>>) target(%dma_start3A_130 : memref<128x32xbf16, #tpu.memory_space<vmem>>) offsets(%dma_start3A_133 : memref<128xi32, #tpu.memory_space<vmem>>) semaphore(%arg15 : memref<!tpu.dma_semaphore, #tpu.memory_space<semaphore_mem>>)
      %dma_start3A_137 = arith.constant 4 : i32
      %dma_start3A_138 = arith.constant 512 : i32
      %dma_start3A_139 = arith.constant 0 : i32
      %dma_start3A_140 = tpu.memref_slice %arg12[%dma_start3A_138, %dma_start3A_139] : memref<2048x32xbf16, #tpu.memory_space<vmem>> -> memref<128x32xbf16, #tpu.memory_space<vmem>>
      %dma_start3A_141 = arith.constant 0 : i32
      %dma_start3A_142 = tpu.memref_slice %arg11[%dma_start3A_137, %dma_start3A_141] : memref<20x128xi32, #tpu.memory_space<vmem>> -> memref<1x128xi32, #tpu.memory_space<vmem>>
      %dma_start3A_143 = tpu.memref_squeeze %dma_start3A_142 : memref<1x128xi32, #tpu.memory_space<vmem>> -> memref<128xi32, #tpu.memory_space<vmem>>
      %dma_start3A_144 = arith.constant 0 : i32
      %dma_start3A_145 = arith.constant 0 : i32
      %dma_start3A_146 = tpu.memref_slice %arg7[%dma_start3A_144, %dma_start3A_145] : memref<100000x32xbf16, #tpu.memory_space<hbm>> -> memref<100000x32xbf16, #tpu.memory_space<hbm>>
      tpu.enqueue_indirect_dma source(%dma_start3A_146 : memref<100000x32xbf16, #tpu.memory_space<hbm>>) target(%dma_start3A_140 : memref<128x32xbf16, #tpu.memory_space<vmem>>) offsets(%dma_start3A_143 : memref<128xi32, #tpu.memory_space<vmem>>) semaphore(%arg15 : memref<!tpu.dma_semaphore, #tpu.memory_space<semaphore_mem>>)
      %dma_start3A_147 = arith.constant 5 : i32
      %dma_start3A_148 = arith.constant 640 : i32
      %dma_start3A_149 = arith.constant 0 : i32
      %dma_start3A_150 = tpu.memref_slice %arg12[%dma_start3A_148, %dma_start3A_149] : memref<2048x32xbf16, #tpu.memory_space<vmem>> -> memref<128x32xbf16, #tpu.memory_space<vmem>>
      %dma_start3A_151 = arith.constant 0 : i32
      %dma_start3A_152 = tpu.memref_slice %arg11[%dma_start3A_147, %dma_start3A_151] : memref<20x128xi32, #tpu.memory_space<vmem>> -> memref<1x128xi32, #tpu.memory_space<vmem>>
      %dma_start3A_153 = tpu.memref_squeeze %dma_start3A_152 : memref<1x128xi32, #tpu.memory_space<vmem>> -> memref<128xi32, #tpu.memory_space<vmem>>
      %dma_start3A_154 = arith.constant 0 : i32
      %dma_start3A_155 = arith.constant 0 : i32
      %dma_start3A_156 = tpu.memref_slice %arg7[%dma_start3A_154, %dma_start3A_155] : memref<100000x32xbf16, #tpu.memory_space<hbm>> -> memref<100000x32xbf16, #tpu.memory_space<hbm>>
      tpu.enqueue_indirect_dma source(%dma_start3A_156 : memref<100000x32xbf16, #tpu.memory_space<hbm>>) target(%dma_start3A_150 : memref<128x32xbf16, #tpu.memory_space<vmem>>) offsets(%dma_start3A_153 : memref<128xi32, #tpu.memory_space<vmem>>) semaphore(%arg15 : memref<!tpu.dma_semaphore, #tpu.memory_space<semaphore_mem>>)
      %dma_start3A_157 = arith.constant 6 : i32
      %dma_start3A_158 = arith.constant 768 : i32
      %dma_start3A_159 = arith.constant 0 : i32
      %dma_start3A_160 = tpu.memref_slice %arg12[%dma_start3A_158, %dma_start3A_159] : memref<2048x32xbf16, #tpu.memory_space<vmem>> -> memref<128x32xbf16, #tpu.memory_space<vmem>>
      %dma_start3A_161 = arith.constant 0 : i32
      %dma_start3A_162 = tpu.memref_slice %arg11[%dma_start3A_157, %dma_start3A_161] : memref<20x128xi32, #tpu.memory_space<vmem>> -> memref<1x128xi32, #tpu.memory_space<vmem>>
      %dma_start3A_163 = tpu.memref_squeeze %dma_start3A_162 : memref<1x128xi32, #tpu.memory_space<vmem>> -> memref<128xi32, #tpu.memory_space<vmem>>
      %dma_start3A_164 = arith.constant 0 : i32
      %dma_start3A_165 = arith.constant 0 : i32
      %dma_start3A_166 = tpu.memref_slice %arg7[%dma_start3A_164, %dma_start3A_165] : memref<100000x32xbf16, #tpu.memory_space<hbm>> -> memref<100000x32xbf16, #tpu.memory_space<hbm>>
      tpu.enqueue_indirect_dma source(%dma_start3A_166 : memref<100000x32xbf16, #tpu.memory_space<hbm>>) target(%dma_start3A_160 : memref<128x32xbf16, #tpu.memory_space<vmem>>) offsets(%dma_start3A_163 : memref<128xi32, #tpu.memory_space<vmem>>) semaphore(%arg15 : memref<!tpu.dma_semaphore, #tpu.memory_space<semaphore_mem>>)
      %dma_start3A_167 = arith.constant 7 : i32
      %dma_start3A_168 = arith.constant 896 : i32
      %dma_start3A_169 = arith.constant 0 : i32
      %dma_start3A_170 = tpu.memref_slice %arg12[%dma_start3A_168, %dma_start3A_169] : memref<2048x32xbf16, #tpu.memory_space<vmem>> -> memref<128x32xbf16, #tpu.memory_space<vmem>>
      %dma_start3A_171 = arith.constant 0 : i32
      %dma_start3A_172 = tpu.memref_slice %arg11[%dma_start3A_167, %dma_start3A_171] : memref<20x128xi32, #tpu.memory_space<vmem>> -> memref<1x128xi32, #tpu.memory_space<vmem>>
      %dma_start3A_173 = tpu.memref_squeeze %dma_start3A_172 : memref<1x128xi32, #tpu.memory_space<vmem>> -> memref<128xi32, #tpu.memory_space<vmem>>
      %dma_start3A_174 = arith.constant 0 : i32
      %dma_start3A_175 = arith.constant 0 : i32
      %dma_start3A_176 = tpu.memref_slice %arg7[%dma_start3A_174, %dma_start3A_175] : memref<100000x32xbf16, #tpu.memory_space<hbm>> -> memref<100000x32xbf16, #tpu.memory_space<hbm>>
      tpu.enqueue_indirect_dma source(%dma_start3A_176 : memref<100000x32xbf16, #tpu.memory_space<hbm>>) target(%dma_start3A_170 : memref<128x32xbf16, #tpu.memory_space<vmem>>) offsets(%dma_start3A_173 : memref<128xi32, #tpu.memory_space<vmem>>) semaphore(%arg15 : memref<!tpu.dma_semaphore, #tpu.memory_space<semaphore_mem>>)
      %dma_start3A_177 = arith.constant 8 : i32
      %dma_start3A_178 = arith.constant 1024 : i32
      %dma_start3A_179 = arith.constant 0 : i32
      %dma_start3A_180 = tpu.memref_slice %arg12[%dma_start3A_178, %dma_start3A_179] : memref<2048x32xbf16, #tpu.memory_space<vmem>> -> memref<128x32xbf16, #tpu.memory_space<vmem>>
      %dma_start3A_181 = arith.constant 0 : i32
      %dma_start3A_182 = tpu.memref_slice %arg11[%dma_start3A_177, %dma_start3A_181] : memref<20x128xi32, #tpu.memory_space<vmem>> -> memref<1x128xi32, #tpu.memory_space<vmem>>
      %dma_start3A_183 = tpu.memref_squeeze %dma_start3A_182 : memref<1x128xi32, #tpu.memory_space<vmem>> -> memref<128xi32, #tpu.memory_space<vmem>>
      %dma_start3A_184 = arith.constant 0 : i32
      %dma_start3A_185 = arith.constant 0 : i32
      %dma_start3A_186 = tpu.memref_slice %arg7[%dma_start3A_184, %dma_start3A_185] : memref<100000x32xbf16, #tpu.memory_space<hbm>> -> memref<100000x32xbf16, #tpu.memory_space<hbm>>
      tpu.enqueue_indirect_dma source(%dma_start3A_186 : memref<100000x32xbf16, #tpu.memory_space<hbm>>) target(%dma_start3A_180 : memref<128x32xbf16, #tpu.memory_space<vmem>>) offsets(%dma_start3A_183 : memref<128xi32, #tpu.memory_space<vmem>>) semaphore(%arg15 : memref<!tpu.dma_semaphore, #tpu.memory_space<semaphore_mem>>)
      %dma_start3A_187 = arith.constant 9 : i32
      %dma_start3A_188 = arith.constant 1152 : i32
      %dma_start3A_189 = arith.constant 0 : i32
      %dma_start3A_190 = tpu.memref_slice %arg12[%dma_start3A_188, %dma_start3A_189] : memref<2048x32xbf16, #tpu.memory_space<vmem>> -> memref<128x32xbf16, #tpu.memory_space<vmem>>
      %dma_start3A_191 = arith.constant 0 : i32
      %dma_start3A_192 = tpu.memref_slice %arg11[%dma_start3A_187, %dma_start3A_191] : memref<20x128xi32, #tpu.memory_space<vmem>> -> memref<1x128xi32, #tpu.memory_space<vmem>>
      %dma_start3A_193 = tpu.memref_squeeze %dma_start3A_192 : memref<1x128xi32, #tpu.memory_space<vmem>> -> memref<128xi32, #tpu.memory_space<vmem>>
      %dma_start3A_194 = arith.constant 0 : i32
      %dma_start3A_195 = arith.constant 0 : i32
      %dma_start3A_196 = tpu.memref_slice %arg7[%dma_start3A_194, %dma_start3A_195] : memref<100000x32xbf16, #tpu.memory_space<hbm>> -> memref<100000x32xbf16, #tpu.memory_space<hbm>>
      tpu.enqueue_indirect_dma source(%dma_start3A_196 : memref<100000x32xbf16, #tpu.memory_space<hbm>>) target(%dma_start3A_190 : memref<128x32xbf16, #tpu.memory_space<vmem>>) offsets(%dma_start3A_193 : memref<128xi32, #tpu.memory_space<vmem>>) semaphore(%arg15 : memref<!tpu.dma_semaphore, #tpu.memory_space<semaphore_mem>>)
      %dma_start3A_197 = arith.constant 10 : i32
      %dma_start3A_198 = arith.constant 1280 : i32
      %dma_start3A_199 = arith.constant 0 : i32
      %dma_start3A_200 = tpu.memref_slice %arg12[%dma_start3A_198, %dma_start3A_199] : memref<2048x32xbf16, #tpu.memory_space<vmem>> -> memref<128x32xbf16, #tpu.memory_space<vmem>>
      %dma_start3A_201 = arith.constant 0 : i32
      %dma_start3A_202 = tpu.memref_slice %arg11[%dma_start3A_197, %dma_start3A_201] : memref<20x128xi32, #tpu.memory_space<vmem>> -> memref<1x128xi32, #tpu.memory_space<vmem>>
      %dma_start3A_203 = tpu.memref_squeeze %dma_start3A_202 : memref<1x128xi32, #tpu.memory_space<vmem>> -> memref<128xi32, #tpu.memory_space<vmem>>
      %dma_start3A_204 = arith.constant 0 : i32
      %dma_start3A_205 = arith.constant 0 : i32
      %dma_start3A_206 = tpu.memref_slice %arg7[%dma_start3A_204, %dma_start3A_205] : memref<100000x32xbf16, #tpu.memory_space<hbm>> -> memref<100000x32xbf16, #tpu.memory_space<hbm>>
      tpu.enqueue_indirect_dma source(%dma_start3A_206 : memref<100000x32xbf16, #tpu.memory_space<hbm>>) target(%dma_start3A_200 : memref<128x32xbf16, #tpu.memory_space<vmem>>) offsets(%dma_start3A_203 : memref<128xi32, #tpu.memory_space<vmem>>) semaphore(%arg15 : memref<!tpu.dma_semaphore, #tpu.memory_space<semaphore_mem>>)
      %dma_start3A_207 = arith.constant 11 : i32
      %dma_start3A_208 = arith.constant 1408 : i32
      %dma_start3A_209 = arith.constant 0 : i32
      %dma_start3A_210 = tpu.memref_slice %arg12[%dma_start3A_208, %dma_start3A_209] : memref<2048x32xbf16, #tpu.memory_space<vmem>> -> memref<128x32xbf16, #tpu.memory_space<vmem>>
      %dma_start3A_211 = arith.constant 0 : i32
      %dma_start3A_212 = tpu.memref_slice %arg11[%dma_start3A_207, %dma_start3A_211] : memref<20x128xi32, #tpu.memory_space<vmem>> -> memref<1x128xi32, #tpu.memory_space<vmem>>
      %dma_start3A_213 = tpu.memref_squeeze %dma_start3A_212 : memref<1x128xi32, #tpu.memory_space<vmem>> -> memref<128xi32, #tpu.memory_space<vmem>>
      %dma_start3A_214 = arith.constant 0 : i32
      %dma_start3A_215 = arith.constant 0 : i32
      %dma_start3A_216 = tpu.memref_slice %arg7[%dma_start3A_214, %dma_start3A_215] : memref<100000x32xbf16, #tpu.memory_space<hbm>> -> memref<100000x32xbf16, #tpu.memory_space<hbm>>
      tpu.enqueue_indirect_dma source(%dma_start3A_216 : memref<100000x32xbf16, #tpu.memory_space<hbm>>) target(%dma_start3A_210 : memref<128x32xbf16, #tpu.memory_space<vmem>>) offsets(%dma_start3A_213 : memref<128xi32, #tpu.memory_space<vmem>>) semaphore(%arg15 : memref<!tpu.dma_semaphore, #tpu.memory_space<semaphore_mem>>)
      %dma_start3A_217 = arith.constant 12 : i32
      %dma_start3A_218 = arith.constant 1536 : i32
      %dma_start3A_219 = arith.constant 0 : i32
      %dma_start3A_220 = tpu.memref_slice %arg12[%dma_start3A_218, %dma_start3A_219] : memref<2048x32xbf16, #tpu.memory_space<vmem>> -> memref<128x32xbf16, #tpu.memory_space<vmem>>
      %dma_start3A_221 = arith.constant 0 : i32
      %dma_start3A_222 = tpu.memref_slice %arg11[%dma_start3A_217, %dma_start3A_221] : memref<20x128xi32, #tpu.memory_space<vmem>> -> memref<1x128xi32, #tpu.memory_space<vmem>>
      %dma_start3A_223 = tpu.memref_squeeze %dma_start3A_222 : memref<1x128xi32, #tpu.memory_space<vmem>> -> memref<128xi32, #tpu.memory_space<vmem>>
      %dma_start3A_224 = arith.constant 0 : i32
      %dma_start3A_225 = arith.constant 0 : i32
      %dma_start3A_226 = tpu.memref_slice %arg7[%dma_start3A_224, %dma_start3A_225] : memref<100000x32xbf16, #tpu.memory_space<hbm>> -> memref<100000x32xbf16, #tpu.memory_space<hbm>>
      tpu.enqueue_indirect_dma source(%dma_start3A_226 : memref<100000x32xbf16, #tpu.memory_space<hbm>>) target(%dma_start3A_220 : memref<128x32xbf16, #tpu.memory_space<vmem>>) offsets(%dma_start3A_223 : memref<128xi32, #tpu.memory_space<vmem>>) semaphore(%arg15 : memref<!tpu.dma_semaphore, #tpu.memory_space<semaphore_mem>>)
      %dma_start3A_227 = arith.constant 13 : i32
      %dma_start3A_228 = arith.constant 1664 : i32
      %dma_start3A_229 = arith.constant 0 : i32
      %dma_start3A_230 = tpu.memref_slice %arg12[%dma_start3A_228, %dma_start3A_229] : memref<2048x32xbf16, #tpu.memory_space<vmem>> -> memref<128x32xbf16, #tpu.memory_space<vmem>>
      %dma_start3A_231 = arith.constant 0 : i32
      %dma_start3A_232 = tpu.memref_slice %arg11[%dma_start3A_227, %dma_start3A_231] : memref<20x128xi32, #tpu.memory_space<vmem>> -> memref<1x128xi32, #tpu.memory_space<vmem>>
      %dma_start3A_233 = tpu.memref_squeeze %dma_start3A_232 : memref<1x128xi32, #tpu.memory_space<vmem>> -> memref<128xi32, #tpu.memory_space<vmem>>
      %dma_start3A_234 = arith.constant 0 : i32
      %dma_start3A_235 = arith.constant 0 : i32
      %dma_start3A_236 = tpu.memref_slice %arg7[%dma_start3A_234, %dma_start3A_235] : memref<100000x32xbf16, #tpu.memory_space<hbm>> -> memref<100000x32xbf16, #tpu.memory_space<hbm>>
      tpu.enqueue_indirect_dma source(%dma_start3A_236 : memref<100000x32xbf16, #tpu.memory_space<hbm>>) target(%dma_start3A_230 : memref<128x32xbf16, #tpu.memory_space<vmem>>) offsets(%dma_start3A_233 : memref<128xi32, #tpu.memory_space<vmem>>) semaphore(%arg15 : memref<!tpu.dma_semaphore, #tpu.memory_space<semaphore_mem>>)
      %dma_start3A_237 = arith.constant 14 : i32
      %dma_start3A_238 = arith.constant 1792 : i32
      %dma_start3A_239 = arith.constant 0 : i32
      %dma_start3A_240 = tpu.memref_slice %arg12[%dma_start3A_238, %dma_start3A_239] : memref<2048x32xbf16, #tpu.memory_space<vmem>> -> memref<128x32xbf16, #tpu.memory_space<vmem>>
      %dma_start3A_241 = arith.constant 0 : i32
      %dma_start3A_242 = tpu.memref_slice %arg11[%dma_start3A_237, %dma_start3A_241] : memref<20x128xi32, #tpu.memory_space<vmem>> -> memref<1x128xi32, #tpu.memory_space<vmem>>
      %dma_start3A_243 = tpu.memref_squeeze %dma_start3A_242 : memref<1x128xi32, #tpu.memory_space<vmem>> -> memref<128xi32, #tpu.memory_space<vmem>>
      %dma_start3A_244 = arith.constant 0 : i32
      %dma_start3A_245 = arith.constant 0 : i32
      %dma_start3A_246 = tpu.memref_slice %arg7[%dma_start3A_244, %dma_start3A_245] : memref<100000x32xbf16, #tpu.memory_space<hbm>> -> memref<100000x32xbf16, #tpu.memory_space<hbm>>
      tpu.enqueue_indirect_dma source(%dma_start3A_246 : memref<100000x32xbf16, #tpu.memory_space<hbm>>) target(%dma_start3A_240 : memref<128x32xbf16, #tpu.memory_space<vmem>>) offsets(%dma_start3A_243 : memref<128xi32, #tpu.memory_space<vmem>>) semaphore(%arg15 : memref<!tpu.dma_semaphore, #tpu.memory_space<semaphore_mem>>)
      %dma_start3A_247 = arith.constant 15 : i32
      %dma_start3A_248 = arith.constant 1920 : i32
      %dma_start3A_249 = arith.constant 0 : i32
      %dma_start3A_250 = tpu.memref_slice %arg12[%dma_start3A_248, %dma_start3A_249] : memref<2048x32xbf16, #tpu.memory_space<vmem>> -> memref<128x32xbf16, #tpu.memory_space<vmem>>
      %dma_start3A_251 = arith.constant 0 : i32
      %dma_start3A_252 = tpu.memref_slice %arg11[%dma_start3A_247, %dma_start3A_251] : memref<20x128xi32, #tpu.memory_space<vmem>> -> memref<1x128xi32, #tpu.memory_space<vmem>>
      %dma_start3A_253 = tpu.memref_squeeze %dma_start3A_252 : memref<1x128xi32, #tpu.memory_space<vmem>> -> memref<128xi32, #tpu.memory_space<vmem>>
      %dma_start3A_254 = arith.constant 0 : i32
      %dma_start3A_255 = arith.constant 0 : i32
      %dma_start3A_256 = tpu.memref_slice %arg7[%dma_start3A_254, %dma_start3A_255] : memref<100000x32xbf16, #tpu.memory_space<hbm>> -> memref<100000x32xbf16, #tpu.memory_space<hbm>>
      tpu.enqueue_indirect_dma source(%dma_start3A_256 : memref<100000x32xbf16, #tpu.memory_space<hbm>>) target(%dma_start3A_250 : memref<128x32xbf16, #tpu.memory_space<vmem>>) offsets(%dma_start3A_253 : memref<128xi32, #tpu.memory_space<vmem>>) semaphore(%arg15 : memref<!tpu.dma_semaphore, #tpu.memory_space<semaphore_mem>>)
      %dma_wait3A_257 = arith.constant 0 : i32
      %dma_wait3A_258 = arith.constant 0 : i32
      %dma_wait3A_259 = arith.constant 0 : i32
      %dma_wait3A_260 = tpu.memref_slice %arg12[%dma_wait3A_258, %dma_wait3A_259] : memref<2048x32xbf16, #tpu.memory_space<vmem>> -> memref<128x32xbf16, #tpu.memory_space<vmem>>
      %dma_wait3A_261 = arith.constant 0 : i32
      %dma_wait3A_262 = tpu.memref_slice %arg11[%dma_wait3A_257, %dma_wait3A_261] : memref<20x128xi32, #tpu.memory_space<vmem>> -> memref<1x128xi32, #tpu.memory_space<vmem>>
      %dma_wait3A_263 = tpu.memref_squeeze %dma_wait3A_262 : memref<1x128xi32, #tpu.memory_space<vmem>> -> memref<128xi32, #tpu.memory_space<vmem>>
      %dma_wait3A_264 = arith.constant 0 : i32
      %dma_wait3A_265 = arith.constant 0 : i32
      %dma_wait3A_266 = tpu.memref_slice %arg7[%dma_wait3A_264, %dma_wait3A_265] : memref<100000x32xbf16, #tpu.memory_space<hbm>> -> memref<100000x32xbf16, #tpu.memory_space<hbm>>
      tpu.wait_indirect_dma semaphore(%arg15 : memref<!tpu.dma_semaphore, #tpu.memory_space<semaphore_mem>>) src(%dma_wait3A_266 : memref<100000x32xbf16, #tpu.memory_space<hbm>>) dst(%dma_wait3A_260 : memref<128x32xbf16, #tpu.memory_space<vmem>>)
      %dma_wait3A_267 = arith.constant 1 : i32
      %dma_wait3A_268 = arith.constant 128 : i32
      %dma_wait3A_269 = arith.constant 0 : i32
      %dma_wait3A_270 = tpu.memref_slice %arg12[%dma_wait3A_268, %dma_wait3A_269] : memref<2048x32xbf16, #tpu.memory_space<vmem>> -> memref<128x32xbf16, #tpu.memory_space<vmem>>
      %dma_wait3A_271 = arith.constant 0 : i32
      %dma_wait3A_272 = tpu.memref_slice %arg11[%dma_wait3A_267, %dma_wait3A_271] : memref<20x128xi32, #tpu.memory_space<vmem>> -> memref<1x128xi32, #tpu.memory_space<vmem>>
      %dma_wait3A_273 = tpu.memref_squeeze %dma_wait3A_272 : memref<1x128xi32, #tpu.memory_space<vmem>> -> memref<128xi32, #tpu.memory_space<vmem>>
      %dma_wait3A_274 = arith.constant 0 : i32
      %dma_wait3A_275 = arith.constant 0 : i32
      %dma_wait3A_276 = tpu.memref_slice %arg7[%dma_wait3A_274, %dma_wait3A_275] : memref<100000x32xbf16, #tpu.memory_space<hbm>> -> memref<100000x32xbf16, #tpu.memory_space<hbm>>
      tpu.wait_indirect_dma semaphore(%arg15 : memref<!tpu.dma_semaphore, #tpu.memory_space<semaphore_mem>>) src(%dma_wait3A_276 : memref<100000x32xbf16, #tpu.memory_space<hbm>>) dst(%dma_wait3A_270 : memref<128x32xbf16, #tpu.memory_space<vmem>>)
      %dma_wait3A_277 = arith.constant 2 : i32
      %dma_wait3A_278 = arith.constant 256 : i32
      %dma_wait3A_279 = arith.constant 0 : i32
      %dma_wait3A_280 = tpu.memref_slice %arg12[%dma_wait3A_278, %dma_wait3A_279] : memref<2048x32xbf16, #tpu.memory_space<vmem>> -> memref<128x32xbf16, #tpu.memory_space<vmem>>
      %dma_wait3A_281 = arith.constant 0 : i32
      %dma_wait3A_282 = tpu.memref_slice %arg11[%dma_wait3A_277, %dma_wait3A_281] : memref<20x128xi32, #tpu.memory_space<vmem>> -> memref<1x128xi32, #tpu.memory_space<vmem>>
      %dma_wait3A_283 = tpu.memref_squeeze %dma_wait3A_282 : memref<1x128xi32, #tpu.memory_space<vmem>> -> memref<128xi32, #tpu.memory_space<vmem>>
      %dma_wait3A_284 = arith.constant 0 : i32
      %dma_wait3A_285 = arith.constant 0 : i32
      %dma_wait3A_286 = tpu.memref_slice %arg7[%dma_wait3A_284, %dma_wait3A_285] : memref<100000x32xbf16, #tpu.memory_space<hbm>> -> memref<100000x32xbf16, #tpu.memory_space<hbm>>
      tpu.wait_indirect_dma semaphore(%arg15 : memref<!tpu.dma_semaphore, #tpu.memory_space<semaphore_mem>>) src(%dma_wait3A_286 : memref<100000x32xbf16, #tpu.memory_space<hbm>>) dst(%dma_wait3A_280 : memref<128x32xbf16, #tpu.memory_space<vmem>>)
      %dma_wait3A_287 = arith.constant 3 : i32
      %dma_wait3A_288 = arith.constant 384 : i32
      %dma_wait3A_289 = arith.constant 0 : i32
      %dma_wait3A_290 = tpu.memref_slice %arg12[%dma_wait3A_288, %dma_wait3A_289] : memref<2048x32xbf16, #tpu.memory_space<vmem>> -> memref<128x32xbf16, #tpu.memory_space<vmem>>
      %dma_wait3A_291 = arith.constant 0 : i32
      %dma_wait3A_292 = tpu.memref_slice %arg11[%dma_wait3A_287, %dma_wait3A_291] : memref<20x128xi32, #tpu.memory_space<vmem>> -> memref<1x128xi32, #tpu.memory_space<vmem>>
      %dma_wait3A_293 = tpu.memref_squeeze %dma_wait3A_292 : memref<1x128xi32, #tpu.memory_space<vmem>> -> memref<128xi32, #tpu.memory_space<vmem>>
      %dma_wait3A_294 = arith.constant 0 : i32
      %dma_wait3A_295 = arith.constant 0 : i32
      %dma_wait3A_296 = tpu.memref_slice %arg7[%dma_wait3A_294, %dma_wait3A_295] : memref<100000x32xbf16, #tpu.memory_space<hbm>> -> memref<100000x32xbf16, #tpu.memory_space<hbm>>
      tpu.wait_indirect_dma semaphore(%arg15 : memref<!tpu.dma_semaphore, #tpu.memory_space<semaphore_mem>>) src(%dma_wait3A_296 : memref<100000x32xbf16, #tpu.memory_space<hbm>>) dst(%dma_wait3A_290 : memref<128x32xbf16, #tpu.memory_space<vmem>>)
      %dma_wait3A_297 = arith.constant 4 : i32
      %dma_wait3A_298 = arith.constant 512 : i32
      %dma_wait3A_299 = arith.constant 0 : i32
      %dma_wait3A_300 = tpu.memref_slice %arg12[%dma_wait3A_298, %dma_wait3A_299] : memref<2048x32xbf16, #tpu.memory_space<vmem>> -> memref<128x32xbf16, #tpu.memory_space<vmem>>
      %dma_wait3A_301 = arith.constant 0 : i32
      %dma_wait3A_302 = tpu.memref_slice %arg11[%dma_wait3A_297, %dma_wait3A_301] : memref<20x128xi32, #tpu.memory_space<vmem>> -> memref<1x128xi32, #tpu.memory_space<vmem>>
      %dma_wait3A_303 = tpu.memref_squeeze %dma_wait3A_302 : memref<1x128xi32, #tpu.memory_space<vmem>> -> memref<128xi32, #tpu.memory_space<vmem>>
      %dma_wait3A_304 = arith.constant 0 : i32
      %dma_wait3A_305 = arith.constant 0 : i32
      %dma_wait3A_306 = tpu.memref_slice %arg7[%dma_wait3A_304, %dma_wait3A_305] : memref<100000x32xbf16, #tpu.memory_space<hbm>> -> memref<100000x32xbf16, #tpu.memory_space<hbm>>
      tpu.wait_indirect_dma semaphore(%arg15 : memref<!tpu.dma_semaphore, #tpu.memory_space<semaphore_mem>>) src(%dma_wait3A_306 : memref<100000x32xbf16, #tpu.memory_space<hbm>>) dst(%dma_wait3A_300 : memref<128x32xbf16, #tpu.memory_space<vmem>>)
      %dma_wait3A_307 = arith.constant 5 : i32
      %dma_wait3A_308 = arith.constant 640 : i32
      %dma_wait3A_309 = arith.constant 0 : i32
      %dma_wait3A_310 = tpu.memref_slice %arg12[%dma_wait3A_308, %dma_wait3A_309] : memref<2048x32xbf16, #tpu.memory_space<vmem>> -> memref<128x32xbf16, #tpu.memory_space<vmem>>
      %dma_wait3A_311 = arith.constant 0 : i32
      %dma_wait3A_312 = tpu.memref_slice %arg11[%dma_wait3A_307, %dma_wait3A_311] : memref<20x128xi32, #tpu.memory_space<vmem>> -> memref<1x128xi32, #tpu.memory_space<vmem>>
      %dma_wait3A_313 = tpu.memref_squeeze %dma_wait3A_312 : memref<1x128xi32, #tpu.memory_space<vmem>> -> memref<128xi32, #tpu.memory_space<vmem>>
      %dma_wait3A_314 = arith.constant 0 : i32
      %dma_wait3A_315 = arith.constant 0 : i32
      %dma_wait3A_316 = tpu.memref_slice %arg7[%dma_wait3A_314, %dma_wait3A_315] : memref<100000x32xbf16, #tpu.memory_space<hbm>> -> memref<100000x32xbf16, #tpu.memory_space<hbm>>
      tpu.wait_indirect_dma semaphore(%arg15 : memref<!tpu.dma_semaphore, #tpu.memory_space<semaphore_mem>>) src(%dma_wait3A_316 : memref<100000x32xbf16, #tpu.memory_space<hbm>>) dst(%dma_wait3A_310 : memref<128x32xbf16, #tpu.memory_space<vmem>>)
      %dma_wait3A_317 = arith.constant 6 : i32
      %dma_wait3A_318 = arith.constant 768 : i32
      %dma_wait3A_319 = arith.constant 0 : i32
      %dma_wait3A_320 = tpu.memref_slice %arg12[%dma_wait3A_318, %dma_wait3A_319] : memref<2048x32xbf16, #tpu.memory_space<vmem>> -> memref<128x32xbf16, #tpu.memory_space<vmem>>
      %dma_wait3A_321 = arith.constant 0 : i32
      %dma_wait3A_322 = tpu.memref_slice %arg11[%dma_wait3A_317, %dma_wait3A_321] : memref<20x128xi32, #tpu.memory_space<vmem>> -> memref<1x128xi32, #tpu.memory_space<vmem>>
      %dma_wait3A_323 = tpu.memref_squeeze %dma_wait3A_322 : memref<1x128xi32, #tpu.memory_space<vmem>> -> memref<128xi32, #tpu.memory_space<vmem>>
      %dma_wait3A_324 = arith.constant 0 : i32
      %dma_wait3A_325 = arith.constant 0 : i32
      %dma_wait3A_326 = tpu.memref_slice %arg7[%dma_wait3A_324, %dma_wait3A_325] : memref<100000x32xbf16, #tpu.memory_space<hbm>> -> memref<100000x32xbf16, #tpu.memory_space<hbm>>
      tpu.wait_indirect_dma semaphore(%arg15 : memref<!tpu.dma_semaphore, #tpu.memory_space<semaphore_mem>>) src(%dma_wait3A_326 : memref<100000x32xbf16, #tpu.memory_space<hbm>>) dst(%dma_wait3A_320 : memref<128x32xbf16, #tpu.memory_space<vmem>>)
      %dma_wait3A_327 = arith.constant 7 : i32
      %dma_wait3A_328 = arith.constant 896 : i32
      %dma_wait3A_329 = arith.constant 0 : i32
      %dma_wait3A_330 = tpu.memref_slice %arg12[%dma_wait3A_328, %dma_wait3A_329] : memref<2048x32xbf16, #tpu.memory_space<vmem>> -> memref<128x32xbf16, #tpu.memory_space<vmem>>
      %dma_wait3A_331 = arith.constant 0 : i32
      %dma_wait3A_332 = tpu.memref_slice %arg11[%dma_wait3A_327, %dma_wait3A_331] : memref<20x128xi32, #tpu.memory_space<vmem>> -> memref<1x128xi32, #tpu.memory_space<vmem>>
      %dma_wait3A_333 = tpu.memref_squeeze %dma_wait3A_332 : memref<1x128xi32, #tpu.memory_space<vmem>> -> memref<128xi32, #tpu.memory_space<vmem>>
      %dma_wait3A_334 = arith.constant 0 : i32
      %dma_wait3A_335 = arith.constant 0 : i32
      %dma_wait3A_336 = tpu.memref_slice %arg7[%dma_wait3A_334, %dma_wait3A_335] : memref<100000x32xbf16, #tpu.memory_space<hbm>> -> memref<100000x32xbf16, #tpu.memory_space<hbm>>
      tpu.wait_indirect_dma semaphore(%arg15 : memref<!tpu.dma_semaphore, #tpu.memory_space<semaphore_mem>>) src(%dma_wait3A_336 : memref<100000x32xbf16, #tpu.memory_space<hbm>>) dst(%dma_wait3A_330 : memref<128x32xbf16, #tpu.memory_space<vmem>>)
      %dma_wait3A_337 = arith.constant 8 : i32
      %dma_wait3A_338 = arith.constant 1024 : i32
      %dma_wait3A_339 = arith.constant 0 : i32
      %dma_wait3A_340 = tpu.memref_slice %arg12[%dma_wait3A_338, %dma_wait3A_339] : memref<2048x32xbf16, #tpu.memory_space<vmem>> -> memref<128x32xbf16, #tpu.memory_space<vmem>>
      %dma_wait3A_341 = arith.constant 0 : i32
      %dma_wait3A_342 = tpu.memref_slice %arg11[%dma_wait3A_337, %dma_wait3A_341] : memref<20x128xi32, #tpu.memory_space<vmem>> -> memref<1x128xi32, #tpu.memory_space<vmem>>
      %dma_wait3A_343 = tpu.memref_squeeze %dma_wait3A_342 : memref<1x128xi32, #tpu.memory_space<vmem>> -> memref<128xi32, #tpu.memory_space<vmem>>
      %dma_wait3A_344 = arith.constant 0 : i32
      %dma_wait3A_345 = arith.constant 0 : i32
      %dma_wait3A_346 = tpu.memref_slice %arg7[%dma_wait3A_344, %dma_wait3A_345] : memref<100000x32xbf16, #tpu.memory_space<hbm>> -> memref<100000x32xbf16, #tpu.memory_space<hbm>>
      tpu.wait_indirect_dma semaphore(%arg15 : memref<!tpu.dma_semaphore, #tpu.memory_space<semaphore_mem>>) src(%dma_wait3A_346 : memref<100000x32xbf16, #tpu.memory_space<hbm>>) dst(%dma_wait3A_340 : memref<128x32xbf16, #tpu.memory_space<vmem>>)
      %dma_wait3A_347 = arith.constant 9 : i32
      %dma_wait3A_348 = arith.constant 1152 : i32
      %dma_wait3A_349 = arith.constant 0 : i32
      %dma_wait3A_350 = tpu.memref_slice %arg12[%dma_wait3A_348, %dma_wait3A_349] : memref<2048x32xbf16, #tpu.memory_space<vmem>> -> memref<128x32xbf16, #tpu.memory_space<vmem>>
      %dma_wait3A_351 = arith.constant 0 : i32
      %dma_wait3A_352 = tpu.memref_slice %arg11[%dma_wait3A_347, %dma_wait3A_351] : memref<20x128xi32, #tpu.memory_space<vmem>> -> memref<1x128xi32, #tpu.memory_space<vmem>>
      %dma_wait3A_353 = tpu.memref_squeeze %dma_wait3A_352 : memref<1x128xi32, #tpu.memory_space<vmem>> -> memref<128xi32, #tpu.memory_space<vmem>>
      %dma_wait3A_354 = arith.constant 0 : i32
      %dma_wait3A_355 = arith.constant 0 : i32
      %dma_wait3A_356 = tpu.memref_slice %arg7[%dma_wait3A_354, %dma_wait3A_355] : memref<100000x32xbf16, #tpu.memory_space<hbm>> -> memref<100000x32xbf16, #tpu.memory_space<hbm>>
      tpu.wait_indirect_dma semaphore(%arg15 : memref<!tpu.dma_semaphore, #tpu.memory_space<semaphore_mem>>) src(%dma_wait3A_356 : memref<100000x32xbf16, #tpu.memory_space<hbm>>) dst(%dma_wait3A_350 : memref<128x32xbf16, #tpu.memory_space<vmem>>)
      %dma_wait3A_357 = arith.constant 10 : i32
      %dma_wait3A_358 = arith.constant 1280 : i32
      %dma_wait3A_359 = arith.constant 0 : i32
      %dma_wait3A_360 = tpu.memref_slice %arg12[%dma_wait3A_358, %dma_wait3A_359] : memref<2048x32xbf16, #tpu.memory_space<vmem>> -> memref<128x32xbf16, #tpu.memory_space<vmem>>
      %dma_wait3A_361 = arith.constant 0 : i32
      %dma_wait3A_362 = tpu.memref_slice %arg11[%dma_wait3A_357, %dma_wait3A_361] : memref<20x128xi32, #tpu.memory_space<vmem>> -> memref<1x128xi32, #tpu.memory_space<vmem>>
      %dma_wait3A_363 = tpu.memref_squeeze %dma_wait3A_362 : memref<1x128xi32, #tpu.memory_space<vmem>> -> memref<128xi32, #tpu.memory_space<vmem>>
      %dma_wait3A_364 = arith.constant 0 : i32
      %dma_wait3A_365 = arith.constant 0 : i32
      %dma_wait3A_366 = tpu.memref_slice %arg7[%dma_wait3A_364, %dma_wait3A_365] : memref<100000x32xbf16, #tpu.memory_space<hbm>> -> memref<100000x32xbf16, #tpu.memory_space<hbm>>
      tpu.wait_indirect_dma semaphore(%arg15 : memref<!tpu.dma_semaphore, #tpu.memory_space<semaphore_mem>>) src(%dma_wait3A_366 : memref<100000x32xbf16, #tpu.memory_space<hbm>>) dst(%dma_wait3A_360 : memref<128x32xbf16, #tpu.memory_space<vmem>>)
      %dma_wait3A_367 = arith.constant 11 : i32
      %dma_wait3A_368 = arith.constant 1408 : i32
      %dma_wait3A_369 = arith.constant 0 : i32
      %dma_wait3A_370 = tpu.memref_slice %arg12[%dma_wait3A_368, %dma_wait3A_369] : memref<2048x32xbf16, #tpu.memory_space<vmem>> -> memref<128x32xbf16, #tpu.memory_space<vmem>>
      %dma_wait3A_371 = arith.constant 0 : i32
      %dma_wait3A_372 = tpu.memref_slice %arg11[%dma_wait3A_367, %dma_wait3A_371] : memref<20x128xi32, #tpu.memory_space<vmem>> -> memref<1x128xi32, #tpu.memory_space<vmem>>
      %dma_wait3A_373 = tpu.memref_squeeze %dma_wait3A_372 : memref<1x128xi32, #tpu.memory_space<vmem>> -> memref<128xi32, #tpu.memory_space<vmem>>
      %dma_wait3A_374 = arith.constant 0 : i32
      %dma_wait3A_375 = arith.constant 0 : i32
      %dma_wait3A_376 = tpu.memref_slice %arg7[%dma_wait3A_374, %dma_wait3A_375] : memref<100000x32xbf16, #tpu.memory_space<hbm>> -> memref<100000x32xbf16, #tpu.memory_space<hbm>>
      tpu.wait_indirect_dma semaphore(%arg15 : memref<!tpu.dma_semaphore, #tpu.memory_space<semaphore_mem>>) src(%dma_wait3A_376 : memref<100000x32xbf16, #tpu.memory_space<hbm>>) dst(%dma_wait3A_370 : memref<128x32xbf16, #tpu.memory_space<vmem>>)
      %dma_wait3A_377 = arith.constant 12 : i32
      %dma_wait3A_378 = arith.constant 1536 : i32
      %dma_wait3A_379 = arith.constant 0 : i32
      %dma_wait3A_380 = tpu.memref_slice %arg12[%dma_wait3A_378, %dma_wait3A_379] : memref<2048x32xbf16, #tpu.memory_space<vmem>> -> memref<128x32xbf16, #tpu.memory_space<vmem>>
      %dma_wait3A_381 = arith.constant 0 : i32
      %dma_wait3A_382 = tpu.memref_slice %arg11[%dma_wait3A_377, %dma_wait3A_381] : memref<20x128xi32, #tpu.memory_space<vmem>> -> memref<1x128xi32, #tpu.memory_space<vmem>>
      %dma_wait3A_383 = tpu.memref_squeeze %dma_wait3A_382 : memref<1x128xi32, #tpu.memory_space<vmem>> -> memref<128xi32, #tpu.memory_space<vmem>>
      %dma_wait3A_384 = arith.constant 0 : i32
      %dma_wait3A_385 = arith.constant 0 : i32
      %dma_wait3A_386 = tpu.memref_slice %arg7[%dma_wait3A_384, %dma_wait3A_385] : memref<100000x32xbf16, #tpu.memory_space<hbm>> -> memref<100000x32xbf16, #tpu.memory_space<hbm>>
      tpu.wait_indirect_dma semaphore(%arg15 : memref<!tpu.dma_semaphore, #tpu.memory_space<semaphore_mem>>) src(%dma_wait3A_386 : memref<100000x32xbf16, #tpu.memory_space<hbm>>) dst(%dma_wait3A_380 : memref<128x32xbf16, #tpu.memory_space<vmem>>)
      %dma_wait3A_387 = arith.constant 13 : i32
      %dma_wait3A_388 = arith.constant 1664 : i32
      %dma_wait3A_389 = arith.constant 0 : i32
      %dma_wait3A_390 = tpu.memref_slice %arg12[%dma_wait3A_388, %dma_wait3A_389] : memref<2048x32xbf16, #tpu.memory_space<vmem>> -> memref<128x32xbf16, #tpu.memory_space<vmem>>
      %dma_wait3A_391 = arith.constant 0 : i32
      %dma_wait3A_392 = tpu.memref_slice %arg11[%dma_wait3A_387, %dma_wait3A_391] : memref<20x128xi32, #tpu.memory_space<vmem>> -> memref<1x128xi32, #tpu.memory_space<vmem>>
      %dma_wait3A_393 = tpu.memref_squeeze %dma_wait3A_392 : memref<1x128xi32, #tpu.memory_space<vmem>> -> memref<128xi32, #tpu.memory_space<vmem>>
      %dma_wait3A_394 = arith.constant 0 : i32
      %dma_wait3A_395 = arith.constant 0 : i32
      %dma_wait3A_396 = tpu.memref_slice %arg7[%dma_wait3A_394, %dma_wait3A_395] : memref<100000x32xbf16, #tpu.memory_space<hbm>> -> memref<100000x32xbf16, #tpu.memory_space<hbm>>
      tpu.wait_indirect_dma semaphore(%arg15 : memref<!tpu.dma_semaphore, #tpu.memory_space<semaphore_mem>>) src(%dma_wait3A_396 : memref<100000x32xbf16, #tpu.memory_space<hbm>>) dst(%dma_wait3A_390 : memref<128x32xbf16, #tpu.memory_space<vmem>>)
      %dma_wait3A_397 = arith.constant 14 : i32
      %dma_wait3A_398 = arith.constant 1792 : i32
      %dma_wait3A_399 = arith.constant 0 : i32
      %dma_wait3A_400 = tpu.memref_slice %arg12[%dma_wait3A_398, %dma_wait3A_399] : memref<2048x32xbf16, #tpu.memory_space<vmem>> -> memref<128x32xbf16, #tpu.memory_space<vmem>>
      %dma_wait3A_401 = arith.constant 0 : i32
      %dma_wait3A_402 = tpu.memref_slice %arg11[%dma_wait3A_397, %dma_wait3A_401] : memref<20x128xi32, #tpu.memory_space<vmem>> -> memref<1x128xi32, #tpu.memory_space<vmem>>
      %dma_wait3A_403 = tpu.memref_squeeze %dma_wait3A_402 : memref<1x128xi32, #tpu.memory_space<vmem>> -> memref<128xi32, #tpu.memory_space<vmem>>
      %dma_wait3A_404 = arith.constant 0 : i32
      %dma_wait3A_405 = arith.constant 0 : i32
      %dma_wait3A_406 = tpu.memref_slice %arg7[%dma_wait3A_404, %dma_wait3A_405] : memref<100000x32xbf16, #tpu.memory_space<hbm>> -> memref<100000x32xbf16, #tpu.memory_space<hbm>>
      tpu.wait_indirect_dma semaphore(%arg15 : memref<!tpu.dma_semaphore, #tpu.memory_space<semaphore_mem>>) src(%dma_wait3A_406 : memref<100000x32xbf16, #tpu.memory_space<hbm>>) dst(%dma_wait3A_400 : memref<128x32xbf16, #tpu.memory_space<vmem>>)
      %dma_wait3A_407 = arith.constant 15 : i32
      %dma_wait3A_408 = arith.constant 1920 : i32
      %dma_wait3A_409 = arith.constant 0 : i32
      %dma_wait3A_410 = tpu.memref_slice %arg12[%dma_wait3A_408, %dma_wait3A_409] : memref<2048x32xbf16, #tpu.memory_space<vmem>> -> memref<128x32xbf16, #tpu.memory_space<vmem>>
      %dma_wait3A_411 = arith.constant 0 : i32
      %dma_wait3A_412 = tpu.memref_slice %arg11[%dma_wait3A_407, %dma_wait3A_411] : memref<20x128xi32, #tpu.memory_space<vmem>> -> memref<1x128xi32, #tpu.memory_space<vmem>>
      %dma_wait3A_413 = tpu.memref_squeeze %dma_wait3A_412 : memref<1x128xi32, #tpu.memory_space<vmem>> -> memref<128xi32, #tpu.memory_space<vmem>>
      %dma_wait3A_414 = arith.constant 0 : i32
      %dma_wait3A_415 = arith.constant 0 : i32
      %dma_wait3A_416 = tpu.memref_slice %arg7[%dma_wait3A_414, %dma_wait3A_415] : memref<100000x32xbf16, #tpu.memory_space<hbm>> -> memref<100000x32xbf16, #tpu.memory_space<hbm>>
      tpu.wait_indirect_dma semaphore(%arg15 : memref<!tpu.dma_semaphore, #tpu.memory_space<semaphore_mem>>) src(%dma_wait3A_416 : memref<100000x32xbf16, #tpu.memory_space<hbm>>) dst(%dma_wait3A_410 : memref<128x32xbf16, #tpu.memory_space<vmem>>)
      %mul3A_417 = arith.constant 160 : i32
      %mul3A_418 = arith.muli %add3A, %mul3A_417 : i32
      %mul3A_419 = arith.constant 128 : i32
      %mul3A_420 = arith.muli %mul3A_418, %mul3A_419 : i32
      %mul3A_421 = arith.constant 16 : i32
      %mul3A_422 = arith.muli %scan3A_94, %mul3A_421 : i32
      %mul3A_423 = arith.constant 128 : i32
      %mul3A_424 = arith.muli %mul3A_422, %mul3A_423 : i32
      %add3A_425 = arith.addi %mul3A_420, %mul3A_424 : i32
      "tpu.region"() ({
        %run_scoped3A = tpu.sem_alloc : memref<!tpu.dma_semaphore, #tpu.memory_space<semaphore_mem>>
        %dma_start3A_426 = arith.constant 0 : i32
        %dma_start3A_427 = tpu.memref_slice %arg10[%add3A_425, %dma_start3A_426] : memref<655360x32xbf16, #tpu.memory_space<hbm>> -> memref<2048x32xbf16, #tpu.memory_space<hbm>>
        %dma_start3A_428 = arith.constant 0 : i32
        %dma_start3A_429 = tpu.memref_slice %arg10[%add3A_425, %dma_start3A_428] : memref<655360x32xbf16, #tpu.memory_space<hbm>> -> memref<2048x32xbf16, #tpu.memory_space<hbm>>
        tpu.enqueue_dma source(%arg12 : memref<2048x32xbf16, #tpu.memory_space<vmem>>) target(%dma_start3A_429 : memref<2048x32xbf16, #tpu.memory_space<hbm>>) target_semaphore(%run_scoped3A : memref<!tpu.dma_semaphore, #tpu.memory_space<semaphore_mem>>)
        %dma_wait3A_430 = arith.constant 0 : i32
        %dma_wait3A_431 = tpu.memref_slice %arg10[%add3A_425, %dma_wait3A_430] : memref<655360x32xbf16, #tpu.memory_space<hbm>> -> memref<2048x32xbf16, #tpu.memory_space<hbm>>
        %dma_wait3A_432 = arith.constant 0 : i32
        %dma_wait3A_433 = tpu.memref_slice %arg10[%add3A_425, %dma_wait3A_432] : memref<655360x32xbf16, #tpu.memory_space<hbm>> -> memref<2048x32xbf16, #tpu.memory_space<hbm>>
        tpu.wait_dma2 semaphore(%run_scoped3A : memref<!tpu.dma_semaphore, #tpu.memory_space<semaphore_mem>>) src(%arg12 : memref<2048x32xbf16, #tpu.memory_space<vmem>>) dst(%dma_wait3A_433 : memref<2048x32xbf16, #tpu.memory_space<hbm>>)
        tpu.yield
      }) : () -> ()
    }
    %scan3A_93 = arith.constant 10 : i32
    return
  }
}

#map = affine_map<(d0, d1) -> (0, 0, 0)>
#map1 = affine_map<(d0, d1) -> (0, 0)>
module attributes {stable_mosaic.version = 14 : i64} {
  func.func @_sc_ids_body(%arg0: i32, %arg1: i32, %arg2: memref<32x4x128xi32, #tpu.memory_space<hbm>>, %arg3: memref<32x4x128xi32, #tpu.memory_space<hbm>>, %arg4: memref<1000000x64xf32, #tpu.memory_space<hbm>>, %arg5: memref<1000000x64xf32, #tpu.memory_space<hbm>>, %arg6: memref<16384x64xf32, #tpu.memory_space<hbm>>, %arg7: memref<16384x64xf32, #tpu.memory_space<hbm>>, %arg8: memref<4x128xi32, #tpu.memory_space<vmem>>, %arg9: memref<512x64xf32, #tpu.memory_space<vmem>>, %arg10: memref<!tpu.dma_semaphore, #tpu.memory_space<semaphore_mem>>) attributes {dimension_semantics = [#tpu.dimension_semantics<core_parallel>, #tpu.dimension_semantics<subcore_parallel>], iteration_bounds = array<i64: 2, 16>, scalar_prefetch = 0 : i64, scratch_operands = 3 : i64, tpu.core_type = #tpu.core_type<sc_vector_subcore>, window_params = [{transform_indices = #map}, {transform_indices = #map}, {transform_indices = #map1}, {transform_indices = #map1}, {transform_indices = #map1}, {transform_indices = #map1}]} {
    %mul3A = arith.constant 2 : i32
    %mul3A_0 = arith.muli %arg1, %mul3A : i32
    %add3A = arith.addi %mul3A_0, %arg0 : i32
    "tpu.region"() ({
      %run_scoped3A = tpu.sem_alloc : memref<!tpu.dma_semaphore, #tpu.memory_space<semaphore_mem>>
      %dma_start3A_167 = arith.constant 0 : i32
      %dma_start3A_168 = arith.constant 0 : i32
      %dma_start3A_169 = tpu.memref_slice %arg8[%dma_start3A_167, %dma_start3A_168] : memref<4x128xi32, #tpu.memory_space<vmem>> -> memref<4x128xi32, #tpu.memory_space<vmem>>
      %dma_start3A_170 = arith.constant 0 : i32
      %dma_start3A_171 = arith.constant 0 : i32
      %dma_start3A_172 = tpu.memref_slice %arg2[%add3A, %dma_start3A_170, %dma_start3A_171] : memref<32x4x128xi32, #tpu.memory_space<hbm>> -> memref<1x4x128xi32, #tpu.memory_space<hbm>>
      %dma_start3A_173 = tpu.memref_squeeze %dma_start3A_172 : memref<1x4x128xi32, #tpu.memory_space<hbm>> -> memref<4x128xi32, #tpu.memory_space<hbm>>
      %dma_start3A_174 = arith.constant 0 : i32
      %dma_start3A_175 = arith.constant 0 : i32
      %dma_start3A_176 = tpu.memref_slice %arg8[%dma_start3A_174, %dma_start3A_175] : memref<4x128xi32, #tpu.memory_space<vmem>> -> memref<4x128xi32, #tpu.memory_space<vmem>>
      %dma_start3A_177 = arith.constant 0 : i32
      %dma_start3A_178 = arith.constant 0 : i32
      %dma_start3A_179 = tpu.memref_slice %arg2[%add3A, %dma_start3A_177, %dma_start3A_178] : memref<32x4x128xi32, #tpu.memory_space<hbm>> -> memref<1x4x128xi32, #tpu.memory_space<hbm>>
      %dma_start3A_180 = tpu.memref_squeeze %dma_start3A_179 : memref<1x4x128xi32, #tpu.memory_space<hbm>> -> memref<4x128xi32, #tpu.memory_space<hbm>>
      tpu.enqueue_dma source(%dma_start3A_180 : memref<4x128xi32, #tpu.memory_space<hbm>>) target(%dma_start3A_176 : memref<4x128xi32, #tpu.memory_space<vmem>>) target_semaphore(%run_scoped3A : memref<!tpu.dma_semaphore, #tpu.memory_space<semaphore_mem>>)
      %dma_wait3A_181 = arith.constant 0 : i32
      %dma_wait3A_182 = arith.constant 0 : i32
      %dma_wait3A_183 = tpu.memref_slice %arg8[%dma_wait3A_181, %dma_wait3A_182] : memref<4x128xi32, #tpu.memory_space<vmem>> -> memref<4x128xi32, #tpu.memory_space<vmem>>
      %dma_wait3A_184 = arith.constant 0 : i32
      %dma_wait3A_185 = arith.constant 0 : i32
      %dma_wait3A_186 = tpu.memref_slice %arg2[%add3A, %dma_wait3A_184, %dma_wait3A_185] : memref<32x4x128xi32, #tpu.memory_space<hbm>> -> memref<1x4x128xi32, #tpu.memory_space<hbm>>
      %dma_wait3A_187 = tpu.memref_squeeze %dma_wait3A_186 : memref<1x4x128xi32, #tpu.memory_space<hbm>> -> memref<4x128xi32, #tpu.memory_space<hbm>>
      %dma_wait3A_188 = arith.constant 0 : i32
      %dma_wait3A_189 = arith.constant 0 : i32
      %dma_wait3A_190 = tpu.memref_slice %arg8[%dma_wait3A_188, %dma_wait3A_189] : memref<4x128xi32, #tpu.memory_space<vmem>> -> memref<4x128xi32, #tpu.memory_space<vmem>>
      %dma_wait3A_191 = arith.constant 0 : i32
      %dma_wait3A_192 = arith.constant 0 : i32
      %dma_wait3A_193 = tpu.memref_slice %arg2[%add3A, %dma_wait3A_191, %dma_wait3A_192] : memref<32x4x128xi32, #tpu.memory_space<hbm>> -> memref<1x4x128xi32, #tpu.memory_space<hbm>>
      %dma_wait3A_194 = tpu.memref_squeeze %dma_wait3A_193 : memref<1x4x128xi32, #tpu.memory_space<hbm>> -> memref<4x128xi32, #tpu.memory_space<hbm>>
      tpu.wait_dma2 semaphore(%run_scoped3A : memref<!tpu.dma_semaphore, #tpu.memory_space<semaphore_mem>>) src(%dma_wait3A_194 : memref<4x128xi32, #tpu.memory_space<hbm>>) dst(%dma_wait3A_190 : memref<4x128xi32, #tpu.memory_space<vmem>>)
      tpu.yield
    }) : () -> ()
    %dma_start3A = arith.constant 0 : i32
    %dma_start3A_1 = arith.constant 0 : i32
    %dma_start3A_2 = arith.constant 0 : i32
    %dma_start3A_3 = tpu.memref_slice %arg9[%dma_start3A_1, %dma_start3A_2] : memref<512x64xf32, #tpu.memory_space<vmem>> -> memref<128x64xf32, #tpu.memory_space<vmem>>
    %dma_start3A_4 = arith.constant 0 : i32
    %dma_start3A_5 = tpu.memref_slice %arg8[%dma_start3A, %dma_start3A_4] : memref<4x128xi32, #tpu.memory_space<vmem>> -> memref<1x128xi32, #tpu.memory_space<vmem>>
    %dma_start3A_6 = tpu.memref_squeeze %dma_start3A_5 : memref<1x128xi32, #tpu.memory_space<vmem>> -> memref<128xi32, #tpu.memory_space<vmem>>
    %dma_start3A_7 = arith.constant 0 : i32
    %dma_start3A_8 = arith.constant 0 : i32
    %dma_start3A_9 = tpu.memref_slice %arg4[%dma_start3A_7, %dma_start3A_8] : memref<1000000x64xf32, #tpu.memory_space<hbm>> -> memref<1000000x64xf32, #tpu.memory_space<hbm>>
    tpu.enqueue_indirect_dma source(%dma_start3A_9 : memref<1000000x64xf32, #tpu.memory_space<hbm>>) target(%dma_start3A_3 : memref<128x64xf32, #tpu.memory_space<vmem>>) offsets(%dma_start3A_6 : memref<128xi32, #tpu.memory_space<vmem>>) semaphore(%arg10 : memref<!tpu.dma_semaphore, #tpu.memory_space<semaphore_mem>>)
    %dma_start3A_10 = arith.constant 1 : i32
    %dma_start3A_11 = arith.constant 128 : i32
    %dma_start3A_12 = arith.constant 0 : i32
    %dma_start3A_13 = tpu.memref_slice %arg9[%dma_start3A_11, %dma_start3A_12] : memref<512x64xf32, #tpu.memory_space<vmem>> -> memref<128x64xf32, #tpu.memory_space<vmem>>
    %dma_start3A_14 = arith.constant 0 : i32
    %dma_start3A_15 = tpu.memref_slice %arg8[%dma_start3A_10, %dma_start3A_14] : memref<4x128xi32, #tpu.memory_space<vmem>> -> memref<1x128xi32, #tpu.memory_space<vmem>>
    %dma_start3A_16 = tpu.memref_squeeze %dma_start3A_15 : memref<1x128xi32, #tpu.memory_space<vmem>> -> memref<128xi32, #tpu.memory_space<vmem>>
    %dma_start3A_17 = arith.constant 0 : i32
    %dma_start3A_18 = arith.constant 0 : i32
    %dma_start3A_19 = tpu.memref_slice %arg4[%dma_start3A_17, %dma_start3A_18] : memref<1000000x64xf32, #tpu.memory_space<hbm>> -> memref<1000000x64xf32, #tpu.memory_space<hbm>>
    tpu.enqueue_indirect_dma source(%dma_start3A_19 : memref<1000000x64xf32, #tpu.memory_space<hbm>>) target(%dma_start3A_13 : memref<128x64xf32, #tpu.memory_space<vmem>>) offsets(%dma_start3A_16 : memref<128xi32, #tpu.memory_space<vmem>>) semaphore(%arg10 : memref<!tpu.dma_semaphore, #tpu.memory_space<semaphore_mem>>)
    %dma_start3A_20 = arith.constant 2 : i32
    %dma_start3A_21 = arith.constant 256 : i32
    %dma_start3A_22 = arith.constant 0 : i32
    %dma_start3A_23 = tpu.memref_slice %arg9[%dma_start3A_21, %dma_start3A_22] : memref<512x64xf32, #tpu.memory_space<vmem>> -> memref<128x64xf32, #tpu.memory_space<vmem>>
    %dma_start3A_24 = arith.constant 0 : i32
    %dma_start3A_25 = tpu.memref_slice %arg8[%dma_start3A_20, %dma_start3A_24] : memref<4x128xi32, #tpu.memory_space<vmem>> -> memref<1x128xi32, #tpu.memory_space<vmem>>
    %dma_start3A_26 = tpu.memref_squeeze %dma_start3A_25 : memref<1x128xi32, #tpu.memory_space<vmem>> -> memref<128xi32, #tpu.memory_space<vmem>>
    %dma_start3A_27 = arith.constant 0 : i32
    %dma_start3A_28 = arith.constant 0 : i32
    %dma_start3A_29 = tpu.memref_slice %arg4[%dma_start3A_27, %dma_start3A_28] : memref<1000000x64xf32, #tpu.memory_space<hbm>> -> memref<1000000x64xf32, #tpu.memory_space<hbm>>
    tpu.enqueue_indirect_dma source(%dma_start3A_29 : memref<1000000x64xf32, #tpu.memory_space<hbm>>) target(%dma_start3A_23 : memref<128x64xf32, #tpu.memory_space<vmem>>) offsets(%dma_start3A_26 : memref<128xi32, #tpu.memory_space<vmem>>) semaphore(%arg10 : memref<!tpu.dma_semaphore, #tpu.memory_space<semaphore_mem>>)
    %dma_start3A_30 = arith.constant 3 : i32
    %dma_start3A_31 = arith.constant 384 : i32
    %dma_start3A_32 = arith.constant 0 : i32
    %dma_start3A_33 = tpu.memref_slice %arg9[%dma_start3A_31, %dma_start3A_32] : memref<512x64xf32, #tpu.memory_space<vmem>> -> memref<128x64xf32, #tpu.memory_space<vmem>>
    %dma_start3A_34 = arith.constant 0 : i32
    %dma_start3A_35 = tpu.memref_slice %arg8[%dma_start3A_30, %dma_start3A_34] : memref<4x128xi32, #tpu.memory_space<vmem>> -> memref<1x128xi32, #tpu.memory_space<vmem>>
    %dma_start3A_36 = tpu.memref_squeeze %dma_start3A_35 : memref<1x128xi32, #tpu.memory_space<vmem>> -> memref<128xi32, #tpu.memory_space<vmem>>
    %dma_start3A_37 = arith.constant 0 : i32
    %dma_start3A_38 = arith.constant 0 : i32
    %dma_start3A_39 = tpu.memref_slice %arg4[%dma_start3A_37, %dma_start3A_38] : memref<1000000x64xf32, #tpu.memory_space<hbm>> -> memref<1000000x64xf32, #tpu.memory_space<hbm>>
    tpu.enqueue_indirect_dma source(%dma_start3A_39 : memref<1000000x64xf32, #tpu.memory_space<hbm>>) target(%dma_start3A_33 : memref<128x64xf32, #tpu.memory_space<vmem>>) offsets(%dma_start3A_36 : memref<128xi32, #tpu.memory_space<vmem>>) semaphore(%arg10 : memref<!tpu.dma_semaphore, #tpu.memory_space<semaphore_mem>>)
    %dma_wait3A = arith.constant 0 : i32
    %dma_wait3A_40 = arith.constant 0 : i32
    %dma_wait3A_41 = arith.constant 0 : i32
    %dma_wait3A_42 = tpu.memref_slice %arg9[%dma_wait3A_40, %dma_wait3A_41] : memref<512x64xf32, #tpu.memory_space<vmem>> -> memref<128x64xf32, #tpu.memory_space<vmem>>
    %dma_wait3A_43 = arith.constant 0 : i32
    %dma_wait3A_44 = tpu.memref_slice %arg8[%dma_wait3A, %dma_wait3A_43] : memref<4x128xi32, #tpu.memory_space<vmem>> -> memref<1x128xi32, #tpu.memory_space<vmem>>
    %dma_wait3A_45 = tpu.memref_squeeze %dma_wait3A_44 : memref<1x128xi32, #tpu.memory_space<vmem>> -> memref<128xi32, #tpu.memory_space<vmem>>
    %dma_wait3A_46 = arith.constant 0 : i32
    %dma_wait3A_47 = arith.constant 0 : i32
    %dma_wait3A_48 = tpu.memref_slice %arg4[%dma_wait3A_46, %dma_wait3A_47] : memref<1000000x64xf32, #tpu.memory_space<hbm>> -> memref<1000000x64xf32, #tpu.memory_space<hbm>>
    tpu.wait_indirect_dma semaphore(%arg10 : memref<!tpu.dma_semaphore, #tpu.memory_space<semaphore_mem>>) src(%dma_wait3A_48 : memref<1000000x64xf32, #tpu.memory_space<hbm>>) dst(%dma_wait3A_42 : memref<128x64xf32, #tpu.memory_space<vmem>>)
    %dma_wait3A_49 = arith.constant 1 : i32
    %dma_wait3A_50 = arith.constant 128 : i32
    %dma_wait3A_51 = arith.constant 0 : i32
    %dma_wait3A_52 = tpu.memref_slice %arg9[%dma_wait3A_50, %dma_wait3A_51] : memref<512x64xf32, #tpu.memory_space<vmem>> -> memref<128x64xf32, #tpu.memory_space<vmem>>
    %dma_wait3A_53 = arith.constant 0 : i32
    %dma_wait3A_54 = tpu.memref_slice %arg8[%dma_wait3A_49, %dma_wait3A_53] : memref<4x128xi32, #tpu.memory_space<vmem>> -> memref<1x128xi32, #tpu.memory_space<vmem>>
    %dma_wait3A_55 = tpu.memref_squeeze %dma_wait3A_54 : memref<1x128xi32, #tpu.memory_space<vmem>> -> memref<128xi32, #tpu.memory_space<vmem>>
    %dma_wait3A_56 = arith.constant 0 : i32
    %dma_wait3A_57 = arith.constant 0 : i32
    %dma_wait3A_58 = tpu.memref_slice %arg4[%dma_wait3A_56, %dma_wait3A_57] : memref<1000000x64xf32, #tpu.memory_space<hbm>> -> memref<1000000x64xf32, #tpu.memory_space<hbm>>
    tpu.wait_indirect_dma semaphore(%arg10 : memref<!tpu.dma_semaphore, #tpu.memory_space<semaphore_mem>>) src(%dma_wait3A_58 : memref<1000000x64xf32, #tpu.memory_space<hbm>>) dst(%dma_wait3A_52 : memref<128x64xf32, #tpu.memory_space<vmem>>)
    %dma_wait3A_59 = arith.constant 2 : i32
    %dma_wait3A_60 = arith.constant 256 : i32
    %dma_wait3A_61 = arith.constant 0 : i32
    %dma_wait3A_62 = tpu.memref_slice %arg9[%dma_wait3A_60, %dma_wait3A_61] : memref<512x64xf32, #tpu.memory_space<vmem>> -> memref<128x64xf32, #tpu.memory_space<vmem>>
    %dma_wait3A_63 = arith.constant 0 : i32
    %dma_wait3A_64 = tpu.memref_slice %arg8[%dma_wait3A_59, %dma_wait3A_63] : memref<4x128xi32, #tpu.memory_space<vmem>> -> memref<1x128xi32, #tpu.memory_space<vmem>>
    %dma_wait3A_65 = tpu.memref_squeeze %dma_wait3A_64 : memref<1x128xi32, #tpu.memory_space<vmem>> -> memref<128xi32, #tpu.memory_space<vmem>>
    %dma_wait3A_66 = arith.constant 0 : i32
    %dma_wait3A_67 = arith.constant 0 : i32
    %dma_wait3A_68 = tpu.memref_slice %arg4[%dma_wait3A_66, %dma_wait3A_67] : memref<1000000x64xf32, #tpu.memory_space<hbm>> -> memref<1000000x64xf32, #tpu.memory_space<hbm>>
    tpu.wait_indirect_dma semaphore(%arg10 : memref<!tpu.dma_semaphore, #tpu.memory_space<semaphore_mem>>) src(%dma_wait3A_68 : memref<1000000x64xf32, #tpu.memory_space<hbm>>) dst(%dma_wait3A_62 : memref<128x64xf32, #tpu.memory_space<vmem>>)
    %dma_wait3A_69 = arith.constant 3 : i32
    %dma_wait3A_70 = arith.constant 384 : i32
    %dma_wait3A_71 = arith.constant 0 : i32
    %dma_wait3A_72 = tpu.memref_slice %arg9[%dma_wait3A_70, %dma_wait3A_71] : memref<512x64xf32, #tpu.memory_space<vmem>> -> memref<128x64xf32, #tpu.memory_space<vmem>>
    %dma_wait3A_73 = arith.constant 0 : i32
    %dma_wait3A_74 = tpu.memref_slice %arg8[%dma_wait3A_69, %dma_wait3A_73] : memref<4x128xi32, #tpu.memory_space<vmem>> -> memref<1x128xi32, #tpu.memory_space<vmem>>
    %dma_wait3A_75 = tpu.memref_squeeze %dma_wait3A_74 : memref<1x128xi32, #tpu.memory_space<vmem>> -> memref<128xi32, #tpu.memory_space<vmem>>
    %dma_wait3A_76 = arith.constant 0 : i32
    %dma_wait3A_77 = arith.constant 0 : i32
    %dma_wait3A_78 = tpu.memref_slice %arg4[%dma_wait3A_76, %dma_wait3A_77] : memref<1000000x64xf32, #tpu.memory_space<hbm>> -> memref<1000000x64xf32, #tpu.memory_space<hbm>>
    tpu.wait_indirect_dma semaphore(%arg10 : memref<!tpu.dma_semaphore, #tpu.memory_space<semaphore_mem>>) src(%dma_wait3A_78 : memref<1000000x64xf32, #tpu.memory_space<hbm>>) dst(%dma_wait3A_72 : memref<128x64xf32, #tpu.memory_space<vmem>>)
    %mul3A_79 = arith.constant 4 : i32
    %mul3A_80 = arith.muli %add3A, %mul3A_79 : i32
    %mul3A_81 = arith.constant 128 : i32
    %mul3A_82 = arith.muli %mul3A_80, %mul3A_81 : i32
    "tpu.region"() ({
      %run_scoped3A = tpu.sem_alloc : memref<!tpu.dma_semaphore, #tpu.memory_space<semaphore_mem>>
      %dma_start3A_167 = arith.constant 0 : i32
      %dma_start3A_168 = tpu.memref_slice %arg6[%mul3A_82, %dma_start3A_167] : memref<16384x64xf32, #tpu.memory_space<hbm>> -> memref<512x64xf32, #tpu.memory_space<hbm>>
      %dma_start3A_169 = arith.constant 0 : i32
      %dma_start3A_170 = tpu.memref_slice %arg6[%mul3A_82, %dma_start3A_169] : memref<16384x64xf32, #tpu.memory_space<hbm>> -> memref<512x64xf32, #tpu.memory_space<hbm>>
      tpu.enqueue_dma source(%arg9 : memref<512x64xf32, #tpu.memory_space<vmem>>) target(%dma_start3A_170 : memref<512x64xf32, #tpu.memory_space<hbm>>) target_semaphore(%run_scoped3A : memref<!tpu.dma_semaphore, #tpu.memory_space<semaphore_mem>>)
      %dma_wait3A_171 = arith.constant 0 : i32
      %dma_wait3A_172 = tpu.memref_slice %arg6[%mul3A_82, %dma_wait3A_171] : memref<16384x64xf32, #tpu.memory_space<hbm>> -> memref<512x64xf32, #tpu.memory_space<hbm>>
      %dma_wait3A_173 = arith.constant 0 : i32
      %dma_wait3A_174 = tpu.memref_slice %arg6[%mul3A_82, %dma_wait3A_173] : memref<16384x64xf32, #tpu.memory_space<hbm>> -> memref<512x64xf32, #tpu.memory_space<hbm>>
      tpu.wait_dma2 semaphore(%run_scoped3A : memref<!tpu.dma_semaphore, #tpu.memory_space<semaphore_mem>>) src(%arg9 : memref<512x64xf32, #tpu.memory_space<vmem>>) dst(%dma_wait3A_174 : memref<512x64xf32, #tpu.memory_space<hbm>>)
      tpu.yield
    }) : () -> ()
    "tpu.region"() ({
      %run_scoped3A = tpu.sem_alloc : memref<!tpu.dma_semaphore, #tpu.memory_space<semaphore_mem>>
      %dma_start3A_167 = arith.constant 0 : i32
      %dma_start3A_168 = arith.constant 0 : i32
      %dma_start3A_169 = tpu.memref_slice %arg8[%dma_start3A_167, %dma_start3A_168] : memref<4x128xi32, #tpu.memory_space<vmem>> -> memref<4x128xi32, #tpu.memory_space<vmem>>
      %dma_start3A_170 = arith.constant 0 : i32
      %dma_start3A_171 = arith.constant 0 : i32
      %dma_start3A_172 = tpu.memref_slice %arg3[%add3A, %dma_start3A_170, %dma_start3A_171] : memref<32x4x128xi32, #tpu.memory_space<hbm>> -> memref<1x4x128xi32, #tpu.memory_space<hbm>>
      %dma_start3A_173 = tpu.memref_squeeze %dma_start3A_172 : memref<1x4x128xi32, #tpu.memory_space<hbm>> -> memref<4x128xi32, #tpu.memory_space<hbm>>
      %dma_start3A_174 = arith.constant 0 : i32
      %dma_start3A_175 = arith.constant 0 : i32
      %dma_start3A_176 = tpu.memref_slice %arg8[%dma_start3A_174, %dma_start3A_175] : memref<4x128xi32, #tpu.memory_space<vmem>> -> memref<4x128xi32, #tpu.memory_space<vmem>>
      %dma_start3A_177 = arith.constant 0 : i32
      %dma_start3A_178 = arith.constant 0 : i32
      %dma_start3A_179 = tpu.memref_slice %arg3[%add3A, %dma_start3A_177, %dma_start3A_178] : memref<32x4x128xi32, #tpu.memory_space<hbm>> -> memref<1x4x128xi32, #tpu.memory_space<hbm>>
      %dma_start3A_180 = tpu.memref_squeeze %dma_start3A_179 : memref<1x4x128xi32, #tpu.memory_space<hbm>> -> memref<4x128xi32, #tpu.memory_space<hbm>>
      tpu.enqueue_dma source(%dma_start3A_180 : memref<4x128xi32, #tpu.memory_space<hbm>>) target(%dma_start3A_176 : memref<4x128xi32, #tpu.memory_space<vmem>>) target_semaphore(%run_scoped3A : memref<!tpu.dma_semaphore, #tpu.memory_space<semaphore_mem>>)
      %dma_wait3A_181 = arith.constant 0 : i32
      %dma_wait3A_182 = arith.constant 0 : i32
      %dma_wait3A_183 = tpu.memref_slice %arg8[%dma_wait3A_181, %dma_wait3A_182] : memref<4x128xi32, #tpu.memory_space<vmem>> -> memref<4x128xi32, #tpu.memory_space<vmem>>
      %dma_wait3A_184 = arith.constant 0 : i32
      %dma_wait3A_185 = arith.constant 0 : i32
      %dma_wait3A_186 = tpu.memref_slice %arg3[%add3A, %dma_wait3A_184, %dma_wait3A_185] : memref<32x4x128xi32, #tpu.memory_space<hbm>> -> memref<1x4x128xi32, #tpu.memory_space<hbm>>
      %dma_wait3A_187 = tpu.memref_squeeze %dma_wait3A_186 : memref<1x4x128xi32, #tpu.memory_space<hbm>> -> memref<4x128xi32, #tpu.memory_space<hbm>>
      %dma_wait3A_188 = arith.constant 0 : i32
      %dma_wait3A_189 = arith.constant 0 : i32
      %dma_wait3A_190 = tpu.memref_slice %arg8[%dma_wait3A_188, %dma_wait3A_189] : memref<4x128xi32, #tpu.memory_space<vmem>> -> memref<4x128xi32, #tpu.memory_space<vmem>>
      %dma_wait3A_191 = arith.constant 0 : i32
      %dma_wait3A_192 = arith.constant 0 : i32
      %dma_wait3A_193 = tpu.memref_slice %arg3[%add3A, %dma_wait3A_191, %dma_wait3A_192] : memref<32x4x128xi32, #tpu.memory_space<hbm>> -> memref<1x4x128xi32, #tpu.memory_space<hbm>>
      %dma_wait3A_194 = tpu.memref_squeeze %dma_wait3A_193 : memref<1x4x128xi32, #tpu.memory_space<hbm>> -> memref<4x128xi32, #tpu.memory_space<hbm>>
      tpu.wait_dma2 semaphore(%run_scoped3A : memref<!tpu.dma_semaphore, #tpu.memory_space<semaphore_mem>>) src(%dma_wait3A_194 : memref<4x128xi32, #tpu.memory_space<hbm>>) dst(%dma_wait3A_190 : memref<4x128xi32, #tpu.memory_space<vmem>>)
      tpu.yield
    }) : () -> ()
    %dma_start3A_83 = arith.constant 0 : i32
    %dma_start3A_84 = arith.constant 0 : i32
    %dma_start3A_85 = arith.constant 0 : i32
    %dma_start3A_86 = tpu.memref_slice %arg9[%dma_start3A_84, %dma_start3A_85] : memref<512x64xf32, #tpu.memory_space<vmem>> -> memref<128x64xf32, #tpu.memory_space<vmem>>
    %dma_start3A_87 = arith.constant 0 : i32
    %dma_start3A_88 = tpu.memref_slice %arg8[%dma_start3A_83, %dma_start3A_87] : memref<4x128xi32, #tpu.memory_space<vmem>> -> memref<1x128xi32, #tpu.memory_space<vmem>>
    %dma_start3A_89 = tpu.memref_squeeze %dma_start3A_88 : memref<1x128xi32, #tpu.memory_space<vmem>> -> memref<128xi32, #tpu.memory_space<vmem>>
    %dma_start3A_90 = arith.constant 0 : i32
    %dma_start3A_91 = arith.constant 0 : i32
    %dma_start3A_92 = tpu.memref_slice %arg5[%dma_start3A_90, %dma_start3A_91] : memref<1000000x64xf32, #tpu.memory_space<hbm>> -> memref<1000000x64xf32, #tpu.memory_space<hbm>>
    tpu.enqueue_indirect_dma source(%dma_start3A_92 : memref<1000000x64xf32, #tpu.memory_space<hbm>>) target(%dma_start3A_86 : memref<128x64xf32, #tpu.memory_space<vmem>>) offsets(%dma_start3A_89 : memref<128xi32, #tpu.memory_space<vmem>>) semaphore(%arg10 : memref<!tpu.dma_semaphore, #tpu.memory_space<semaphore_mem>>)
    %dma_start3A_93 = arith.constant 1 : i32
    %dma_start3A_94 = arith.constant 128 : i32
    %dma_start3A_95 = arith.constant 0 : i32
    %dma_start3A_96 = tpu.memref_slice %arg9[%dma_start3A_94, %dma_start3A_95] : memref<512x64xf32, #tpu.memory_space<vmem>> -> memref<128x64xf32, #tpu.memory_space<vmem>>
    %dma_start3A_97 = arith.constant 0 : i32
    %dma_start3A_98 = tpu.memref_slice %arg8[%dma_start3A_93, %dma_start3A_97] : memref<4x128xi32, #tpu.memory_space<vmem>> -> memref<1x128xi32, #tpu.memory_space<vmem>>
    %dma_start3A_99 = tpu.memref_squeeze %dma_start3A_98 : memref<1x128xi32, #tpu.memory_space<vmem>> -> memref<128xi32, #tpu.memory_space<vmem>>
    %dma_start3A_100 = arith.constant 0 : i32
    %dma_start3A_101 = arith.constant 0 : i32
    %dma_start3A_102 = tpu.memref_slice %arg5[%dma_start3A_100, %dma_start3A_101] : memref<1000000x64xf32, #tpu.memory_space<hbm>> -> memref<1000000x64xf32, #tpu.memory_space<hbm>>
    tpu.enqueue_indirect_dma source(%dma_start3A_102 : memref<1000000x64xf32, #tpu.memory_space<hbm>>) target(%dma_start3A_96 : memref<128x64xf32, #tpu.memory_space<vmem>>) offsets(%dma_start3A_99 : memref<128xi32, #tpu.memory_space<vmem>>) semaphore(%arg10 : memref<!tpu.dma_semaphore, #tpu.memory_space<semaphore_mem>>)
    %dma_start3A_103 = arith.constant 2 : i32
    %dma_start3A_104 = arith.constant 256 : i32
    %dma_start3A_105 = arith.constant 0 : i32
    %dma_start3A_106 = tpu.memref_slice %arg9[%dma_start3A_104, %dma_start3A_105] : memref<512x64xf32, #tpu.memory_space<vmem>> -> memref<128x64xf32, #tpu.memory_space<vmem>>
    %dma_start3A_107 = arith.constant 0 : i32
    %dma_start3A_108 = tpu.memref_slice %arg8[%dma_start3A_103, %dma_start3A_107] : memref<4x128xi32, #tpu.memory_space<vmem>> -> memref<1x128xi32, #tpu.memory_space<vmem>>
    %dma_start3A_109 = tpu.memref_squeeze %dma_start3A_108 : memref<1x128xi32, #tpu.memory_space<vmem>> -> memref<128xi32, #tpu.memory_space<vmem>>
    %dma_start3A_110 = arith.constant 0 : i32
    %dma_start3A_111 = arith.constant 0 : i32
    %dma_start3A_112 = tpu.memref_slice %arg5[%dma_start3A_110, %dma_start3A_111] : memref<1000000x64xf32, #tpu.memory_space<hbm>> -> memref<1000000x64xf32, #tpu.memory_space<hbm>>
    tpu.enqueue_indirect_dma source(%dma_start3A_112 : memref<1000000x64xf32, #tpu.memory_space<hbm>>) target(%dma_start3A_106 : memref<128x64xf32, #tpu.memory_space<vmem>>) offsets(%dma_start3A_109 : memref<128xi32, #tpu.memory_space<vmem>>) semaphore(%arg10 : memref<!tpu.dma_semaphore, #tpu.memory_space<semaphore_mem>>)
    %dma_start3A_113 = arith.constant 3 : i32
    %dma_start3A_114 = arith.constant 384 : i32
    %dma_start3A_115 = arith.constant 0 : i32
    %dma_start3A_116 = tpu.memref_slice %arg9[%dma_start3A_114, %dma_start3A_115] : memref<512x64xf32, #tpu.memory_space<vmem>> -> memref<128x64xf32, #tpu.memory_space<vmem>>
    %dma_start3A_117 = arith.constant 0 : i32
    %dma_start3A_118 = tpu.memref_slice %arg8[%dma_start3A_113, %dma_start3A_117] : memref<4x128xi32, #tpu.memory_space<vmem>> -> memref<1x128xi32, #tpu.memory_space<vmem>>
    %dma_start3A_119 = tpu.memref_squeeze %dma_start3A_118 : memref<1x128xi32, #tpu.memory_space<vmem>> -> memref<128xi32, #tpu.memory_space<vmem>>
    %dma_start3A_120 = arith.constant 0 : i32
    %dma_start3A_121 = arith.constant 0 : i32
    %dma_start3A_122 = tpu.memref_slice %arg5[%dma_start3A_120, %dma_start3A_121] : memref<1000000x64xf32, #tpu.memory_space<hbm>> -> memref<1000000x64xf32, #tpu.memory_space<hbm>>
    tpu.enqueue_indirect_dma source(%dma_start3A_122 : memref<1000000x64xf32, #tpu.memory_space<hbm>>) target(%dma_start3A_116 : memref<128x64xf32, #tpu.memory_space<vmem>>) offsets(%dma_start3A_119 : memref<128xi32, #tpu.memory_space<vmem>>) semaphore(%arg10 : memref<!tpu.dma_semaphore, #tpu.memory_space<semaphore_mem>>)
    %dma_wait3A_123 = arith.constant 0 : i32
    %dma_wait3A_124 = arith.constant 0 : i32
    %dma_wait3A_125 = arith.constant 0 : i32
    %dma_wait3A_126 = tpu.memref_slice %arg9[%dma_wait3A_124, %dma_wait3A_125] : memref<512x64xf32, #tpu.memory_space<vmem>> -> memref<128x64xf32, #tpu.memory_space<vmem>>
    %dma_wait3A_127 = arith.constant 0 : i32
    %dma_wait3A_128 = tpu.memref_slice %arg8[%dma_wait3A_123, %dma_wait3A_127] : memref<4x128xi32, #tpu.memory_space<vmem>> -> memref<1x128xi32, #tpu.memory_space<vmem>>
    %dma_wait3A_129 = tpu.memref_squeeze %dma_wait3A_128 : memref<1x128xi32, #tpu.memory_space<vmem>> -> memref<128xi32, #tpu.memory_space<vmem>>
    %dma_wait3A_130 = arith.constant 0 : i32
    %dma_wait3A_131 = arith.constant 0 : i32
    %dma_wait3A_132 = tpu.memref_slice %arg5[%dma_wait3A_130, %dma_wait3A_131] : memref<1000000x64xf32, #tpu.memory_space<hbm>> -> memref<1000000x64xf32, #tpu.memory_space<hbm>>
    tpu.wait_indirect_dma semaphore(%arg10 : memref<!tpu.dma_semaphore, #tpu.memory_space<semaphore_mem>>) src(%dma_wait3A_132 : memref<1000000x64xf32, #tpu.memory_space<hbm>>) dst(%dma_wait3A_126 : memref<128x64xf32, #tpu.memory_space<vmem>>)
    %dma_wait3A_133 = arith.constant 1 : i32
    %dma_wait3A_134 = arith.constant 128 : i32
    %dma_wait3A_135 = arith.constant 0 : i32
    %dma_wait3A_136 = tpu.memref_slice %arg9[%dma_wait3A_134, %dma_wait3A_135] : memref<512x64xf32, #tpu.memory_space<vmem>> -> memref<128x64xf32, #tpu.memory_space<vmem>>
    %dma_wait3A_137 = arith.constant 0 : i32
    %dma_wait3A_138 = tpu.memref_slice %arg8[%dma_wait3A_133, %dma_wait3A_137] : memref<4x128xi32, #tpu.memory_space<vmem>> -> memref<1x128xi32, #tpu.memory_space<vmem>>
    %dma_wait3A_139 = tpu.memref_squeeze %dma_wait3A_138 : memref<1x128xi32, #tpu.memory_space<vmem>> -> memref<128xi32, #tpu.memory_space<vmem>>
    %dma_wait3A_140 = arith.constant 0 : i32
    %dma_wait3A_141 = arith.constant 0 : i32
    %dma_wait3A_142 = tpu.memref_slice %arg5[%dma_wait3A_140, %dma_wait3A_141] : memref<1000000x64xf32, #tpu.memory_space<hbm>> -> memref<1000000x64xf32, #tpu.memory_space<hbm>>
    tpu.wait_indirect_dma semaphore(%arg10 : memref<!tpu.dma_semaphore, #tpu.memory_space<semaphore_mem>>) src(%dma_wait3A_142 : memref<1000000x64xf32, #tpu.memory_space<hbm>>) dst(%dma_wait3A_136 : memref<128x64xf32, #tpu.memory_space<vmem>>)
    %dma_wait3A_143 = arith.constant 2 : i32
    %dma_wait3A_144 = arith.constant 256 : i32
    %dma_wait3A_145 = arith.constant 0 : i32
    %dma_wait3A_146 = tpu.memref_slice %arg9[%dma_wait3A_144, %dma_wait3A_145] : memref<512x64xf32, #tpu.memory_space<vmem>> -> memref<128x64xf32, #tpu.memory_space<vmem>>
    %dma_wait3A_147 = arith.constant 0 : i32
    %dma_wait3A_148 = tpu.memref_slice %arg8[%dma_wait3A_143, %dma_wait3A_147] : memref<4x128xi32, #tpu.memory_space<vmem>> -> memref<1x128xi32, #tpu.memory_space<vmem>>
    %dma_wait3A_149 = tpu.memref_squeeze %dma_wait3A_148 : memref<1x128xi32, #tpu.memory_space<vmem>> -> memref<128xi32, #tpu.memory_space<vmem>>
    %dma_wait3A_150 = arith.constant 0 : i32
    %dma_wait3A_151 = arith.constant 0 : i32
    %dma_wait3A_152 = tpu.memref_slice %arg5[%dma_wait3A_150, %dma_wait3A_151] : memref<1000000x64xf32, #tpu.memory_space<hbm>> -> memref<1000000x64xf32, #tpu.memory_space<hbm>>
    tpu.wait_indirect_dma semaphore(%arg10 : memref<!tpu.dma_semaphore, #tpu.memory_space<semaphore_mem>>) src(%dma_wait3A_152 : memref<1000000x64xf32, #tpu.memory_space<hbm>>) dst(%dma_wait3A_146 : memref<128x64xf32, #tpu.memory_space<vmem>>)
    %dma_wait3A_153 = arith.constant 3 : i32
    %dma_wait3A_154 = arith.constant 384 : i32
    %dma_wait3A_155 = arith.constant 0 : i32
    %dma_wait3A_156 = tpu.memref_slice %arg9[%dma_wait3A_154, %dma_wait3A_155] : memref<512x64xf32, #tpu.memory_space<vmem>> -> memref<128x64xf32, #tpu.memory_space<vmem>>
    %dma_wait3A_157 = arith.constant 0 : i32
    %dma_wait3A_158 = tpu.memref_slice %arg8[%dma_wait3A_153, %dma_wait3A_157] : memref<4x128xi32, #tpu.memory_space<vmem>> -> memref<1x128xi32, #tpu.memory_space<vmem>>
    %dma_wait3A_159 = tpu.memref_squeeze %dma_wait3A_158 : memref<1x128xi32, #tpu.memory_space<vmem>> -> memref<128xi32, #tpu.memory_space<vmem>>
    %dma_wait3A_160 = arith.constant 0 : i32
    %dma_wait3A_161 = arith.constant 0 : i32
    %dma_wait3A_162 = tpu.memref_slice %arg5[%dma_wait3A_160, %dma_wait3A_161] : memref<1000000x64xf32, #tpu.memory_space<hbm>> -> memref<1000000x64xf32, #tpu.memory_space<hbm>>
    tpu.wait_indirect_dma semaphore(%arg10 : memref<!tpu.dma_semaphore, #tpu.memory_space<semaphore_mem>>) src(%dma_wait3A_162 : memref<1000000x64xf32, #tpu.memory_space<hbm>>) dst(%dma_wait3A_156 : memref<128x64xf32, #tpu.memory_space<vmem>>)
    %mul3A_163 = arith.constant 4 : i32
    %mul3A_164 = arith.muli %add3A, %mul3A_163 : i32
    %mul3A_165 = arith.constant 128 : i32
    %mul3A_166 = arith.muli %mul3A_164, %mul3A_165 : i32
    "tpu.region"() ({
      %run_scoped3A = tpu.sem_alloc : memref<!tpu.dma_semaphore, #tpu.memory_space<semaphore_mem>>
      %dma_start3A_167 = arith.constant 0 : i32
      %dma_start3A_168 = tpu.memref_slice %arg7[%mul3A_166, %dma_start3A_167] : memref<16384x64xf32, #tpu.memory_space<hbm>> -> memref<512x64xf32, #tpu.memory_space<hbm>>
      %dma_start3A_169 = arith.constant 0 : i32
      %dma_start3A_170 = tpu.memref_slice %arg7[%mul3A_166, %dma_start3A_169] : memref<16384x64xf32, #tpu.memory_space<hbm>> -> memref<512x64xf32, #tpu.memory_space<hbm>>
      tpu.enqueue_dma source(%arg9 : memref<512x64xf32, #tpu.memory_space<vmem>>) target(%dma_start3A_170 : memref<512x64xf32, #tpu.memory_space<hbm>>) target_semaphore(%run_scoped3A : memref<!tpu.dma_semaphore, #tpu.memory_space<semaphore_mem>>)
      %dma_wait3A_171 = arith.constant 0 : i32
      %dma_wait3A_172 = tpu.memref_slice %arg7[%mul3A_166, %dma_wait3A_171] : memref<16384x64xf32, #tpu.memory_space<hbm>> -> memref<512x64xf32, #tpu.memory_space<hbm>>
      %dma_wait3A_173 = arith.constant 0 : i32
      %dma_wait3A_174 = tpu.memref_slice %arg7[%mul3A_166, %dma_wait3A_173] : memref<16384x64xf32, #tpu.memory_space<hbm>> -> memref<512x64xf32, #tpu.memory_space<hbm>>
      tpu.wait_dma2 semaphore(%run_scoped3A : memref<!tpu.dma_semaphore, #tpu.memory_space<semaphore_mem>>) src(%arg9 : memref<512x64xf32, #tpu.memory_space<vmem>>) dst(%dma_wait3A_174 : memref<512x64xf32, #tpu.memory_space<hbm>>)
      tpu.yield
    }) : () -> ()
    return
  }
}

module attributes {stable_mosaic.version = 14 : i64} {
  func.func @_tc_dense_body(%arg0: i32, %arg1: memref<512x64xf32, #tpu.memory_space<vmem>>, %arg2: memref<512x64xf32, #tpu.memory_space<vmem>>, %arg3: memref<512x32xf32, #tpu.memory_space<vmem>>, %arg4: memref<512x80xf32, #tpu.memory_space<vmem>>, %arg5: memref<2x512x640xbf16, #tpu.memory_space<vmem>>, %arg6: memref<640x20xf32, #tpu.memory_space<vmem>>, %arg7: memref<20x640xf32, #tpu.memory_space<vmem>>, %arg8: memref<640x32xf32, #tpu.memory_space<vmem>>, %arg9: memref<160x256xf32, #tpu.memory_space<vmem>>, %arg10: memref<1x256xf32, #tpu.memory_space<vmem>>, %arg11: memref<256x128xf32, #tpu.memory_space<vmem>>, %arg12: memref<1x128xf32, #tpu.memory_space<vmem>>, %arg13: memref<144x256xf32, #tpu.memory_space<vmem>>, %arg14: memref<1x256xf32, #tpu.memory_space<vmem>>, %arg15: memref<256x128xf32, #tpu.memory_space<vmem>>, %arg16: memref<1x128xf32, #tpu.memory_space<vmem>>, %arg17: memref<512x1xf32, #tpu.memory_space<vmem>>) attributes {dimension_semantics = [#tpu.dimension_semantics<arbitrary>], iteration_bounds = array<i64: 32>, scalar_prefetch = 0 : i64, scratch_operands = 0 : i64, tpu.core_type = #tpu.core_type<tc>, window_params = [{transform_indices = @transform_0, window_bounds = array<i64: 512, 64>}, {transform_indices = @transform_1, window_bounds = array<i64: 512, 64>}, {transform_indices = @transform_2, window_bounds = array<i64: 512, 32>}, {transform_indices = @transform_3, window_bounds = array<i64: 512, 80>}, {transform_indices = @transform_4, window_bounds = array<i64: 2, 512, 640>}, {pipeline_mode = #tpu.pipeline_mode<synchronous>, transform_indices = @transform_5, window_bounds = array<i64: 640, 20>}, {pipeline_mode = #tpu.pipeline_mode<synchronous>, transform_indices = @transform_6, window_bounds = array<i64: 20, 640>}, {pipeline_mode = #tpu.pipeline_mode<synchronous>, transform_indices = @transform_7, window_bounds = array<i64: 640, 32>}, {pipeline_mode = #tpu.pipeline_mode<synchronous>, transform_indices = @transform_8, window_bounds = array<i64: 160, 256>}, {pipeline_mode = #tpu.pipeline_mode<synchronous>, transform_indices = @transform_9, window_bounds = array<i64: 1, 256>}, {pipeline_mode = #tpu.pipeline_mode<synchronous>, transform_indices = @transform_10, window_bounds = array<i64: 256, 128>}, {pipeline_mode = #tpu.pipeline_mode<synchronous>, transform_indices = @transform_11, window_bounds = array<i64: 1, 128>}, {pipeline_mode = #tpu.pipeline_mode<synchronous>, transform_indices = @transform_12, window_bounds = array<i64: 144, 256>}, {pipeline_mode = #tpu.pipeline_mode<synchronous>, transform_indices = @transform_13, window_bounds = array<i64: 1, 256>}, {pipeline_mode = #tpu.pipeline_mode<synchronous>, transform_indices = @transform_14, window_bounds = array<i64: 256, 128>}, {pipeline_mode = #tpu.pipeline_mode<synchronous>, transform_indices = @transform_15, window_bounds = array<i64: 1, 128>}, {transform_indices = @transform_16, window_bounds = array<i64: 512, 1>}]} {
    %get3A = arith.constant 0 : index
    %get3A_0 = arith.constant 0 : index
    %get3A_1 = vector.load %arg1[%get3A, %get3A_0] : memref<512x64xf32, #tpu.memory_space<vmem>>, vector<512x64xf32>
    %get3A_2 = arith.constant 0 : index
    %get3A_3 = arith.constant 0 : index
    %get3A_4 = vector.load %arg2[%get3A_2, %get3A_3] : memref<512x64xf32, #tpu.memory_space<vmem>>, vector<512x64xf32>
    %get3A_5 = arith.constant 0 : index
    %get3A_6 = arith.constant 0 : index
    %get3A_7 = vector.load %arg6[%get3A_5, %get3A_6] : memref<640x20xf32, #tpu.memory_space<vmem>>, vector<640x20xf32>
    %get3A_8 = arith.constant 0 : index
    %get3A_9 = arith.constant 0 : index
    %get3A_10 = vector.load %arg7[%get3A_8, %get3A_9] : memref<20x640xf32, #tpu.memory_space<vmem>>, vector<20x640xf32>
    %get3A_11 = arith.constant 0 : index
    %get3A_12 = arith.constant 0 : index
    %get3A_13 = vector.load %arg8[%get3A_11, %get3A_12] : memref<640x32xf32, #tpu.memory_space<vmem>>, vector<640x32xf32>
    %get3A_14 = arith.constant 0 : index
    %get3A_15 = arith.constant 0 : index
    %get3A_16 = arith.constant 0 : index
    %get3A_17 = vector.load %arg5[%get3A_14, %get3A_15, %get3A_16] : memref<2x512x640xbf16, #tpu.memory_space<vmem>>, vector<1x512x640xbf16>
    %get3A_18 = vector.shape_cast %get3A_17 : vector<1x512x640xbf16> to vector<512x640xbf16>
    %convert_element_type3A = arith.extf %get3A_18 : vector<512x640xbf16> to vector<512x640xf32>
    %dot_general3A = arith.constant dense<0.000000e+00> : vector<512x20xf32>
    %dot_general3A_19 = tpu.matmul %convert_element_type3A, %get3A_7, %dot_general3A {dimension_numbers = #tpu.dot_dimension_numbers<[1], [0], [0], [1], [0, 0, 1, 1], [], []>, transpose_lhs_hint = false} : vector<512x640xf32>, vector<640x20xf32>, vector<512x20xf32> -> vector<512x20xf32>
    %reduce_max3A = arith.constant dense<0xFF800000> : vector<512xf32>
    %reduce_max3A_20 = vector.multi_reduction <maximumf>, %dot_general3A_19, %reduce_max3A [1] : vector<512x20xf32> to vector<512xf32>
    %broadcast_in_dim3A = vector.shape_cast %reduce_max3A_20 : vector<512xf32> to vector<512x1xf32>
    %sub3A = vector.broadcast %broadcast_in_dim3A : vector<512x1xf32> to vector<512x20xf32>
    %sub3A_21 = arith.subf %dot_general3A_19, %sub3A : vector<512x20xf32>
    %exp3A = math.exp %sub3A_21 : vector<512x20xf32>
    %reduce_sum3A = arith.constant dense<0.000000e+00> : vector<512xf32>
    %reduce_sum3A_22 = vector.multi_reduction <add>, %exp3A, %reduce_sum3A [1] : vector<512x20xf32> to vector<512xf32>
    %broadcast_in_dim3A_23 = vector.shape_cast %reduce_sum3A_22 : vector<512xf32> to vector<512x1xf32>
    %div3A = vector.broadcast %broadcast_in_dim3A_23 : vector<512x1xf32> to vector<512x20xf32>
    %div3A_24 = arith.divf %exp3A, %div3A : vector<512x20xf32>
    %dot_general3A_25 = arith.constant dense<0.000000e+00> : vector<512x640xf32>
    %dot_general3A_26 = tpu.matmul %div3A_24, %get3A_10, %dot_general3A_25 {dimension_numbers = #tpu.dot_dimension_numbers<[1], [0], [0], [1], [0, 0, 1, 1], [], []>, transpose_lhs_hint = false} : vector<512x20xf32>, vector<20x640xf32>, vector<512x640xf32> -> vector<512x640xf32>
    %mul3A = arith.mulf %convert_element_type3A, %dot_general3A_26 : vector<512x640xf32>
    %dot_general3A_27 = arith.constant dense<0.000000e+00> : vector<512x32xf32>
    %dot_general3A_28 = tpu.matmul %mul3A, %get3A_13, %dot_general3A_27 {dimension_numbers = #tpu.dot_dimension_numbers<[1], [0], [0], [1], [0, 0, 1, 1], [], []>, transpose_lhs_hint = false} : vector<512x640xf32>, vector<640x32xf32>, vector<512x32xf32> -> vector<512x32xf32>
    %get3A_29 = arith.constant 1 : index
    %get3A_30 = arith.constant 0 : index
    %get3A_31 = arith.constant 0 : index
    %get3A_32 = vector.load %arg5[%get3A_29, %get3A_30, %get3A_31] : memref<2x512x640xbf16, #tpu.memory_space<vmem>>, vector<1x512x640xbf16>
    %get3A_33 = vector.shape_cast %get3A_32 : vector<1x512x640xbf16> to vector<512x640xbf16>
    %convert_element_type3A_34 = arith.extf %get3A_33 : vector<512x640xbf16> to vector<512x640xf32>
    %dot_general3A_35 = arith.constant dense<0.000000e+00> : vector<512x20xf32>
    %dot_general3A_36 = tpu.matmul %convert_element_type3A_34, %get3A_7, %dot_general3A_35 {dimension_numbers = #tpu.dot_dimension_numbers<[1], [0], [0], [1], [0, 0, 1, 1], [], []>, transpose_lhs_hint = false} : vector<512x640xf32>, vector<640x20xf32>, vector<512x20xf32> -> vector<512x20xf32>
    %reduce_max3A_37 = arith.constant dense<0xFF800000> : vector<512xf32>
    %reduce_max3A_38 = vector.multi_reduction <maximumf>, %dot_general3A_36, %reduce_max3A_37 [1] : vector<512x20xf32> to vector<512xf32>
    %broadcast_in_dim3A_39 = vector.shape_cast %reduce_max3A_38 : vector<512xf32> to vector<512x1xf32>
    %sub3A_40 = vector.broadcast %broadcast_in_dim3A_39 : vector<512x1xf32> to vector<512x20xf32>
    %sub3A_41 = arith.subf %dot_general3A_36, %sub3A_40 : vector<512x20xf32>
    %exp3A_42 = math.exp %sub3A_41 : vector<512x20xf32>
    %reduce_sum3A_43 = arith.constant dense<0.000000e+00> : vector<512xf32>
    %reduce_sum3A_44 = vector.multi_reduction <add>, %exp3A_42, %reduce_sum3A_43 [1] : vector<512x20xf32> to vector<512xf32>
    %broadcast_in_dim3A_45 = vector.shape_cast %reduce_sum3A_44 : vector<512xf32> to vector<512x1xf32>
    %div3A_46 = vector.broadcast %broadcast_in_dim3A_45 : vector<512x1xf32> to vector<512x20xf32>
    %div3A_47 = arith.divf %exp3A_42, %div3A_46 : vector<512x20xf32>
    %dot_general3A_48 = arith.constant dense<0.000000e+00> : vector<512x640xf32>
    %dot_general3A_49 = tpu.matmul %div3A_47, %get3A_10, %dot_general3A_48 {dimension_numbers = #tpu.dot_dimension_numbers<[1], [0], [0], [1], [0, 0, 1, 1], [], []>, transpose_lhs_hint = false} : vector<512x20xf32>, vector<20x640xf32>, vector<512x640xf32> -> vector<512x640xf32>
    %mul3A_50 = arith.mulf %convert_element_type3A_34, %dot_general3A_49 : vector<512x640xf32>
    %dot_general3A_51 = arith.constant dense<0.000000e+00> : vector<512x32xf32>
    %dot_general3A_52 = tpu.matmul %mul3A_50, %get3A_13, %dot_general3A_51 {dimension_numbers = #tpu.dot_dimension_numbers<[1], [0], [0], [1], [0, 0, 1, 1], [], []>, transpose_lhs_hint = false} : vector<512x640xf32>, vector<640x32xf32>, vector<512x32xf32> -> vector<512x32xf32>
    %get3A_53 = arith.constant 0 : index
    %get3A_54 = arith.constant 0 : index
    %get3A_55 = vector.load %arg4[%get3A_53, %get3A_54] : memref<512x80xf32, #tpu.memory_space<vmem>>, vector<512x80xf32>
    %slice3A = vector.extract_strided_slice %get3A_55 {offsets = [0, 0], sizes = [512, 64], strides = [1, 1]} : vector<512x80xf32> to vector<512x64xf32>
    %concatenate3A = tpu.concatenate %get3A_1, %slice3A, %dot_general3A_28 in 1 : vector<512x64xf32>, vector<512x64xf32>, vector<512x32xf32> -> vector<512x160xf32>
    %get3A_56 = arith.constant 0 : index
    %get3A_57 = arith.constant 0 : index
    %get3A_58 = vector.load %arg3[%get3A_56, %get3A_57] : memref<512x32xf32, #tpu.memory_space<vmem>>, vector<512x32xf32>
    %slice3A_59 = vector.extract_strided_slice %get3A_55 {offsets = [0, 64], sizes = [512, 16], strides = [1, 1]} : vector<512x80xf32> to vector<512x16xf32>
    %concatenate3A_60 = tpu.concatenate %get3A_4, %get3A_58, %slice3A_59, %dot_general3A_52 in 1 : vector<512x64xf32>, vector<512x32xf32>, vector<512x16xf32>, vector<512x32xf32> -> vector<512x144xf32>
    %get3A_61 = arith.constant 0 : index
    %get3A_62 = arith.constant 0 : index
    %get3A_63 = vector.load %arg9[%get3A_61, %get3A_62] : memref<160x256xf32, #tpu.memory_space<vmem>>, vector<160x256xf32>
    %dot_general3A_64 = arith.constant dense<0.000000e+00> : vector<512x256xf32>
    %dot_general3A_65 = tpu.matmul %concatenate3A, %get3A_63, %dot_general3A_64 {dimension_numbers = #tpu.dot_dimension_numbers<[1], [0], [0], [1], [0, 0, 1, 1], [], []>, transpose_lhs_hint = false} : vector<512x160xf32>, vector<160x256xf32>, vector<512x256xf32> -> vector<512x256xf32>
    %get3A_66 = arith.constant 0 : index
    %get3A_67 = arith.constant 0 : index
    %get3A_68 = vector.load %arg10[%get3A_66, %get3A_67] : memref<1x256xf32, #tpu.memory_space<vmem>>, vector<1x256xf32>
    %get3A_69 = vector.shape_cast %get3A_68 : vector<1x256xf32> to vector<256xf32>
    %broadcast_in_dim3A_70 = vector.shape_cast %get3A_69 : vector<256xf32> to vector<1x256xf32>
    %add3A = vector.broadcast %broadcast_in_dim3A_70 : vector<1x256xf32> to vector<512x256xf32>
    %add3A_71 = arith.addf %dot_general3A_65, %add3A : vector<512x256xf32>
    %max3A = arith.constant 0.000000e+00 : f32
    %max3A_72 = vector.broadcast %max3A : f32 to vector<512x256xf32>
    %max3A_73 = arith.maximumf %add3A_71, %max3A_72 : vector<512x256xf32>
    %get3A_74 = arith.constant 0 : index
    %get3A_75 = arith.constant 0 : index
    %get3A_76 = vector.load %arg11[%get3A_74, %get3A_75] : memref<256x128xf32, #tpu.memory_space<vmem>>, vector<256x128xf32>
    %dot_general3A_77 = arith.constant dense<0.000000e+00> : vector<512x128xf32>
    %dot_general3A_78 = tpu.matmul %max3A_73, %get3A_76, %dot_general3A_77 {dimension_numbers = #tpu.dot_dimension_numbers<[1], [0], [0], [1], [0, 0, 1, 1], [], []>, transpose_lhs_hint = false} : vector<512x256xf32>, vector<256x128xf32>, vector<512x128xf32> -> vector<512x128xf32>
    %get3A_79 = arith.constant 0 : index
    %get3A_80 = arith.constant 0 : index
    %get3A_81 = vector.load %arg12[%get3A_79, %get3A_80] : memref<1x128xf32, #tpu.memory_space<vmem>>, vector<1x128xf32>
    %get3A_82 = vector.shape_cast %get3A_81 : vector<1x128xf32> to vector<128xf32>
    %broadcast_in_dim3A_83 = vector.shape_cast %get3A_82 : vector<128xf32> to vector<1x128xf32>
    %add3A_84 = vector.broadcast %broadcast_in_dim3A_83 : vector<1x128xf32> to vector<512x128xf32>
    %add3A_85 = arith.addf %dot_general3A_78, %add3A_84 : vector<512x128xf32>
    %get3A_86 = arith.constant 0 : index
    %get3A_87 = arith.constant 0 : index
    %get3A_88 = vector.load %arg13[%get3A_86, %get3A_87] : memref<144x256xf32, #tpu.memory_space<vmem>>, vector<144x256xf32>
    %dot_general3A_89 = arith.constant dense<0.000000e+00> : vector<512x256xf32>
    %dot_general3A_90 = tpu.matmul %concatenate3A_60, %get3A_88, %dot_general3A_89 {dimension_numbers = #tpu.dot_dimension_numbers<[1], [0], [0], [1], [0, 0, 1, 1], [], []>, transpose_lhs_hint = false} : vector<512x144xf32>, vector<144x256xf32>, vector<512x256xf32> -> vector<512x256xf32>
    %get3A_91 = arith.constant 0 : index
    %get3A_92 = arith.constant 0 : index
    %get3A_93 = vector.load %arg14[%get3A_91, %get3A_92] : memref<1x256xf32, #tpu.memory_space<vmem>>, vector<1x256xf32>
    %get3A_94 = vector.shape_cast %get3A_93 : vector<1x256xf32> to vector<256xf32>
    %broadcast_in_dim3A_95 = vector.shape_cast %get3A_94 : vector<256xf32> to vector<1x256xf32>
    %add3A_96 = vector.broadcast %broadcast_in_dim3A_95 : vector<1x256xf32> to vector<512x256xf32>
    %add3A_97 = arith.addf %dot_general3A_90, %add3A_96 : vector<512x256xf32>
    %get3A_98 = arith.constant 0 : index
    %get3A_99 = arith.constant 0 : index
    %get3A_100 = vector.load %arg15[%get3A_98, %get3A_99] : memref<256x128xf32, #tpu.memory_space<vmem>>, vector<256x128xf32>
    %dot_general3A_101 = arith.constant dense<0.000000e+00> : vector<512x128xf32>
    %dot_general3A_102 = tpu.matmul %add3A_97, %get3A_100, %dot_general3A_101 {dimension_numbers = #tpu.dot_dimension_numbers<[1], [0], [0], [1], [0, 0, 1, 1], [], []>, transpose_lhs_hint = false} : vector<512x256xf32>, vector<256x128xf32>, vector<512x128xf32> -> vector<512x128xf32>
    %get3A_103 = arith.constant 0 : index
    %get3A_104 = arith.constant 0 : index
    %get3A_105 = vector.load %arg16[%get3A_103, %get3A_104] : memref<1x128xf32, #tpu.memory_space<vmem>>, vector<1x128xf32>
    %get3A_106 = vector.shape_cast %get3A_105 : vector<1x128xf32> to vector<128xf32>
    %broadcast_in_dim3A_107 = vector.shape_cast %get3A_106 : vector<128xf32> to vector<1x128xf32>
    %add3A_108 = vector.broadcast %broadcast_in_dim3A_107 : vector<1x128xf32> to vector<512x128xf32>
    %add3A_109 = arith.addf %dot_general3A_102, %add3A_108 : vector<512x128xf32>
    %mul3A_110 = arith.mulf %add3A_85, %add3A_109 : vector<512x128xf32>
    %reduce_sum3A_111 = arith.constant dense<0.000000e+00> : vector<512xf32>
    %reduce_sum3A_112 = vector.multi_reduction <add>, %mul3A_110, %reduce_sum3A_111 [1] : vector<512x128xf32> to vector<512xf32>
    %broadcast_in_dim3A_113 = vector.shape_cast %reduce_sum3A_112 : vector<512xf32> to vector<512x1xf32>
    %neg3A = arith.constant 0.000000e+00 : f32
    %neg3A_114 = vector.broadcast %neg3A : f32 to vector<512x1xf32>
    %neg3A_115 = arith.subf %neg3A_114, %broadcast_in_dim3A_113 : vector<512x1xf32>
    %exp3A_116 = math.exp %neg3A_115 : vector<512x1xf32>
    %add3A_117 = arith.constant 1.000000e+00 : f32
    %add3A_118 = vector.broadcast %add3A_117 : f32 to vector<512x1xf32>
    %add3A_119 = arith.addf %add3A_118, %exp3A_116 : vector<512x1xf32>
    %div3A_120 = arith.constant 1.000000e+00 : f32
    %div3A_121 = vector.broadcast %div3A_120 : f32 to vector<512x1xf32>
    %div3A_122 = arith.divf %div3A_121, %add3A_119 : vector<512x1xf32>
    %swap3A = arith.constant 0 : index
    %swap3A_123 = arith.constant 0 : index
    %swap3A_124 = vector.load %arg17[%swap3A, %swap3A_123] : memref<512x1xf32, #tpu.memory_space<vmem>>, vector<512x1xf32>
    tpu.vector_store %arg17[%swap3A, %swap3A_123], %div3A_122 {strides = array<i32>} : memref<512x1xf32, #tpu.memory_space<vmem>>, vector<512x1xf32>,
    return
  }
  func.func @transform_0(%arg0: i32) -> (i32, i32) {
    %c0_i32 = arith.constant 0 : i32
    %c0_i32_0 = arith.constant 0 : i32
    return %arg0, %c0_i32 : i32, i32
  }
  func.func @transform_1(%arg0: i32) -> (i32, i32) {
    %c0_i32 = arith.constant 0 : i32
    %c0_i32_0 = arith.constant 0 : i32
    return %arg0, %c0_i32 : i32, i32
  }
  func.func @transform_2(%arg0: i32) -> (i32, i32) {
    %c0_i32 = arith.constant 0 : i32
    %c0_i32_0 = arith.constant 0 : i32
    return %arg0, %c0_i32 : i32, i32
  }
  func.func @transform_3(%arg0: i32) -> (i32, i32) {
    %c0_i32 = arith.constant 0 : i32
    %c0_i32_0 = arith.constant 0 : i32
    return %arg0, %c0_i32 : i32, i32
  }
  func.func @transform_4(%arg0: i32) -> (i32, i32, i32) {
    %c0_i32 = arith.constant 0 : i32
    %c0_i32_0 = arith.constant 0 : i32
    %c0_i32_1 = arith.constant 0 : i32
    return %c0_i32, %arg0, %c0_i32_0 : i32, i32, i32
  }
  func.func @transform_5(%arg0: i32) -> (i32, i32) {
    %c0_i32 = arith.constant 0 : i32
    %c0_i32_0 = arith.constant 0 : i32
    %c0_i32_1 = arith.constant 0 : i32
    return %c0_i32, %c0_i32_0 : i32, i32
  }
  func.func @transform_6(%arg0: i32) -> (i32, i32) {
    %c0_i32 = arith.constant 0 : i32
    %c0_i32_0 = arith.constant 0 : i32
    %c0_i32_1 = arith.constant 0 : i32
    return %c0_i32, %c0_i32_0 : i32, i32
  }
  func.func @transform_7(%arg0: i32) -> (i32, i32) {
    %c0_i32 = arith.constant 0 : i32
    %c0_i32_0 = arith.constant 0 : i32
    %c0_i32_1 = arith.constant 0 : i32
    return %c0_i32, %c0_i32_0 : i32, i32
  }
  func.func @transform_8(%arg0: i32) -> (i32, i32) {
    %c0_i32 = arith.constant 0 : i32
    %c0_i32_0 = arith.constant 0 : i32
    %c0_i32_1 = arith.constant 0 : i32
    return %c0_i32, %c0_i32_0 : i32, i32
  }
  func.func @transform_9(%arg0: i32) -> (i32, i32) {
    %c0_i32 = arith.constant 0 : i32
    %c0_i32_0 = arith.constant 0 : i32
    %c0_i32_1 = arith.constant 0 : i32
    return %c0_i32, %c0_i32_0 : i32, i32
  }
  func.func @transform_10(%arg0: i32) -> (i32, i32) {
    %c0_i32 = arith.constant 0 : i32
    %c0_i32_0 = arith.constant 0 : i32
    %c0_i32_1 = arith.constant 0 : i32
    return %c0_i32, %c0_i32_0 : i32, i32
  }
  func.func @transform_11(%arg0: i32) -> (i32, i32) {
    %c0_i32 = arith.constant 0 : i32
    %c0_i32_0 = arith.constant 0 : i32
    %c0_i32_1 = arith.constant 0 : i32
    return %c0_i32, %c0_i32_0 : i32, i32
  }
  func.func @transform_12(%arg0: i32) -> (i32, i32) {
    %c0_i32 = arith.constant 0 : i32
    %c0_i32_0 = arith.constant 0 : i32
    %c0_i32_1 = arith.constant 0 : i32
    return %c0_i32, %c0_i32_0 : i32, i32
  }
  func.func @transform_13(%arg0: i32) -> (i32, i32) {
    %c0_i32 = arith.constant 0 : i32
    %c0_i32_0 = arith.constant 0 : i32
    %c0_i32_1 = arith.constant 0 : i32
    return %c0_i32, %c0_i32_0 : i32, i32
  }
  func.func @transform_14(%arg0: i32) -> (i32, i32) {
    %c0_i32 = arith.constant 0 : i32
    %c0_i32_0 = arith.constant 0 : i32
    %c0_i32_1 = arith.constant 0 : i32
    return %c0_i32, %c0_i32_0 : i32, i32
  }
  func.func @transform_15(%arg0: i32) -> (i32, i32) {
    %c0_i32 = arith.constant 0 : i32
    %c0_i32_0 = arith.constant 0 : i32
    %c0_i32_1 = arith.constant 0 : i32
    return %c0_i32, %c0_i32_0 : i32, i32
  }
  func.func @transform_16(%arg0: i32) -> (i32, i32) {
    %c0_i32 = arith.constant 0 : i32
    %c0_i32_0 = arith.constant 0 : i32
    return %arg0, %c0_i32 : i32, i32
  }
}

</mosaic_0001>

<sc_bundles>
// kernel: kernel.5.cloned.1.call-start
scs
__scs_entry_jumppad:
0x0: {  	(pc) =	sbr.rel $0x88, $3  }
0x1: {  	(tag) =	ssettag $0x0;
	lr =	simm.s32 $0x1  }
0x2: {  	[smem:$0x3F86] =	sst lr;
	_ =	strace $0xD0000000  }
0x3: {  	_ = 	snop  }
0x4: {  	_ = 	snop  }
0x5: {  	_ = 	snop  }
0x6: {  	_ = 	snop  }
0x7: {  	_ = 	snop  }
__scs_overlays_trampoline_lowered:
0x8: {  	[smem:$0x3F95] =	sst s0  }
0x9: {  	[smem:$0x3F96] =	sst s1  }
0xa: {  	[smem:$0x3F97] =	sst s2  }
0xb: {  	[smem:$0x3F98] =	sst s3  }
0xc: {  	[smem:$0x3F99] =	sst s4  }
0xd: {  	[smem:$0x3F9A] =	sst s5  }
0xe: {  	[smem:$0x3F9B] =	sst s6  }
0xf: {  	[smem:$0x3F9C] =	sst s7  }
0x10: {  	[smem:$0x3F9D] =	sst s8  }
0x11: {  	[smem:$0x3F9E] =	sst s9;
	s0 =	simm.s32 @!p0 $0x0  }
0x12: {  	s1 =	sld [smem:$0x3F84];
	s0 =	simm.s32 @p0 $0x1  }
0x13: {  	[smem:$0x3F9F] =	sst s0;
	s0 =	simm.s32 @!p1 $0x0  }
0x14: {  	s2 =	sld [smem:$0x3F83];
	s0 =	simm.s32 @p1 $0x1  }
0x15: {  	[smem:$0x3FA0] =	sst s0;
	s0 =	simm.s32 @!p2 $0x0  }
0x16: {  	s3 =	sld [smem:$0x3FDB];
	s0 =	simm.s32 @p2 $0x1  }
0x17: {  	s4 =	simm.s32 $0x1BF5;
	[smem:$0x3FA2] =	sst s0  }
0x18: {  	s0 =	sld [smem:$0x3F85];
	_ =	swait.ge [sflag:s4], $0x0  }
0x19: {  	s7 =	sld [smem:$0x3F86]  }
0x1a: {  	s8 =	sadd.s32 $0xFFFFE003, lr  }
0x1b: {  	s9 =	sadd.s32 $0xFFFFFEF7, lr;
	s5 =	simm.s32 $0xFFFFFFFF;
	p2 =	slt.u32 s8, $0xFFFFF086  }
0x1c: {  	p1 =	slt.u32 s9, $0xF7A;
	s5 =	simm.s32 @!p2 $0x0  }
0x1d: {  	s5 =	simm.s32 @p1 $0x1;
	p0 =	seq.s32 s7, s2  }
0x1e: {  	s7 =	smul.u32 @!p0 $0xF7A, s2;
	p2 =	seq.s32 @!p0 s5, $0x0  }
0x1f: {  	s9 =	smul.u32 $0xF7A, s1;
	s8 =	simm.s32 @!p0 $0x1BF5;
	p2 =	por !p2, p0  }
0x20: {  	[sflag:s8] =	ssyncset.s32 @!p0 $0xFFFFF086;
	s6 =	sadd.s32 @!p0 s3, s7;
	s7 =	simm.s32 @!p0 $0x108  }
0x21: {  	s3 =	sadd.s32 s3, s9;
	s6 =	sadd.s32 @!p0 $0x88, s6;
	s7 =	simm.s32 @p2 $0x1082  }
0x22: {  	[simem:s7], [sflag:s8] =	dma.local @!p0 [hbm:s6], $0xF7A  }
0x23: {  	s9 =	sor.u32 $0xD0000000, s2;
	s6 =	simm.s32 $0x108;
	_ =	swait.ge @!p0 [sflag:s8], $0x0  }
0x24: {  	s3 =	sadd.s32 $0x88, s3;
	s6 =	simm.s32 @!p1 $0x1082;
	[sflag:s4] =	ssyncset.s32 $0xFFFFF086  }
0x25: {  	[simem:s6], [sflag:s4] =	dma.local [hbm:s3], $0xF7A  }
0x26: {  	[smem:$0x3F86] =	sst s1;
	(tag) =	ssettag s2;
	_ =	strace s9  }
0x27: {  	s1 =	sld [smem:$0x3F96]  }
0x28: {  	s2 =	sld [smem:$0x3F97]  }
0x29: {  	s4 =	sld [smem:$0x3F99]  }
0x2a: {  	p0 =	seq.s32 s5, $0x0;
	s5 =	sld [smem:$0x3F9A]  }
0x2b: {  	s6 =	sld [smem:$0x3F9B]  }
0x2c: {  	s7 =	sld [smem:$0x3F9C]  }
0x2d: {  	s3 =	simm.s32 $0x108;
	s8 =	sld [smem:$0x3F9D]  }
0x2e: {  	s3 =	simm.s32 @!p0 $0x1082;
	s9 =	sld [smem:$0x3F9E]  }
0x2f: {  	lr =	sadd.s32 s0, s3;
	s0 =	sld [smem:$0x3F95]  }
0x30: {  	s3 =	sld [smem:$0x3F98]  }
0x31: {  	[smem:$0x3FA1] =	sst s10  }
0x32: {  	s10 =	sld [smem:$0x3F9F];
	_ =	sdelay $0x3  }
0x33: {  	p0 =	seq.s32 s10, $0x1;
	s10 =	sld [smem:$0x3FA1];
	_ =	sdelay $0x3  }
0x34: {  	[smem:$0x3FA1] =	sst s10  }
0x35: {  	s10 =	sld [smem:$0x3FA0];
	_ =	sdelay $0x3  }
0x36: {  	p1 =	seq.s32 s10, $0x1;
	s10 =	sld [smem:$0x3FA1];
	_ =	sdelay $0x3  }
0x37: {  	[smem:$0x3FA1] =	sst s10  }
0x38: {  	s10 =	sld [smem:$0x3FA2]  }
0x39: {  	_ = 	snop;
	(pc) =	sbr.ind lr, $3  }
0x3a: {  	_ = 	snop  }
0x3b: {  	_ = 	snop  }
0x3c: {  	p2 =	seq.s32 s10, $0x1;
	s10 =	sld [smem:$0x3FA1]  }
0x3d: {  	_ =	shalt  }
0x3e: {  	_ =	shalt  }
0x3f: {  	_ =	shalt  }
0x40: {  	_ =	shalt  }
0x41: {  	_ =	shalt  }
0x42: {  	_ =	shalt  }
0x43: {  	_ =	shalt  }
0x44: {  	_ =	shalt  }
0x45: {  	_ =	shalt  }
0x46: {  	_ =	shalt  }
0x47: {  	_ =	shalt  }
0x48: {  	_ =	shalt  }
0x49: {  	_ =	shalt  }
0x4a: {  	_ =	shalt  }
0x4b: {  	_ =	shalt  }
0x4c: {  	_ =	shalt  }
0x4d: {  	_ =	shalt  }
0x4e: {  	_ =	shalt  }
0x4f: {  	_ =	shalt  }
0x50: {  	_ =	shalt  }
0x51: {  	_ =	shalt  }
0x52: {  	_ =	shalt  }
0x53: {  	_ =	shalt  }
0x54: {  	_ =	shalt  }
0x55: {  	_ =	shalt  }
0x56: {  	_ =	shalt  }
0x57: {  	_ =	shalt  }
0x58: {  	_ =	shalt  }
0x59: {  	_ =	shalt  }
0x5a: {  	_ =	shalt  }
0x5b: {  	_ =	shalt  }
0x5c: {  	_ =	shalt  }
0x5d: {  	_ =	shalt  }
0x5e: {  	_ =	shalt  }
0x5f: {  	_ =	shalt  }
0x60: {  	_ =	shalt  }
0x61: {  	_ =	shalt  }
0x62: {  	_ =	shalt  }
0x63: {  	_ =	shalt  }
0x64: {  	_ =	shalt  }
0x65: {  	_ =	shalt  }
0x66: {  	_ =	shalt  }
0x67: {  	_ =	shalt  }
0x68: {  	_ =	shalt  }
0x69: {  	_ =	shalt  }
0x6a: {  	_ =	shalt  }
0x6b: {  	_ =	shalt  }
0x6c: {  	_ =	shalt  }
0x6d: {  	_ =	shalt  }
0x6e: {  	_ =	shalt  }
0x6f: {  	_ =	shalt  }
0x70: {  	_ =	shalt  }
0x71: {  	_ =	shalt  }
0x72: {  	_ =	shalt  }
0x73: {  	_ =	shalt  }
0x74: {  	_ =	shalt  }
0x75: {  	_ =	shalt  }
0x76: {  	_ =	shalt  }
0x77: {  	_ =	shalt  }
0x78: {  	_ =	shalt  }
0x79: {  	_ =	shalt  }
0x7a: {  	_ =	shalt  }
0x7b: {  	_ =	shalt  }
0x7c: {  	_ =	shalt  }
0x7d: {  	_ =	shalt  }
0x7e: {  	_ =	shalt  }
0x7f: {  	_ =	shalt  }
0x80: {  	_ =	shalt  }
0x81: {  	_ =	shalt  }
0x82: {  	_ =	shalt  }
0x83: {  	_ =	shalt  }
0x84: {  	_ =	shalt  }
0x85: {  	_ =	shalt  }
0x86: {  	_ =	shalt  }
0x87: {  	_ =	shalt  }
.Lfunc_end0:
.L_simem_size_0:
called_computation_lowered:
.L_overlay_start_0:
0x88: {  	s2 =	sld [smem:$0x3FD9]  }
0x89: {  	s3 =	sld [smem:$0x3FFE];
	_ =	sdelay $0x1  }
0x8a: {  	s1 =	srdreg.scid  }
0x8b: {  	s0 =	sand.u32 $0x1, s1  }
0x8c: {  	s17 =	sshll.u32 s0, $0xA;
	s2 =	sadd.s32 s3, s2  }
0x8d: {  	s2 =	sadd.s32 s2, s17  }
0x8e: {  	[smem:$0x3FAD] =	sst s2  }
0x8f: {  	_ = 	snop  }
0x90: {  	s18 =	sld [smem:$0x3FC2];
	(tm) =	ssettm $0x1  }
0x91: {  	s19 =	sld [smem:$0x3FFB];
	_ =	sdelay $0x3  }
0x92: {  	_ =	strace s19  }
0x93: {  	s2 =	sld [smem:$0x3FFC];
	_ =	sdelay $0x3  }
0x94: {  	_ =	strace s2  }
0x95: {  	s2 =	sld [smem:$0x3FFD];
	_ =	sdelay $0x3  }
0x96: {  	_ =	strace s2  }
0x97: {  	_ =	strace $0x8FFFFFFF  }
0x98: {  	s20 =	sld [smem:$0x3FDB];
	_ =	sdelay $0x1  }
0x99: {  	s4 =	simm.s32 $_scs_section_size  }
0x9a: {  	s5 =	simm.s32 $_size__tile_overlayer_lowered;
	s6 =	simm.s32 $_tile_overlayer_lowered  }
0x9b: {  	s7 =	simm.s32 $0x1BFF;
	s21 =	sshll.u32 s6, $0x1;
	s4 =	sadd.s32 s4, s20  }
0x9c: {  	s22 =	simm.s32 $0x0;
	s5 =	sshll.u32 s5, $0x1;
	s6 =	sadd.s32 s21, s4  }
0x9d: {  	[timem:s22], [sflag:s7] =	dma.local [hbm:s6], s5  }
0x9e: {  	_ =	swait.ge [sflag:s7], s5  }
0x9f: {  	s5 =	ssub.s32 $0x0, s5;
	[sflag:s7] =	ssyncset.done $0x0  }
0xa0: {  	[sflag:s7] =	ssyncadd.s32 s5;
	_ =	sdelay $0x1  }
0xa1: {  	s23 =	simm.s32 $0x1B8B  }
0xa2: {  	_ =	swait.ge [sflag:s23], $0x1  }
0xa3: {  	[sflag:s23] =	ssyncset.done $0x0  }
0xa4: {  	[sflag:s23] =	ssyncadd.s32 $0xFFFFFFFF  }
0xa5: {  	s5 =	sld [smem:$0x0]  }
0xa6: {  	s6 =	sand.u32 $0xFFFFFFFE, s1  }
0xa7: {  	p0 =	sne.s32 s1, s6  }
0xa8: {  	s6 =	sshll.u32 @p0 s6, $0xE  }
0xa9: {  	s6 =	sadd.s32 @p0 $0x11B8D, s6;
	s7 =	sshll.u32 @p0 s5, $0x11  }
0xaa: {  	s6 =	sor.u32 @p0 s7, s6  }
0xab: {  	[sflag:s6] =	ssyncadd.remote.s32 @p0 $0x1;
	_ =	sdelay $0x1  }
0xac: {  	s6 =	simm.s32 @p0 $0x1B8D  }
0xad: {  	_ =	swait.eq @p0 [sflag:s6], $0x1  }
0xae: {  	[sflag:s6] =	ssyncadd.s32 @p0 $0xFFFFFFFF  }
0xaf: {  	s7 =	sshll.u32 @!p0 s1, $0xE  }
0xb0: {  	s7 =	sor.u32 @!p0 $0x4000, s7;
	s6 =	simm.s32 @!p0 $0x1B8D  }
0xb1: {  	s5 =	sshll.u32 @!p0 s5, $0x11;
	s7 =	sadd.s32 @!p0 $0x11B8D, s7;
	_ =	swait.eq @!p0 [sflag:s6], $0x1  }
0xb2: {  	s5 =	sor.u32 @!p0 s5, s7;
	[sflag:s6] =	ssyncadd.s32 @!p0 $0xFFFFFFFF  }
0xb3: {  	s25 =	simm.s32 $0x1B8E;
	s24 =	sld [smem:$0x3FFE];
	[sflag:s5] =	ssyncadd.remote.s32 @!p0 $0x1  }
0xb4: {  	s26 =	simm.s32 $execute0_lowered;
	[smem:$0x3FD2] =	sst s25  }
0xb5: {  	s6 =	sshll.u32 s26, $0x1;
	_ =	strace $0x80000049;
	[dreg:$0x1] =	wrdreg $0xFFFFFFFF  }
0xb6: {  	s28 =	simm.s32 $_size_execute0_lowered;
	s4 =	sadd.s32 s4, s6;
	[dreg:$0x0] =	wrdreg $0x0  }
0xb7: {  	s6 =	sshll.u32 s28, $0x1;
	[dreg:$0x2] =	wrdreg s4  }
0xb8: {  	[dreg:$0x3] =	wrdreg s6  }
0xb9: {  	[dreg:$0x4] =	wrdreg $0xC0  }
0xba: {  	_ =	task [dreg:s22], $0x5FFFF  }
0xbb: {  	[dreg:$0x1] =	wrdreg $0xFFFFFFFF  }
0xbc: {  	[dreg:$0x0] =	wrdreg $0x60  }
0xbd: {  	[dreg:$0x2] =	wrdreg s18  }
0xbe: {  	[dreg:$0x3] =	wrdreg s24  }
0xbf: {  	[dreg:$0x4] =	wrdreg $0x9  }
0xc0: {  	_ =	task.clear_ibuf [dreg:s22], $0x5FFFF;
	_ =	strace $0x90000049  }
0xc1: {  	s29 =	simm.s32 $0x9;
	_ =	strace $0x8000004B  }
0xc2: {  	_ =	swait.ge [sflag:s29], $0x1  }
0xc3: {  	[sflag:s29] =	ssyncadd.s32 $0xFFFFFFFF  }
0xc4: {  	_ =	strace $0x9000004B  }
0xc5: {  	_ =	sfence  }
0xc6: {  	s30 =	sld [smem:$0x0];
	_ =	sdelay $0x2  }
0xc7: {  	s31 =	sshll.u32 s1, $0xD;
	s1 =	sshrl.u32 s1, $0x2  }
0xc8: {  	s4 =	sand.u32 $0x4000, s31;
	s1 =	sadd.s32 s1, s30  }
0xc9: {  	s0 =	sor.u32 s4, s0;
	s1 =	sshll.u32 s1, $0x11  }
0xca: {  	s0 =	sor.u32 s1, s0  }
0xcb: {  	s0 =	sadd.s32 $0x8F2B, s0  }
0xcc: {  	[sflag:s0] =	ssyncadd.remote.s32 $0x1  }
0xcd: {  	_ =	sfence.sel $0xFFFF  }
0xce: {  	[dreg:$0x0] =	wrdreg $0xFFFFFFFF;
	(pc) =	sbr.abs _section_cstart, $3  }
0xcf: {  	[dreg:$0x1] =	wrdreg $0xFFFFFFFF  }
0xd0: {  	_ =	task.clear_ibuf [dreg:s22], $0x2FFFF;
	_ =	strace $0x9FFFFFFF  }
0xd1: {  	(tm) =	ssettm $0x7FFFFFFF  }
tec
execute0_lowered:
.L_overlay_start_1:
0x0: {  	(tag) =	ssettag $0x1  }
0x1: {  	s0 =	srdreg.scid;
	s1 =	rddreg [dreg:$0x0]  }
0x2: {  	s10 =	stileid.u32;
	s6 =	rddreg [dreg:$0x1]  }
0x3: {  	s2 =	simm.s32 $0x0;
	s18 =	simm.s32 $0x1200;
	s19 =	simm.s32 $0x1A00  }
0x4: {  	s20 =	simm.s32 $0x2200;
	s21 =	simm.s32 $0x2A00;
	s22 =	simm.s32 $0x3200  }
0x5: {  	s23 =	simm.s32 $0x3A00;
	[smem:$0x7FF] =	sst s2;
	s25 =	sadd.s32 $0x51400, s6  }
0x6: {  	s26 =	sadd.s32 $0x52400, s6;
	_ =	strace $0x8000004A;
	[dreg:$0xd] =	wrdreg s25  }
0x7: {  	s24 =	simm.s32 $0x4200;
	s29 =	simm.s32 $0x280;
	[dreg:$0xe] =	wrdreg s26  }
0x8: {  	s31 =	simm.s32 $0x300;
	s28 =	simm.s32 $0x6200;
	[dreg:$0x4] =	wrdreg s18  }
0x9: {  	s0 =	sand.u32 $0x1, s0;
	s3 =	smul.u32 $0xA000, s10;
	[dreg:$0x5] =	wrdreg s19  }
0xa: {  	s4 =	sshll.u32 s10, $0x1;
	s10 =	smul.u32 $0x140000, s10;
	[dreg:$0x6] =	wrdreg s20  }
0xb: {  	s30 =	simm.s32 $0x6A00;
	s5 =	smul.u32 $0x5000, s0;
	[dreg:$0x7] =	wrdreg s21  }
0xc: {  	s7 =	sor.u32 s0, s4;
	s12 =	smul.u32 $0xA0000, s0;
	[dreg:$0x8] =	wrdreg s22  }
0xd: {  	s0 =	ssub.s32 $0x2, s0;
	s19 =	simm.s32 $0x180;
	[dreg:$0x9] =	wrdreg s23  }
0xe: {  	s21 =	simm.s32 $0x1;
	[dreg:$0xa] =	wrdreg s24;
	s25 =	simm.s32 $0x4A00  }
0xf: {  	s26 =	simm.s32 $0x5200;
	s18 =	simm.s32 $0x400;
	s23 =	simm.s32 $0x780  }
0x10: {  	s24 =	simm.s32 $0xA00;
	s20 =	simm.s32 $0x8200;
	s4 =	smul.u32 $0x140, s7  }
0x11: {  	s8 =	smul.u32 $0x1400, s7;
	s11 =	sshll.u32 s7, $0xB;
	[dreg:$0xb] =	wrdreg s25  }
0x12: {  	s7 =	sshll.u32 s7, $0x6;
	[dreg:$0xc] =	wrdreg s26;
	s26 =	simm.s32 $0x200  }
0x13: {  	s25 =	simm.s32 $0x5A00;
	s3 =	sadd.s32 s5, s3;
	s5 =	sadd.s32 $0x52E00, s6  }
0x14: {  	s11 =	sadd.s32 s11, s6;
	s10 =	sadd.s32 s12, s10;
	s1 =	sadd.s32 s1, s7  }
0x15: {  	s3 =	sshrl.u32 s3, $0x3;
	s9 =	sadd.s32 s4, s6;
	s8 =	sadd.s32 s8, s6  }
0x16: {  	s10 =	sshrl.u32 s10, $0x4;
	s4 =	sshrl.u32 s0, $0x1;
	[dreg:$0xf] =	wrdreg s1  }
0x17: {  	s12 =	sadd.s32 $0x97C00, s11;
	s11 =	simm.s32 $0x700;
	s1 =	simm.s32 $0x7200  }
0x18: {  	s3 =	sadd.s32 s3, s6;
	s6 =	sadd.s32 s10, s6;
	s0 =	ssub.s32 s0, s4  }
0x19: {  	[dreg:$0x10] =	wrdreg s12;
	s13 =	sadd.s32 $0x44C00, s9;
	s14 =	sadd.s32 $0xA7C00, s8  }
0x1a: {  	s15 =	sadd.s32 $0xA8600, s8;
	s8 =	simm.s32 $0x500;
	[dreg:$0x11] =	wrdreg s13  }
0x1b: {  	s9 =	simm.s32 $0x600;
	s10 =	simm.s32 $0x680;
	[dreg:$0x13] =	wrdreg s14  }
0x1c: {  	s4 =	simm.s32 $0x0;
	s0 =	smax.u32 s0, $0x1;
	[dreg:$0x14] =	wrdreg s15  }
0x1d: {  	s16 =	sadd.s32 $0x83C00, s3;
	s17 =	sadd.s32 $0xCFC00, s6;
	[dreg:$0x12] =	wrdreg s0  }
0x1e: {  	s13 =	simm.s32 $0x2;
	s14 =	simm.s32 $0x80;
	[dreg:$0x15] =	wrdreg s17  }
0x1f: {  	s6 =	simm.s32 $0x480;
	s15 =	simm.s32 $0x580;
	[dreg:$0x3] =	wrdreg s16  }
0x20: {  	s17 =	simm.s32 $0x100;
	s0 =	simm.s32 $0x380;
	s16 =	simm.s32 $0x7A00  }
.LBB2_1:
0x21: {  	[dreg:$0x16] =	wrdreg s4  }
0x22: {  	s3 =	rddreg [dreg:$0xf]  }
0x23: {  	[tilespmem:s2], [sflag:$0x2] =	stream.linear.gather [hbm4b:s3+s2], $0x200, $0x38;
	[tilespmem:$0x11A00] =	vst v63  }
0x24: {  	_ =	swait.ge [sflag:s13], $0x200  }
0x25: {  	[sflag:s13] =	ssyncset.done $0x0  }
0x26: {  	s4 =	simm.s32 $0x8A00;
	s3 =	rddreg [dreg:$0xd];
	[sflag:s13] =	ssyncadd.s32 $0xFFFFFE00  }
0x27: {  	[tilespmem:s4], [sflag:$0x1] =	stream.indirect.gather [hbm4b:s3+s14], $0x20, s2, s14, $0xb8;
	[tilespmem:$0x11A00] =	vst v63  }
0x28: {  	s7 =	simm.s32 $0x9A00  }
0x29: {  	[tilespmem:s7], [sflag:$0x1] =	stream.indirect.gather [hbm4b:s3+s14], $0x20, s14, s14, $0xb8;
	[tilespmem:$0x11A00] =	vst v63  }
0x2a: {  	s12 =	simm.s32 $0xAA00  }
0x2b: {  	[tilespmem:s12], [sflag:$0x1] =	stream.indirect.gather [hbm4b:s3+s14], $0x20, s17, s14, $0xb8;
	[tilespmem:$0x11A00] =	vst v63  }
0x2c: {  	s22 =	simm.s32 $0xBA00  }
0x2d: {  	[tilespmem:s22], [sflag:$0x1] =	stream.indirect.gather [hbm4b:s3+s14], $0x20, s19, s14, $0xb8;
	[tilespmem:$0x11A00] =	vst v63  }
0x2e: {  	_ =	swait.ge [sflag:s21], $0x1000  }
0x2f: {  	[sflag:s21] =	ssyncset.done $0x0  }
0x30: {  	[sflag:s21] =	ssyncadd.s32 $0xFFFFF000  }
0x31: {  	_ =	swait.ge [sflag:s21], $0x1000  }
0x32: {  	[sflag:s21] =	ssyncset.done $0x0  }
0x33: {  	[sflag:s21] =	ssyncadd.s32 $0xFFFFF000  }
0x34: {  	_ =	swait.ge [sflag:s21], $0x1000  }
0x35: {  	[sflag:s21] =	ssyncset.done $0x0  }
0x36: {  	[sflag:s21] =	ssyncadd.s32 $0xFFFFF000  }
0x37: {  	_ =	swait.ge [sflag:s21], $0x1000  }
0x38: {  	[sflag:s21] =	ssyncset.done $0x0  }
0x39: {  	s7 =	rddreg [dreg:$0x10];
	[sflag:s21] =	ssyncadd.s32 $0xFFFFF000  }
0x3a: {  	[hbm4b:s7+s2] =	stream.linear.scatter [tilespmem:s4], [sflag:$0x2], $0x4000, $0x38;
	[tilespmem:$0x11A00] =	vst v63  }
0x3b: {  	_ =	swait.ge [sflag:s13], $0x4000  }
0x3c: {  	[sflag:s13] =	ssyncset.done $0x0  }
0x3d: {  	s12 =	rddreg [dreg:$0x11];
	[sflag:s13] =	ssyncadd.s32 $0xFFFFC000  }
0x3e: {  	[tilespmem:s2], [sflag:$0x2] =	stream.linear.gather [hbm4b:s12+s2], $0xA00, $0x38;
	[tilespmem:$0x11A00] =	vst v63  }
0x3f: {  	_ =	swait.ge [sflag:s13], $0xA00  }
0x40: {  	[sflag:s13] =	ssyncset.done $0x0  }
0x41: {  	s7 =	simm.s32 $0xCA00;
	s3 =	rddreg [dreg:$0xe];
	[sflag:s13] =	ssyncadd.s32 $0xFFFFF600  }
0x42: {  	[tilespmem:s7], [sflag:$0x1] =	stream.indirect.gather [hbm4b:s3+s14], $0x10, s2, s14, $0xb8;
	[tilespmem:$0x11A00] =	vst v63  }
0x43: {  	s12 =	simm.s32 $0xD200  }
0x44: {  	[tilespmem:s12], [sflag:$0x1] =	stream.indirect.gather [hbm4b:s3+s14], $0x10, s14, s14, $0xb8;
	[tilespmem:$0x11A00] =	vst v63  }
0x45: {  	s22 =	simm.s32 $0xDA00  }
0x46: {  	[tilespmem:s22], [sflag:$0x1] =	stream.indirect.gather [hbm4b:s3+s14], $0x10, s17, s14, $0xb8;
	[tilespmem:$0x11A00] =	vst v63  }
0x47: {  	s4 =	simm.s32 $0xE200  }
0x48: {  	[tilespmem:s4], [sflag:$0x1] =	stream.indirect.gather [hbm4b:s3+s14], $0x10, s19, s14, $0xb8;
	[tilespmem:$0x11A00] =	vst v63  }
0x49: {  	s4 =	simm.s32 $0xEA00  }
0x4a: {  	[tilespmem:s4], [sflag:$0x1] =	stream.indirect.gather [hbm4b:s3+s14], $0x10, s26, s14, $0xb8;
	[tilespmem:$0x11A00] =	vst v63  }
0x4b: {  	s4 =	simm.s32 $0xF200  }
0x4c: {  	[tilespmem:s4], [sflag:$0x1] =	stream.indirect.gather [hbm4b:s3+s14], $0x10, s29, s14, $0xb8;
	[tilespmem:$0x11A00] =	vst v63  }
0x4d: {  	s4 =	simm.s32 $0xFA00  }
0x4e: {  	[tilespmem:s4], [sflag:$0x1] =	stream.indirect.gather [hbm4b:s3+s14], $0x10, s31, s14, $0xb8;
	[tilespmem:$0x11A00] =	vst v63  }
0x4f: {  	s4 =	simm.s32 $0x10200  }
0x50: {  	[tilespmem:s4], [sflag:$0x1] =	stream.indirect.gather [hbm4b:s3+s14], $0x10, s0, s14, $0xb8;
	[tilespmem:$0x11A00] =	vst v63  }
0x51: {  	s4 =	simm.s32 $0x10A00  }
0x52: {  	[tilespmem:s4], [sflag:$0x1] =	stream.indirect.gather [hbm4b:s3+s14], $0x10, s18, s14, $0xb8;
	[tilespmem:$0x11A00] =	vst v63  }
0x53: {  	s4 =	simm.s32 $0x11200  }
0x54: {  	[tilespmem:s4], [sflag:$0x1] =	stream.indirect.gather [hbm4b:s3+s14], $0x10, s6, s14, $0xb8;
	[tilespmem:$0x11A00] =	vst v63  }
0x55: {  	_ =	swait.ge [sflag:s21], $0x800  }
0x56: {  	[sflag:s21] =	ssyncset.done $0x0  }
0x57: {  	[sflag:s21] =	ssyncadd.s32 $0xFFFFF800  }
0x58: {  	_ =	swait.ge [sflag:s21], $0x800  }
0x59: {  	[sflag:s21] =	ssyncset.done $0x0  }
0x5a: {  	[sflag:s21] =	ssyncadd.s32 $0xFFFFF800  }
0x5b: {  	_ =	swait.ge [sflag:s21], $0x800  }
0x5c: {  	[sflag:s21] =	ssyncset.done $0x0  }
0x5d: {  	[sflag:s21] =	ssyncadd.s32 $0xFFFFF800  }
0x5e: {  	_ =	swait.ge [sflag:s21], $0x800  }
0x5f: {  	[sflag:s21] =	ssyncset.done $0x0  }
0x60: {  	[sflag:s21] =	ssyncadd.s32 $0xFFFFF800  }
0x61: {  	_ =	swait.ge [sflag:s21], $0x800  }
0x62: {  	[sflag:s21] =	ssyncset.done $0x0  }
0x63: {  	[sflag:s21] =	ssyncadd.s32 $0xFFFFF800  }
0x64: {  	_ =	swait.ge [sflag:s21], $0x800  }
0x65: {  	[sflag:s21] =	ssyncset.done $0x0  }
0x66: {  	[sflag:s21] =	ssyncadd.s32 $0xFFFFF800  }
0x67: {  	_ =	swait.ge [sflag:s21], $0x800  }
0x68: {  	[sflag:s21] =	ssyncset.done $0x0  }
0x69: {  	[sflag:s21] =	ssyncadd.s32 $0xFFFFF800  }
0x6a: {  	_ =	swait.ge [sflag:s21], $0x800  }
0x6b: {  	[sflag:s21] =	ssyncset.done $0x0  }
0x6c: {  	[sflag:s21] =	ssyncadd.s32 $0xFFFFF800  }
0x6d: {  	_ =	swait.ge [sflag:s21], $0x800  }
0x6e: {  	[sflag:s21] =	ssyncset.done $0x0  }
0x6f: {  	[sflag:s21] =	ssyncadd.s32 $0xFFFFF800  }
0x70: {  	_ =	swait.ge [sflag:s21], $0x800  }
0x71: {  	[sflag:s21] =	ssyncset.done $0x0  }
0x72: {  	s4 =	rddreg [dreg:$0x13];
	[sflag:s21] =	ssyncadd.s32 $0xFFFFF800  }
0x73: {  	[hbm4b:s4+s2] =	stream.linear.scatter [tilespmem:s7], [sflag:$0x2], $0x5000, $0x38;
	[tilespmem:$0x11A00] =	vst v63  }
0x74: {  	_ =	swait.ge [sflag:s13], $0x5000  }
0x75: {  	[sflag:s13] =	ssyncset.done $0x0  }
0x76: {  	[sflag:s13] =	ssyncadd.s32 $0xFFFFB000  }
0x77: {  	[tilespmem:s7], [sflag:$0x1] =	stream.indirect.gather [hbm4b:s3+s14], $0x10, s8, s14, $0xb8;
	[tilespmem:$0x11A00] =	vst v63  }
0x78: {  	_ = 	snop  }
0x79: {  	[tilespmem:s12], [sflag:$0x1] =	stream.indirect.gather [hbm4b:s3+s14], $0x10, s15, s14, $0xb8;
	[tilespmem:$0x11A00] =	vst v63  }
0x7a: {  	_ = 	snop  }
0x7b: {  	[tilespmem:s22], [sflag:$0x1] =	stream.indirect.gather [hbm4b:s3+s14], $0x10, s9, s14, $0xb8;
	[tilespmem:$0x11A00] =	vst v63  }
0x7c: {  	s22 =	simm.s32 $0xE200  }
0x7d: {  	[tilespmem:s22], [sflag:$0x1] =	stream.indirect.gather [hbm4b:s3+s14], $0x10, s10, s14, $0xb8;
	[tilespmem:$0x11A00] =	vst v63  }
0x7e: {  	s12 =	simm.s32 $0xEA00  }
0x7f: {  	[tilespmem:s12], [sflag:$0x1] =	stream.indirect.gather [hbm4b:s3+s14], $0x10, s11, s14, $0xb8;
	[tilespmem:$0x11A00] =	vst v63  }
0x80: {  	s22 =	simm.s32 $0xF200  }
0x81: {  	[tilespmem:s22], [sflag:$0x1] =	stream.indirect.gather [hbm4b:s3+s14], $0x10, s23, s14, $0xb8;
	[tilespmem:$0x11A00] =	vst v63  }
0x82: {  	s12 =	simm.s32 $0x800;
	s22 =	simm.s32 $0xFA00  }
0x83: {  	[tilespmem:s22], [sflag:$0x1] =	stream.indirect.gather [hbm4b:s3+s14], $0x10, s12, s14, $0xb8;
	[tilespmem:$0x11A00] =	vst v63  }
0x84: {  	s12 =	simm.s32 $0x880;
	s22 =	simm.s32 $0x10200  }
0x85: {  	[tilespmem:s22], [sflag:$0x1] =	stream.indirect.gather [hbm4b:s3+s14], $0x10, s12, s14, $0xb8;
	[tilespmem:$0x11A00] =	vst v63  }
0x86: {  	s12 =	simm.s32 $0x900;
	s22 =	simm.s32 $0x10A00  }
0x87: {  	[tilespmem:s22], [sflag:$0x1] =	stream.indirect.gather [hbm4b:s3+s14], $0x10, s12, s14, $0xb8;
	[tilespmem:$0x11A00] =	vst v63  }
0x88: {  	s12 =	simm.s32 $0x980;
	s22 =	simm.s32 $0x11200  }
0x89: {  	[tilespmem:s22], [sflag:$0x1] =	stream.indirect.gather [hbm4b:s3+s14], $0x10, s12, s14, $0xb8;
	[tilespmem:$0x11A00] =	vst v63  }
0x8a: {  	_ =	swait.ge [sflag:s21], $0x800  }
0x8b: {  	[sflag:s21] =	ssyncset.done $0x0  }
0x8c: {  	[sflag:s21] =	ssyncadd.s32 $0xFFFFF800  }
0x8d: {  	_ =	swait.ge [sflag:s21], $0x800  }
0x8e: {  	[sflag:s21] =	ssyncset.done $0x0  }
0x8f: {  	[sflag:s21] =	ssyncadd.s32 $0xFFFFF800  }
0x90: {  	_ =	swait.ge [sflag:s21], $0x800  }
0x91: {  	[sflag:s21] =	ssyncset.done $0x0  }
0x92: {  	[sflag:s21] =	ssyncadd.s32 $0xFFFFF800  }
0x93: {  	_ =	swait.ge [sflag:s21], $0x800  }
0x94: {  	[sflag:s21] =	ssyncset.done $0x0  }
0x95: {  	[sflag:s21] =	ssyncadd.s32 $0xFFFFF800  }
0x96: {  	_ =	swait.ge [sflag:s21], $0x800  }
0x97: {  	[sflag:s21] =	ssyncset.done $0x0  }
0x98: {  	[sflag:s21] =	ssyncadd.s32 $0xFFFFF800  }
0x99: {  	_ =	swait.ge [sflag:s21], $0x800  }
0x9a: {  	[sflag:s21] =	ssyncset.done $0x0  }
0x9b: {  	[sflag:s21] =	ssyncadd.s32 $0xFFFFF800  }
0x9c: {  	_ =	swait.ge [sflag:s21], $0x800  }
0x9d: {  	[sflag:s21] =	ssyncset.done $0x0  }
0x9e: {  	[sflag:s21] =	ssyncadd.s32 $0xFFFFF800  }
0x9f: {  	_ =	swait.ge [sflag:s21], $0x800  }
0xa0: {  	[sflag:s21] =	ssyncset.done $0x0  }
0xa1: {  	[sflag:s21] =	ssyncadd.s32 $0xFFFFF800  }
0xa2: {  	_ =	swait.ge [sflag:s21], $0x800  }
0xa3: {  	[sflag:s21] =	ssyncset.done $0x0  }
0xa4: {  	[sflag:s21] =	ssyncadd.s32 $0xFFFFF800  }
0xa5: {  	_ =	swait.ge [sflag:s21], $0x800  }
0xa6: {  	[sflag:s21] =	ssyncset.done $0x0  }
0xa7: {  	s22 =	rddreg [dreg:$0x14];
	[sflag:s21] =	ssyncadd.s32 $0xFFFFF800  }
0xa8: {  	[hbm4b:s22+s2] =	stream.linear.scatter [tilespmem:s7], [sflag:$0x2], $0x5000, $0x38;
	[tilespmem:$0x11A00] =	vst v63  }
0xa9: {  	_ =	swait.ge [sflag:s13], $0x5000  }
0xaa: {  	s4 =	rddreg [dreg:$0x3];
	[sflag:s13] =	ssyncset.done $0x0  }
0xab: {  	[sflag:s13] =	ssyncadd.s32 $0xFFFFB000;
	s3 =	sadd.s32 $0x0, s4  }
0xac: {  	[tilespmem:s2], [sflag:$0x2] =	stream.linear.gather [hbm4b:s3+s2], $0x800, $0x38;
	[tilespmem:$0x11A00] =	vst v63  }
0xad: {  	_ =	swait.ge [sflag:s13], $0x800  }
0xae: {  	[sflag:s13] =	ssyncset.done $0x0  }
0xaf: {  	[sflag:s13] =	ssyncadd.s32 $0xFFFFF800  }
0xb0: {  	[tilespmem:s24], [sflag:$0x1] =	stream.indirect.gather [hbm4b:s5+s14], $0x10, s2, s14, $0xb8;
	[tilespmem:$0x11A00] =	vst v63  }
0xb1: {  	s7 =	rddreg [dreg:$0x4]  }
0xb2: {  	[tilespmem:s7], [sflag:$0x1] =	stream.indirect.gather [hbm4b:s5+s14], $0x10, s14, s14, $0xb8;
	[tilespmem:$0x11A00] =	vst v63  }
0xb3: {  	s12 =	rddreg [dreg:$0x5]  }
0xb4: {  	[tilespmem:s12], [sflag:$0x1] =	stream.indirect.gather [hbm4b:s5+s14], $0x10, s17, s14, $0xb8;
	[tilespmem:$0x11A00] =	vst v63  }
0xb5: {  	s22 =	rddreg [dreg:$0x6]  }
0xb6: {  	[tilespmem:s22], [sflag:$0x1] =	stream.indirect.gather [hbm4b:s5+s14], $0x10, s19, s14, $0xb8;
	[tilespmem:$0x11A00] =	vst v63  }
0xb7: {  	s4 =	rddreg [dreg:$0x7]  }
0xb8: {  	[tilespmem:s4], [sflag:$0x1] =	stream.indirect.gather [hbm4b:s5+s14], $0x10, s26, s14, $0xb8;
	[tilespmem:$0x11A00] =	vst v63  }
0xb9: {  	s12 =	rddreg [dreg:$0x8]  }
0xba: {  	[tilespmem:s12], [sflag:$0x1] =	stream.indirect.gather [hbm4b:s5+s14], $0x10, s29, s14, $0xb8;
	[tilespmem:$0x11A00] =	vst v63  }
0xbb: {  	s22 =	rddreg [dreg:$0x9]  }
0xbc: {  	[tilespmem:s22], [sflag:$0x1] =	stream.indirect.gather [hbm4b:s5+s14], $0x10, s31, s14, $0xb8;
	[tilespmem:$0x11A00] =	vst v63  }
0xbd: {  	s4 =	rddreg [dreg:$0xa]  }
0xbe: {  	[tilespmem:s4], [sflag:$0x1] =	stream.indirect.gather [hbm4b:s5+s14], $0x10, s0, s14, $0xb8;
	[tilespmem:$0x11A00] =	vst v63  }
0xbf: {  	s12 =	rddreg [dreg:$0xb]  }
0xc0: {  	[tilespmem:s12], [sflag:$0x1] =	stream.indirect.gather [hbm4b:s5+s14], $0x10, s18, s14, $0xb8;
	[tilespmem:$0x11A00] =	vst v63  }
0xc1: {  	s22 =	rddreg [dreg:$0xc]  }
0xc2: {  	[tilespmem:s22], [sflag:$0x1] =	stream.indirect.gather [hbm4b:s5+s14], $0x10, s6, s14, $0xb8;
	[tilespmem:$0x11A00] =	vst v63  }
0xc3: {  	_ = 	snop  }
0xc4: {  	[tilespmem:s25], [sflag:$0x1] =	stream.indirect.gather [hbm4b:s5+s14], $0x10, s8, s14, $0xb8;
	[tilespmem:$0x11A00] =	vst v63  }
0xc5: {  	_ = 	snop  }
0xc6: {  	[tilespmem:s28], [sflag:$0x1] =	stream.indirect.gather [hbm4b:s5+s14], $0x10, s15, s14, $0xb8;
	[tilespmem:$0x11A00] =	vst v63  }
0xc7: {  	_ = 	snop  }
0xc8: {  	[tilespmem:s30], [sflag:$0x1] =	stream.indirect.gather [hbm4b:s5+s14], $0x10, s9, s14, $0xb8;
	[tilespmem:$0x11A00] =	vst v63  }
0xc9: {  	_ = 	snop  }
0xca: {  	[tilespmem:s1], [sflag:$0x1] =	stream.indirect.gather [hbm4b:s5+s14], $0x10, s10, s14, $0xb8;
	[tilespmem:$0x11A00] =	vst v63  }
0xcb: {  	_ = 	snop  }
0xcc: {  	[tilespmem:s16], [sflag:$0x1] =	stream.indirect.gather [hbm4b:s5+s14], $0x10, s11, s14, $0xb8;
	[tilespmem:$0x11A00] =	vst v63  }
0xcd: {  	_ = 	snop  }
0xce: {  	[tilespmem:s20], [sflag:$0x1] =	stream.indirect.gather [hbm4b:s5+s14], $0x10, s23, s14, $0xb8;
	[tilespmem:$0x11A00] =	vst v63  }
0xcf: {  	_ =	swait.ge [sflag:s21], $0x800  }
0xd0: {  	[sflag:s21] =	ssyncset.done $0x0  }
0xd1: {  	[sflag:s21] =	ssyncadd.s32 $0xFFFFF800  }
0xd2: {  	_ =	swait.ge [sflag:s21], $0x800  }
0xd3: {  	[sflag:s21] =	ssyncset.done $0x0  }
0xd4: {  	[sflag:s21] =	ssyncadd.s32 $0xFFFFF800  }
0xd5: {  	_ =	swait.ge [sflag:s21], $0x800  }
0xd6: {  	[sflag:s21] =	ssyncset.done $0x0  }
0xd7: {  	[sflag:s21] =	ssyncadd.s32 $0xFFFFF800  }
0xd8: {  	_ =	swait.ge [sflag:s21], $0x800  }
0xd9: {  	[sflag:s21] =	ssyncset.done $0x0  }
0xda: {  	[sflag:s21] =	ssyncadd.s32 $0xFFFFF800  }
0xdb: {  	_ =	swait.ge [sflag:s21], $0x800  }
0xdc: {  	[sflag:s21] =	ssyncset.done $0x0  }
0xdd: {  	[sflag:s21] =	ssyncadd.s32 $0xFFFFF800  }
0xde: {  	_ =	swait.ge [sflag:s21], $0x800  }
0xdf: {  	[sflag:s21] =	ssyncset.done $0x0  }
0xe0: {  	[sflag:s21] =	ssyncadd.s32 $0xFFFFF800  }
0xe1: {  	_ =	swait.ge [sflag:s21], $0x800  }
0xe2: {  	[sflag:s21] =	ssyncset.done $0x0  }
0xe3: {  	[sflag:s21] =	ssyncadd.s32 $0xFFFFF800  }
0xe4: {  	_ =	swait.ge [sflag:s21], $0x800  }
0xe5: {  	[sflag:s21] =	ssyncset.done $0x0  }
0xe6: {  	[sflag:s21] =	ssyncadd.s32 $0xFFFFF800  }
0xe7: {  	_ =	swait.ge [sflag:s21], $0x800  }
0xe8: {  	[sflag:s21] =	ssyncset.done $0x0  }
0xe9: {  	[sflag:s21] =	ssyncadd.s32 $0xFFFFF800  }
0xea: {  	_ =	swait.ge [sflag:s21], $0x800  }
0xeb: {  	[sflag:s21] =	ssyncset.done $0x0  }
0xec: {  	[sflag:s21] =	ssyncadd.s32 $0xFFFFF800  }
0xed: {  	_ =	swait.ge [sflag:s21], $0x800  }
0xee: {  	[sflag:s21] =	ssyncset.done $0x0  }
0xef: {  	[sflag:s21] =	ssyncadd.s32 $0xFFFFF800  }
0xf0: {  	_ =	swait.ge [sflag:s21], $0x800  }
0xf1: {  	[sflag:s21] =	ssyncset.done $0x0  }
0xf2: {  	[sflag:s21] =	ssyncadd.s32 $0xFFFFF800  }
0xf3: {  	_ =	swait.ge [sflag:s21], $0x800  }
0xf4: {  	[sflag:s21] =	ssyncset.done $0x0  }
0xf5: {  	[sflag:s21] =	ssyncadd.s32 $0xFFFFF800  }
0xf6: {  	_ =	swait.ge [sflag:s21], $0x800  }
0xf7: {  	[sflag:s21] =	ssyncset.done $0x0  }
0xf8: {  	[sflag:s21] =	ssyncadd.s32 $0xFFFFF800  }
0xf9: {  	_ =	swait.ge [sflag:s21], $0x800  }
0xfa: {  	[sflag:s21] =	ssyncset.done $0x0  }
0xfb: {  	[sflag:s21] =	ssyncadd.s32 $0xFFFFF800  }
0xfc: {  	_ =	swait.ge [sflag:s21], $0x800  }
0xfd: {  	[sflag:s21] =	ssyncset.done $0x0  }
0xfe: {  	s12 =	rddreg [dreg:$0x15];
	[sflag:s21] =	ssyncadd.s32 $0xFFFFF800  }
0xff: {  	[hbm4b:s12+s2] =	stream.linear.scatter [tilespmem:s24], [sflag:$0x2], $0x8000, $0x38;
	[tilespmem:$0x11A00] =	vst v63  }
0x100: {  	s3 =	simm.s32 $0x200;
	_ =	swait.ge [sflag:s13], $0x8000  }
0x101: {  	s22 =	simm.s32 $0x100;
	s7 =	rddreg [dreg:$0x3];
	[sflag:s13] =	ssyncset.done $0x0  }
.LBB2_2:
0x102: {  	[sflag:s13] =	ssyncadd.s32 $0xFFFF8000;
	s7 =	sadd.s32 s22, s7  }
0x103: {  	[tilespmem:s2], [sflag:$0x2] =	stream.linear.gather [hbm4b:s7+s2], $0x800, $0x38;
	[tilespmem:$0x11A00] =	vst v63  }
0x104: {  	_ =	swait.ge [sflag:s13], $0x800  }
0x105: {  	[sflag:s13] =	ssyncset.done $0x0  }
0x106: {  	s4 =	smov.u32 s3;
	[sflag:s13] =	ssyncadd.s32 $0xFFFFF800  }
0x107: {  	[tilespmem:s24], [sflag:$0x1] =	stream.indirect.gather [hbm4b:s5+s14], $0x10, s2, s14, $0xb8;
	[tilespmem:$0x11A00] =	vst v63  }
0x108: {  	s22 =	smov.u32 s4;
	s4 =	rddreg [dreg:$0x4]  }
0x109: {  	[tilespmem:s4], [sflag:$0x1] =	stream.indirect.gather [hbm4b:s5+s14], $0x10, s14, s14, $0xb8;
	[tilespmem:$0x11A00] =	vst v63  }
0x10a: {  	s7 =	rddreg [dreg:$0x5]  }
0x10b: {  	[tilespmem:s7], [sflag:$0x1] =	stream.indirect.gather [hbm4b:s5+s14], $0x10, s17, s14, $0xb8;
	[tilespmem:$0x11A00] =	vst v63  }
0x10c: {  	s4 =	rddreg [dreg:$0x6]  }
0x10d: {  	[tilespmem:s4], [sflag:$0x1] =	stream.indirect.gather [hbm4b:s5+s14], $0x10, s19, s14, $0xb8;
	[tilespmem:$0x11A00] =	vst v63  }
0x10e: {  	s7 =	rddreg [dreg:$0x7]  }
0x10f: {  	[tilespmem:s7], [sflag:$0x1] =	stream.indirect.gather [hbm4b:s5+s14], $0x10, s26, s14, $0xb8;
	[tilespmem:$0x11A00] =	vst v63  }
0x110: {  	s4 =	rddreg [dreg:$0x8]  }
0x111: {  	[tilespmem:s4], [sflag:$0x1] =	stream.indirect.gather [hbm4b:s5+s14], $0x10, s29, s14, $0xb8;
	[tilespmem:$0x11A00] =	vst v63  }
0x112: {  	s7 =	rddreg [dreg:$0x9]  }
0x113: {  	[tilespmem:s7], [sflag:$0x1] =	stream.indirect.gather [hbm4b:s5+s14], $0x10, s31, s14, $0xb8;
	[tilespmem:$0x11A00] =	vst v63  }
0x114: {  	s4 =	rddreg [dreg:$0xa]  }
0x115: {  	[tilespmem:s4], [sflag:$0x1] =	stream.indirect.gather [hbm4b:s5+s14], $0x10, s0, s14, $0xb8;
	[tilespmem:$0x11A00] =	vst v63  }
0x116: {  	s7 =	rddreg [dreg:$0xb]  }
0x117: {  	[tilespmem:s7], [sflag:$0x1] =	stream.indirect.gather [hbm4b:s5+s14], $0x10, s18, s14, $0xb8;
	[tilespmem:$0x11A00] =	vst v63  }
0x118: {  	s4 =	rddreg [dreg:$0xc]  }
0x119: {  	[tilespmem:s4], [sflag:$0x1] =	stream.indirect.gather [hbm4b:s5+s14], $0x10, s6, s14, $0xb8;
	[tilespmem:$0x11A00] =	vst v63  }
0x11a: {  	_ = 	snop  }
0x11b: {  	[tilespmem:s25], [sflag:$0x1] =	stream.indirect.gather [hbm4b:s5+s14], $0x10, s8, s14, $0xb8;
	[tilespmem:$0x11A00] =	vst v63  }
0x11c: {  	_ = 	snop  }
0x11d: {  	[tilespmem:s28], [sflag:$0x1] =	stream.indirect.gather [hbm4b:s5+s14], $0x10, s15, s14, $0xb8;
	[tilespmem:$0x11A00] =	vst v63  }
0x11e: {  	_ = 	snop  }
0x11f: {  	[tilespmem:s30], [sflag:$0x1] =	stream.indirect.gather [hbm4b:s5+s14], $0x10, s9, s14, $0xb8;
	[tilespmem:$0x11A00] =	vst v63  }
0x120: {  	_ = 	snop  }
0x121: {  	[tilespmem:s1], [sflag:$0x1] =	stream.indirect.gather [hbm4b:s5+s14], $0x10, s10, s14, $0xb8;
	[tilespmem:$0x11A00] =	vst v63  }
0x122: {  	_ = 	snop  }
0x123: {  	[tilespmem:s16], [sflag:$0x1] =	stream.indirect.gather [hbm4b:s5+s14], $0x10, s11, s14, $0xb8;
	[tilespmem:$0x11A00] =	vst v63  }
0x124: {  	_ = 	snop  }
0x125: {  	[tilespmem:s20], [sflag:$0x1] =	stream.indirect.gather [hbm4b:s5+s14], $0x10, s23, s14, $0xb8;
	[tilespmem:$0x11A00] =	vst v63  }
0x126: {  	_ =	swait.ge [sflag:s21], $0x800  }
0x127: {  	[sflag:s21] =	ssyncset.done $0x0  }
0x128: {  	[sflag:s21] =	ssyncadd.s32 $0xFFFFF800  }
0x129: {  	_ =	swait.ge [sflag:s21], $0x800  }
0x12a: {  	[sflag:s21] =	ssyncset.done $0x0  }
0x12b: {  	[sflag:s21] =	ssyncadd.s32 $0xFFFFF800  }
0x12c: {  	_ =	swait.ge [sflag:s21], $0x800  }
0x12d: {  	[sflag:s21] =	ssyncset.done $0x0  }
0x12e: {  	[sflag:s21] =	ssyncadd.s32 $0xFFFFF800  }
0x12f: {  	_ =	swait.ge [sflag:s21], $0x800  }
0x130: {  	[sflag:s21] =	ssyncset.done $0x0  }
0x131: {  	[sflag:s21] =	ssyncadd.s32 $0xFFFFF800  }
0x132: {  	_ =	swait.ge [sflag:s21], $0x800  }
0x133: {  	[sflag:s21] =	ssyncset.done $0x0  }
0x134: {  	[sflag:s21] =	ssyncadd.s32 $0xFFFFF800  }
0x135: {  	_ =	swait.ge [sflag:s21], $0x800  }
0x136: {  	[sflag:s21] =	ssyncset.done $0x0  }
0x137: {  	[sflag:s21] =	ssyncadd.s32 $0xFFFFF800  }
0x138: {  	_ =	swait.ge [sflag:s21], $0x800  }
0x139: {  	[sflag:s21] =	ssyncset.done $0x0  }
0x13a: {  	[sflag:s21] =	ssyncadd.s32 $0xFFFFF800  }
0x13b: {  	_ =	swait.ge [sflag:s21], $0x800  }
0x13c: {  	[sflag:s21] =	ssyncset.done $0x0  }
0x13d: {  	[sflag:s21] =	ssyncadd.s32 $0xFFFFF800  }
0x13e: {  	_ =	swait.ge [sflag:s21], $0x800  }
0x13f: {  	[sflag:s21] =	ssyncset.done $0x0  }
0x140: {  	[sflag:s21] =	ssyncadd.s32 $0xFFFFF800  }
0x141: {  	_ =	swait.ge [sflag:s21], $0x800  }
0x142: {  	[sflag:s21] =	ssyncset.done $0x0  }
0x143: {  	[sflag:s21] =	ssyncadd.s32 $0xFFFFF800  }
0x144: {  	_ =	swait.ge [sflag:s21], $0x800  }
0x145: {  	[sflag:s21] =	ssyncset.done $0x0  }
0x146: {  	[sflag:s21] =	ssyncadd.s32 $0xFFFFF800  }
0x147: {  	_ =	swait.ge [sflag:s21], $0x800  }
0x148: {  	[sflag:s21] =	ssyncset.done $0x0  }
0x149: {  	[sflag:s21] =	ssyncadd.s32 $0xFFFFF800  }
0x14a: {  	_ =	swait.ge [sflag:s21], $0x800  }
0x14b: {  	[sflag:s21] =	ssyncset.done $0x0  }
0x14c: {  	[sflag:s21] =	ssyncadd.s32 $0xFFFFF800  }
0x14d: {  	_ =	swait.ge [sflag:s21], $0x800  }
0x14e: {  	[sflag:s21] =	ssyncset.done $0x0  }
0x14f: {  	[sflag:s21] =	ssyncadd.s32 $0xFFFFF800  }
0x150: {  	_ =	swait.ge [sflag:s21], $0x800  }
0x151: {  	[sflag:s21] =	ssyncset.done $0x0  }
0x152: {  	[sflag:s21] =	ssyncadd.s32 $0xFFFFF800  }
0x153: {  	p0 =	sne.s32 s3, $0x900;
	_ =	swait.ge [sflag:s21], $0x800  }
.Ltmp0:
0x154: {  	[sflag:s21] =	ssyncset.done $0x0;
	(pc) =	sbr.rel @p0 .LBB2_2-.Ltmp0, $4  }
0x155: {  	s12 =	sadd.s32 $0x1000, s12;
	[sflag:s21] =	ssyncadd.s32 $0xFFFFF800  }
0x156: {  	[hbm4b:s12+s2] =	stream.linear.scatter [tilespmem:s24], [sflag:$0x2], $0x8000, $0x38;
	[tilespmem:$0x11A00] =	vst v63  }
0x157: {  	_ =	swait.ge [sflag:s13], $0x8000  }
0x158: {  	s3 =	sadd.s32 $0x100, s3;
	s7 =	rddreg [dreg:$0x3];
	[sflag:s13] =	ssyncset.done $0x0  }
0x159: {  	[sflag:s13] =	ssyncadd.s32 $0xFFFF8000;
	s3 =	sadd.s32 s22, s7  }
0x15a: {  	[tilespmem:s2], [sflag:$0x2] =	stream.linear.gather [hbm4b:s3+s2], $0x800, $0x38;
	[tilespmem:$0x11A00] =	vst v63  }
0x15b: {  	_ =	swait.ge [sflag:s13], $0x800  }
0x15c: {  	[sflag:s13] =	ssyncset.done $0x0  }
0x15d: {  	[sflag:s13] =	ssyncadd.s32 $0xFFFFF800  }
0x15e: {  	[tilespmem:s24], [sflag:$0x1] =	stream.indirect.gather [hbm4b:s5+s14], $0x10, s2, s14, $0xb8;
	[tilespmem:$0x11A00] =	vst v63  }
0x15f: {  	s7 =	rddreg [dreg:$0x4]  }
0x160: {  	[tilespmem:s7], [sflag:$0x1] =	stream.indirect.gather [hbm4b:s5+s14], $0x10, s14, s14, $0xb8;
	[tilespmem:$0x11A00] =	vst v63  }
0x161: {  	s4 =	rddreg [dreg:$0x5]  }
0x162: {  	[tilespmem:s4], [sflag:$0x1] =	stream.indirect.gather [hbm4b:s5+s14], $0x10, s17, s14, $0xb8;
	[tilespmem:$0x11A00] =	vst v63  }
0x163: {  	s22 =	rddreg [dreg:$0x6]  }
0x164: {  	[tilespmem:s22], [sflag:$0x1] =	stream.indirect.gather [hbm4b:s5+s14], $0x10, s19, s14, $0xb8;
	[tilespmem:$0x11A00] =	vst v63  }
0x165: {  	s7 =	rddreg [dreg:$0x7]  }
0x166: {  	[tilespmem:s7], [sflag:$0x1] =	stream.indirect.gather [hbm4b:s5+s14], $0x10, s26, s14, $0xb8;
	[tilespmem:$0x11A00] =	vst v63  }
0x167: {  	s22 =	rddreg [dreg:$0x8]  }
0x168: {  	[tilespmem:s22], [sflag:$0x1] =	stream.indirect.gather [hbm4b:s5+s14], $0x10, s29, s14, $0xb8;
	[tilespmem:$0x11A00] =	vst v63  }
0x169: {  	s7 =	rddreg [dreg:$0x9]  }
0x16a: {  	[tilespmem:s7], [sflag:$0x1] =	stream.indirect.gather [hbm4b:s5+s14], $0x10, s31, s14, $0xb8;
	[tilespmem:$0x11A00] =	vst v63  }
0x16b: {  	s22 =	rddreg [dreg:$0xa]  }
0x16c: {  	[tilespmem:s22], [sflag:$0x1] =	stream.indirect.gather [hbm4b:s5+s14], $0x10, s0, s14, $0xb8;
	[tilespmem:$0x11A00] =	vst v63  }
0x16d: {  	s7 =	rddreg [dreg:$0xb]  }
0x16e: {  	[tilespmem:s7], [sflag:$0x1] =	stream.indirect.gather [hbm4b:s5+s14], $0x10, s18, s14, $0xb8;
	[tilespmem:$0x11A00] =	vst v63  }
0x16f: {  	s22 =	rddreg [dreg:$0xc]  }
0x170: {  	[tilespmem:s22], [sflag:$0x1] =	stream.indirect.gather [hbm4b:s5+s14], $0x10, s6, s14, $0xb8;
	[tilespmem:$0x11A00] =	vst v63  }
0x171: {  	_ = 	snop  }
0x172: {  	[tilespmem:s25], [sflag:$0x1] =	stream.indirect.gather [hbm4b:s5+s14], $0x10, s8, s14, $0xb8;
	[tilespmem:$0x11A00] =	vst v63  }
0x173: {  	_ = 	snop  }
0x174: {  	[tilespmem:s28], [sflag:$0x1] =	stream.indirect.gather [hbm4b:s5+s14], $0x10, s15, s14, $0xb8;
	[tilespmem:$0x11A00] =	vst v63  }
0x175: {  	_ = 	snop  }
0x176: {  	[tilespmem:s30], [sflag:$0x1] =	stream.indirect.gather [hbm4b:s5+s14], $0x10, s9, s14, $0xb8;
	[tilespmem:$0x11A00] =	vst v63  }
0x177: {  	_ = 	snop  }
0x178: {  	[tilespmem:s1], [sflag:$0x1] =	stream.indirect.gather [hbm4b:s5+s14], $0x10, s10, s14, $0xb8;
	[tilespmem:$0x11A00] =	vst v63  }
0x179: {  	_ = 	snop  }
0x17a: {  	[tilespmem:s16], [sflag:$0x1] =	stream.indirect.gather [hbm4b:s5+s14], $0x10, s11, s14, $0xb8;
	[tilespmem:$0x11A00] =	vst v63  }
0x17b: {  	_ = 	snop  }
0x17c: {  	[tilespmem:s20], [sflag:$0x1] =	stream.indirect.gather [hbm4b:s5+s14], $0x10, s23, s14, $0xb8;
	[tilespmem:$0x11A00] =	vst v63  }
0x17d: {  	_ =	swait.ge [sflag:s21], $0x800  }
0x17e: {  	[sflag:s21] =	ssyncset.done $0x0  }
0x17f: {  	[sflag:s21] =	ssyncadd.s32 $0xFFFFF800  }
0x180: {  	_ =	swait.ge [sflag:s21], $0x800  }
0x181: {  	[sflag:s21] =	ssyncset.done $0x0  }
0x182: {  	[sflag:s21] =	ssyncadd.s32 $0xFFFFF800  }
0x183: {  	_ =	swait.ge [sflag:s21], $0x800  }
0x184: {  	[sflag:s21] =	ssyncset.done $0x0  }
0x185: {  	[sflag:s21] =	ssyncadd.s32 $0xFFFFF800  }
0x186: {  	_ =	swait.ge [sflag:s21], $0x800  }
0x187: {  	[sflag:s21] =	ssyncset.done $0x0  }
0x188: {  	[sflag:s21] =	ssyncadd.s32 $0xFFFFF800  }
0x189: {  	_ =	swait.ge [sflag:s21], $0x800  }
0x18a: {  	[sflag:s21] =	ssyncset.done $0x0  }
0x18b: {  	[sflag:s21] =	ssyncadd.s32 $0xFFFFF800  }
0x18c: {  	_ =	swait.ge [sflag:s21], $0x800  }
0x18d: {  	[sflag:s21] =	ssyncset.done $0x0  }
0x18e: {  	[sflag:s21] =	ssyncadd.s32 $0xFFFFF800  }
0x18f: {  	_ =	swait.ge [sflag:s21], $0x800  }
0x190: {  	[sflag:s21] =	ssyncset.done $0x0  }
0x191: {  	[sflag:s21] =	ssyncadd.s32 $0xFFFFF800  }
0x192: {  	_ =	swait.ge [sflag:s21], $0x800  }
0x193: {  	[sflag:s21] =	ssyncset.done $0x0  }
0x194: {  	[sflag:s21] =	ssyncadd.s32 $0xFFFFF800  }
0x195: {  	_ =	swait.ge [sflag:s21], $0x800  }
0x196: {  	[sflag:s21] =	ssyncset.done $0x0  }
0x197: {  	[sflag:s21] =	ssyncadd.s32 $0xFFFFF800  }
0x198: {  	_ =	swait.ge [sflag:s21], $0x800  }
0x199: {  	[sflag:s21] =	ssyncset.done $0x0  }
0x19a: {  	[sflag:s21] =	ssyncadd.s32 $0xFFFFF800  }
0x19b: {  	_ =	swait.ge [sflag:s21], $0x800  }
0x19c: {  	[sflag:s21] =	ssyncset.done $0x0  }
0x19d: {  	[sflag:s21] =	ssyncadd.s32 $0xFFFFF800  }
0x19e: {  	_ =	swait.ge [sflag:s21], $0x800  }
0x19f: {  	[sflag:s21] =	ssyncset.done $0x0  }
0x1a0: {  	[sflag:s21] =	ssyncadd.s32 $0xFFFFF800  }
0x1a1: {  	_ =	swait.ge [sflag:s21], $0x800  }
0x1a2: {  	[sflag:s21] =	ssyncset.done $0x0  }
0x1a3: {  	[sflag:s21] =	ssyncadd.s32 $0xFFFFF800  }
0x1a4: {  	_ =	swait.ge [sflag:s21], $0x800  }
0x1a5: {  	[sflag:s21] =	ssyncset.done $0x0  }
0x1a6: {  	[sflag:s21] =	ssyncadd.s32 $0xFFFFF800  }
0x1a7: {  	_ =	swait.ge [sflag:s21], $0x800  }
0x1a8: {  	[sflag:s21] =	ssyncset.done $0x0  }
0x1a9: {  	[sflag:s21] =	ssyncadd.s32 $0xFFFFF800  }
0x1aa: {  	_ =	swait.ge [sflag:s21], $0x800  }
0x1ab: {  	[sflag:s21] =	ssyncset.done $0x0  }
0x1ac: {  	s7 =	sadd.s32 $0x1000, s12;
	[sflag:s21] =	ssyncadd.s32 $0xFFFFF800  }
0x1ad: {  	[hbm4b:s7+s2] =	stream.linear.scatter [tilespmem:s24], [sflag:$0x2], $0x8000, $0x38;
	[tilespmem:$0x11A00] =	vst v63  }
0x1ae: {  	_ =	swait.ge [sflag:s13], $0x8000  }
0x1af: {  	s12 =	rddreg [dreg:$0x16]  }
0x1b0: {  	s22 =	rddreg [dreg:$0x12];
	s4 =	sadd.s32 $0x1, s12  }
0x1b1: {  	p0 =	sne.s32 s4, s22  }
.Ltmp1:
0x1b2: {  	_ = 	snop;
	(pc) =	sbr.rel @p0 .LBB2_1-.Ltmp1, $3  }
0x1b3: {  	_ =	sdelay $0x1  }
0x1b4: {  	[sflag:s13] =	ssyncset.done $0x0  }
0x1b5: {  	[sflag:s13] =	ssyncadd.s32 $0xFFFF8000  }
0x1b6: {  	_ =	sfence.sel $0x180000  }
0x1b7: {  	[bflag:$0x0] =	sbarrier.arrive $0xFFFF  }
0x1b8: {  	_ =	strace $0x9000004A  }
0x1b9: {  	s0 =	stileid.u32;
	[bflag:$0x2] =	sbarrier.arrive $0xFFFF  }
0x1ba: {  	p0 =	sne.s32 s0, $0x0;
	s0 =	rddreg [dreg:$0x2]  }
0x1bb: {  	s0 =	sadd.s32 @!p0 $0x100000, s0  }
0x1bc: {  	[sflag:s0] =	ssyncadd.tile.s32 @!p0 $0x1;
	_ =	shalt  }
.Lfunc_end2:
_tile_overlayer_lowered:
.L_overlay_start_2:
0x1bd: {  	(tag) =	ssettag $0x2  }
0x1be: {  	s0 =	rddreg [dreg:$0x0];
	s2 =	stileid.u32  }
0x1bf: {  	s1 =	rddreg [dreg:$0x1];
	p0 =	sne.s32 s2, $0x0  }
0x1c0: {  	s3 =	rddreg [dreg:$0x2];
	[bflag:$0x3] =	sbarrier.arrive $0xFFFF;
	s2 =	simm.s32 @!p0 $0x1C02  }
0x1c1: {  	[timem:s3], [sflag:s2] =	dma.local @!p0 [hbm:s0], s1  }
0x1c2: {  	s0 =	simm.s32 @!p0 $0x2  }
0x1c3: {  	_ =	swait.ge @!p0 [sflag:s0], s1  }
0x1c4: {  	s1 =	ssub.s32 @!p0 $0x0, s1;
	[sflag:s0] =	ssyncset.done @!p0 $0x0  }
0x1c5: {  	[sflag:s0] =	ssyncadd.s32 @!p0 s1  }
0x1c6: {  	[bflag:$0x3] =	sbarrier.arrive $0xFFFF  }
0x1c7: {  	_ =	shalt  }

// kernel: kernel.8.cloned.1.call-start
scs
__scs_entry_jumppad:
0x0: {  	(pc) =	sbr.rel $0x88, $3  }
0x1: {  	(tag) =	ssettag $0x0;
	lr =	simm.s32 $0x1  }
0x2: {  	[smem:$0x3F86] =	sst lr;
	_ =	strace $0xD0000000  }
0x3: {  	_ = 	snop  }
0x4: {  	_ = 	snop  }
0x5: {  	_ = 	snop  }
0x6: {  	_ = 	snop  }
0x7: {  	_ = 	snop  }
__scs_overlays_trampoline_lowered:
0x8: {  	[smem:$0x3F95] =	sst s0  }
0x9: {  	[smem:$0x3F96] =	sst s1  }
0xa: {  	[smem:$0x3F97] =	sst s2  }
0xb: {  	[smem:$0x3F98] =	sst s3  }
0xc: {  	[smem:$0x3F99] =	sst s4  }
0xd: {  	[smem:$0x3F9A] =	sst s5  }
0xe: {  	[smem:$0x3F9B] =	sst s6  }
0xf: {  	[smem:$0x3F9C] =	sst s7  }
0x10: {  	[smem:$0x3F9D] =	sst s8  }
0x11: {  	[smem:$0x3F9E] =	sst s9;
	s0 =	simm.s32 @!p0 $0x0  }
0x12: {  	s1 =	sld [smem:$0x3F84];
	s0 =	simm.s32 @p0 $0x1  }
0x13: {  	[smem:$0x3F9F] =	sst s0;
	s0 =	simm.s32 @!p1 $0x0  }
0x14: {  	s2 =	sld [smem:$0x3F83];
	s0 =	simm.s32 @p1 $0x1  }
0x15: {  	[smem:$0x3FA0] =	sst s0;
	s0 =	simm.s32 @!p2 $0x0  }
0x16: {  	s3 =	sld [smem:$0x3FDB];
	s0 =	simm.s32 @p2 $0x1  }
0x17: {  	s4 =	simm.s32 $0x1BF5;
	[smem:$0x3FA2] =	sst s0  }
0x18: {  	s0 =	sld [smem:$0x3F85];
	_ =	swait.ge [sflag:s4], $0x0  }
0x19: {  	s7 =	sld [smem:$0x3F86]  }
0x1a: {  	s8 =	sadd.s32 $0xFFFFE003, lr  }
0x1b: {  	s9 =	sadd.s32 $0xFFFFFEF7, lr;
	s5 =	simm.s32 $0xFFFFFFFF;
	p2 =	slt.u32 s8, $0xFFFFF086  }
0x1c: {  	p1 =	slt.u32 s9, $0xF7A;
	s5 =	simm.s32 @!p2 $0x0  }
0x1d: {  	s5 =	simm.s32 @p1 $0x1;
	p0 =	seq.s32 s7, s2  }
0x1e: {  	s7 =	smul.u32 @!p0 $0xF7A, s2;
	p2 =	seq.s32 @!p0 s5, $0x0  }
0x1f: {  	s9 =	smul.u32 $0xF7A, s1;
	s8 =	simm.s32 @!p0 $0x1BF5;
	p2 =	por !p2, p0  }
0x20: {  	[sflag:s8] =	ssyncset.s32 @!p0 $0xFFFFF086;
	s6 =	sadd.s32 @!p0 s3, s7;
	s7 =	simm.s32 @!p0 $0x108  }
0x21: {  	s3 =	sadd.s32 s3, s9;
	s6 =	sadd.s32 @!p0 $0x88, s6;
	s7 =	simm.s32 @p2 $0x1082  }
0x22: {  	[simem:s7], [sflag:s8] =	dma.local @!p0 [hbm:s6], $0xF7A  }
0x23: {  	s9 =	sor.u32 $0xD0000000, s2;
	s6 =	simm.s32 $0x108;
	_ =	swait.ge @!p0 [sflag:s8], $0x0  }
0x24: {  	s3 =	sadd.s32 $0x88, s3;
	s6 =	simm.s32 @!p1 $0x1082;
	[sflag:s4] =	ssyncset.s32 $0xFFFFF086  }
0x25: {  	[simem:s6], [sflag:s4] =	dma.local [hbm:s3], $0xF7A  }
0x26: {  	[smem:$0x3F86] =	sst s1;
	(tag) =	ssettag s2;
	_ =	strace s9  }
0x27: {  	s1 =	sld [smem:$0x3F96]  }
0x28: {  	s2 =	sld [smem:$0x3F97]  }
0x29: {  	s4 =	sld [smem:$0x3F99]  }
0x2a: {  	p0 =	seq.s32 s5, $0x0;
	s5 =	sld [smem:$0x3F9A]  }
0x2b: {  	s6 =	sld [smem:$0x3F9B]  }
0x2c: {  	s7 =	sld [smem:$0x3F9C]  }
0x2d: {  	s3 =	simm.s32 $0x108;
	s8 =	sld [smem:$0x3F9D]  }
0x2e: {  	s3 =	simm.s32 @!p0 $0x1082;
	s9 =	sld [smem:$0x3F9E]  }
0x2f: {  	lr =	sadd.s32 s0, s3;
	s0 =	sld [smem:$0x3F95]  }
0x30: {  	s3 =	sld [smem:$0x3F98]  }
0x31: {  	[smem:$0x3FA1] =	sst s10  }
0x32: {  	s10 =	sld [smem:$0x3F9F];
	_ =	sdelay $0x3  }
0x33: {  	p0 =	seq.s32 s10, $0x1;
	s10 =	sld [smem:$0x3FA1];
	_ =	sdelay $0x3  }
0x34: {  	[smem:$0x3FA1] =	sst s10  }
0x35: {  	s10 =	sld [smem:$0x3FA0];
	_ =	sdelay $0x3  }
0x36: {  	p1 =	seq.s32 s10, $0x1;
	s10 =	sld [smem:$0x3FA1];
	_ =	sdelay $0x3  }
0x37: {  	[smem:$0x3FA1] =	sst s10  }
0x38: {  	s10 =	sld [smem:$0x3FA2]  }
0x39: {  	_ = 	snop;
	(pc) =	sbr.ind lr, $3  }
0x3a: {  	_ = 	snop  }
0x3b: {  	_ = 	snop  }
0x3c: {  	p2 =	seq.s32 s10, $0x1;
	s10 =	sld [smem:$0x3FA1]  }
0x3d: {  	_ =	shalt  }
0x3e: {  	_ =	shalt  }
0x3f: {  	_ =	shalt  }
0x40: {  	_ =	shalt  }
0x41: {  	_ =	shalt  }
0x42: {  	_ =	shalt  }
0x43: {  	_ =	shalt  }
0x44: {  	_ =	shalt  }
0x45: {  	_ =	shalt  }
0x46: {  	_ =	shalt  }
0x47: {  	_ =	shalt  }
0x48: {  	_ =	shalt  }
0x49: {  	_ =	shalt  }
0x4a: {  	_ =	shalt  }
0x4b: {  	_ =	shalt  }
0x4c: {  	_ =	shalt  }
0x4d: {  	_ =	shalt  }
0x4e: {  	_ =	shalt  }
0x4f: {  	_ =	shalt  }
0x50: {  	_ =	shalt  }
0x51: {  	_ =	shalt  }
0x52: {  	_ =	shalt  }
0x53: {  	_ =	shalt  }
0x54: {  	_ =	shalt  }
0x55: {  	_ =	shalt  }
0x56: {  	_ =	shalt  }
0x57: {  	_ =	shalt  }
0x58: {  	_ =	shalt  }
0x59: {  	_ =	shalt  }
0x5a: {  	_ =	shalt  }
0x5b: {  	_ =	shalt  }
0x5c: {  	_ =	shalt  }
0x5d: {  	_ =	shalt  }
0x5e: {  	_ =	shalt  }
0x5f: {  	_ =	shalt  }
0x60: {  	_ =	shalt  }
0x61: {  	_ =	shalt  }
0x62: {  	_ =	shalt  }
0x63: {  	_ =	shalt  }
0x64: {  	_ =	shalt  }
0x65: {  	_ =	shalt  }
0x66: {  	_ =	shalt  }
0x67: {  	_ =	shalt  }
0x68: {  	_ =	shalt  }
0x69: {  	_ =	shalt  }
0x6a: {  	_ =	shalt  }
0x6b: {  	_ =	shalt  }
0x6c: {  	_ =	shalt  }
0x6d: {  	_ =	shalt  }
0x6e: {  	_ =	shalt  }
0x6f: {  	_ =	shalt  }
0x70: {  	_ =	shalt  }
0x71: {  	_ =	shalt  }
0x72: {  	_ =	shalt  }
0x73: {  	_ =	shalt  }
0x74: {  	_ =	shalt  }
0x75: {  	_ =	shalt  }
0x76: {  	_ =	shalt  }
0x77: {  	_ =	shalt  }
0x78: {  	_ =	shalt  }
0x79: {  	_ =	shalt  }
0x7a: {  	_ =	shalt  }
0x7b: {  	_ =	shalt  }
0x7c: {  	_ =	shalt  }
0x7d: {  	_ =	shalt  }
0x7e: {  	_ =	shalt  }
0x7f: {  	_ =	shalt  }
0x80: {  	_ =	shalt  }
0x81: {  	_ =	shalt  }
0x82: {  	_ =	shalt  }
0x83: {  	_ =	shalt  }
0x84: {  	_ =	shalt  }
0x85: {  	_ =	shalt  }
0x86: {  	_ =	shalt  }
0x87: {  	_ =	shalt  }
.Lfunc_end0:
.L_simem_size_0:
called_computation.1_lowered:
.L_overlay_start_0:
0x88: {  	s2 =	sld [smem:$0x3FD9]  }
0x89: {  	s3 =	sld [smem:$0x3FFE];
	_ =	sdelay $0x1  }
0x8a: {  	s1 =	srdreg.scid  }
0x8b: {  	s0 =	sand.u32 $0x1, s1  }
0x8c: {  	s17 =	sshll.u32 s0, $0xA;
	s2 =	sadd.s32 s3, s2  }
0x8d: {  	s2 =	sadd.s32 s2, s17  }
0x8e: {  	[smem:$0x3FAD] =	sst s2  }
0x8f: {  	_ = 	snop  }
0x90: {  	s2 =	sld [smem:$0x3FC9]  }
0x91: {  	s18 =	sld [smem:$0x3FC3];
	(tm) =	ssettm $0x1  }
0x92: {  	s4 =	sld [smem:$0x3FFB];
	_ =	sdelay $0x3  }
0x93: {  	_ =	strace s4  }
0x94: {  	s4 =	sld [smem:$0x3FFC];
	_ =	sdelay $0x3  }
0x95: {  	_ =	strace s4  }
0x96: {  	s4 =	sld [smem:$0x3FFD];
	_ =	sdelay $0x3  }
0x97: {  	_ =	strace s4  }
0x98: {  	_ =	strace $0x8FFFFFFF  }
0x99: {  	s19 =	sld [smem:$0x3FDB];
	_ =	sdelay $0x1  }
0x9a: {  	s5 =	simm.s32 $_scs_section_size  }
0x9b: {  	s6 =	simm.s32 $_size__tile_overlayer_lowered;
	s7 =	simm.s32 $_tile_overlayer_lowered  }
0x9c: {  	s22 =	simm.s32 $0x1BFF;
	s21 =	sshll.u32 s7, $0x1;
	s4 =	sadd.s32 s5, s19  }
0x9d: {  	s8 =	simm.s32 $0x0;
	s20 =	sshll.u32 s6, $0x1;
	s6 =	sadd.s32 s21, s4  }
0x9e: {  	[timem:s8], [sflag:s22] =	dma.local [hbm:s6], s20  }
0x9f: {  	_ =	swait.ge [sflag:s22], s20  }
0xa0: {  	s5 =	ssub.s32 $0x0, s20;
	[sflag:s22] =	ssyncset.done $0x0  }
0xa1: {  	[sflag:s22] =	ssyncadd.s32 s5;
	_ =	sdelay $0x1  }
0xa2: {  	s23 =	simm.s32 $0x1B8B  }
0xa3: {  	_ =	swait.ge [sflag:s23], $0x1  }
0xa4: {  	[sflag:s23] =	ssyncset.done $0x0  }
0xa5: {  	s25 =	simm.s32 $0x1B8E;
	s24 =	sld [smem:$0x3FFE];
	[sflag:s23] =	ssyncadd.s32 $0xFFFFFFFF  }
0xa6: {  	s26 =	simm.s32 $execute0_lowered;
	[smem:$0x3FD2] =	sst s25  }
0xa7: {  	s6 =	sshll.u32 s26, $0x1;
	_ =	strace $0x80000046;
	[dreg:$0x1] =	wrdreg $0xFFFFFFFF  }
0xa8: {  	s28 =	simm.s32 $_size_execute0_lowered;
	s4 =	sadd.s32 s4, s6;
	[dreg:$0x0] =	wrdreg $0x0  }
0xa9: {  	s6 =	sshll.u32 s28, $0x1;
	[dreg:$0x2] =	wrdreg s4  }
0xaa: {  	[dreg:$0x3] =	wrdreg s6  }
0xab: {  	[dreg:$0x4] =	wrdreg $0xC0  }
0xac: {  	_ =	task [dreg:s8], $0x5FFFF  }
0xad: {  	[dreg:$0x1] =	wrdreg $0xFFFFFFFF  }
0xae: {  	[dreg:$0x0] =	wrdreg $0x60  }
0xaf: {  	[dreg:$0x2] =	wrdreg s2  }
0xb0: {  	[dreg:$0x3] =	wrdreg s18  }
0xb1: {  	[dreg:$0x4] =	wrdreg s24  }
0xb2: {  	[dreg:$0x5] =	wrdreg $0xA  }
0xb3: {  	_ =	task.clear_ibuf [dreg:s8], $0x6FFFF;
	_ =	strace $0x90000046  }
0xb4: {  	s29 =	simm.s32 $0xA;
	_ =	strace $0x80000048  }
0xb5: {  	_ =	swait.ge [sflag:s29], $0x1  }
0xb6: {  	[sflag:s29] =	ssyncadd.s32 $0xFFFFFFFF  }
0xb7: {  	_ =	strace $0x90000048  }
0xb8: {  	_ =	sfence  }
0xb9: {  	s30 =	sld [smem:$0x0];
	_ =	sdelay $0x2  }
0xba: {  	s31 =	sshll.u32 s1, $0xD;
	s1 =	sshrl.u32 s1, $0x2  }
0xbb: {  	s3 =	sand.u32 $0x4000, s31;
	s1 =	sadd.s32 s1, s30  }
0xbc: {  	s0 =	sor.u32 s3, s0;
	s1 =	sshll.u32 s1, $0x11  }
0xbd: {  	s0 =	sor.u32 s1, s0  }
0xbe: {  	s0 =	sadd.s32 $0x8F2B, s0  }
0xbf: {  	[sflag:s0] =	ssyncadd.remote.s32 $0x1  }
0xc0: {  	_ =	sfence.sel $0xFFFF  }
0xc1: {  	[dreg:$0x0] =	wrdreg $0xFFFFFFFF;
	(pc) =	sbr.abs _section_cstart, $3  }
0xc2: {  	[dreg:$0x1] =	wrdreg $0xFFFFFFFF  }
0xc3: {  	_ =	task.clear_ibuf [dreg:s8], $0x2FFFF;
	_ =	strace $0x9FFFFFFF  }
0xc4: {  	(tm) =	ssettm $0x7FFFFFFF  }
0xc5: {  	_ =	shalt  }
tec
execute0_lowered:
.L_overlay_start_1:
0x0: {  	(tag) =	ssettag $0x1  }
0x1: {  	s3 =	rddreg [dreg:$0x0];
	s1 =	srdreg.scid  }
0x2: {  	s15 =	rddreg [dreg:$0x1];
	s0 =	stileid.u32;
	s17 =	sand.u32 $0x1, s1  }
0x3: {  	s16 =	rddreg [dreg:$0x2];
	s4 =	sshll.u32 s0, $0xA;
	s5 =	sshll.u32 s17, $0x9  }
0x4: {  	s2 =	simm.s32 $0x0;
	s1 =	rddreg [dreg:$0x3];
	s14 =	sor.u32 s5, s4  }
0x5: {  	[smem:$0x7FF] =	sst s2;
	s18 =	sshrl.u32 s14, $0x3  }
0x6: {  	_ =	strace $0x80000047;
	s4 =	sadd.s32 s3, s18;
	s3 =	simm.s32 $0x2  }
0x7: {  	[tilespmem:s2], [sflag:$0x2] =	stream.linear.gather [hbm4b:s4+s2], $0x200, $0x38;
	[tilespmem:$0x8200] =	vst v63  }
0x8: {  	_ =	swait.ge [sflag:s3], $0x200  }
0x9: {  	s6 =	simm.s32 $0x80;
	[sflag:s3] =	ssyncset.done $0x0  }
0xa: {  	s7 =	simm.s32 $0x200;
	s5 =	sadd.s32 $0xF47000, s16;
	[sflag:s3] =	ssyncadd.s32 $0xFFFFFE00  }
0xb: {  	[tilespmem:s7], [sflag:$0x1] =	stream.indirect.gather [hbm4b:s5+s6], $0x40, s2, s6, $0xb8;
	[tilespmem:$0x8200] =	vst v63  }
0xc: {  	s8 =	simm.s32 $0x2200  }
0xd: {  	[tilespmem:s8], [sflag:$0x1] =	stream.indirect.gather [hbm4b:s5+s6], $0x40, s6, s6, $0xb8;
	[tilespmem:$0x8200] =	vst v63  }
0xe: {  	s9 =	simm.s32 $0x100;
	s10 =	simm.s32 $0x4200  }
0xf: {  	[tilespmem:s10], [sflag:$0x1] =	stream.indirect.gather [hbm4b:s5+s6], $0x40, s9, s6, $0xb8;
	[tilespmem:$0x8200] =	vst v63  }
0x10: {  	s11 =	simm.s32 $0x180;
	s12 =	simm.s32 $0x6200;
	s13 =	simm.s32 $0x1  }
0x11: {  	[tilespmem:s12], [sflag:$0x1] =	stream.indirect.gather [hbm4b:s5+s6], $0x40, s11, s6, $0xb8;
	[tilespmem:$0x8200] =	vst v63  }
0x12: {  	_ =	swait.ge [sflag:s13], $0x2000  }
0x13: {  	[sflag:s13] =	ssyncset.done $0x0  }
0x14: {  	[sflag:s13] =	ssyncadd.s32 $0xFFFFE000  }
0x15: {  	_ =	swait.ge [sflag:s13], $0x2000  }
0x16: {  	[sflag:s13] =	ssyncset.done $0x0  }
0x17: {  	[sflag:s13] =	ssyncadd.s32 $0xFFFFE000  }
0x18: {  	_ =	swait.ge [sflag:s13], $0x2000  }
0x19: {  	[sflag:s13] =	ssyncset.done $0x0  }
0x1a: {  	[sflag:s13] =	ssyncadd.s32 $0xFFFFE000  }
0x1b: {  	s14 =	sshll.u32 s14, $0x3;
	_ =	swait.ge [sflag:s13], $0x2000  }
0x1c: {  	s19 =	sadd.s32 s14, s16;
	[sflag:s13] =	ssyncset.done $0x0  }
0x1d: {  	s14 =	sadd.s32 $0x4C00, s19;
	[sflag:s13] =	ssyncadd.s32 $0xFFFFE000  }
0x1e: {  	[hbm4b:s14+s2] =	stream.linear.scatter [tilespmem:s7], [sflag:$0x2], $0x8000, $0x38;
	[tilespmem:$0x8200] =	vst v63  }
0x1f: {  	_ =	swait.ge [sflag:s3], $0x8000  }
0x20: {  	[sflag:s3] =	ssyncset.done $0x0  }
0x21: {  	s15 =	sadd.s32 s15, s18;
	[sflag:s3] =	ssyncadd.s32 $0xFFFF8000  }
0x22: {  	[tilespmem:s2], [sflag:$0x2] =	stream.linear.gather [hbm4b:s15+s2], $0x200, $0x38;
	[tilespmem:$0x8200] =	vst v63  }
0x23: {  	_ =	swait.ge [sflag:s3], $0x200  }
0x24: {  	[sflag:s3] =	ssyncset.done $0x0  }
0x25: {  	s16 =	sadd.s32 $0x16E8200, s16;
	[sflag:s3] =	ssyncadd.s32 $0xFFFFFE00  }
0x26: {  	[tilespmem:s7], [sflag:$0x1] =	stream.indirect.gather [hbm4b:s16+s6], $0x40, s2, s6, $0xb8;
	[tilespmem:$0x8200] =	vst v63  }
0x27: {  	_ = 	snop  }
0x28: {  	[tilespmem:s8], [sflag:$0x1] =	stream.indirect.gather [hbm4b:s16+s6], $0x40, s6, s6, $0xb8;
	[tilespmem:$0x8200] =	vst v63  }
0x29: {  	_ = 	snop  }
0x2a: {  	[tilespmem:s10], [sflag:$0x1] =	stream.indirect.gather [hbm4b:s16+s6], $0x40, s9, s6, $0xb8;
	[tilespmem:$0x8200] =	vst v63  }
0x2b: {  	_ = 	snop  }
0x2c: {  	[tilespmem:s12], [sflag:$0x1] =	stream.indirect.gather [hbm4b:s16+s6], $0x40, s11, s6, $0xb8;
	[tilespmem:$0x8200] =	vst v63  }
0x2d: {  	_ =	swait.ge [sflag:s13], $0x2000  }
0x2e: {  	[sflag:s13] =	ssyncset.done $0x0  }
0x2f: {  	[sflag:s13] =	ssyncadd.s32 $0xFFFFE000  }
0x30: {  	_ =	swait.ge [sflag:s13], $0x2000  }
0x31: {  	[sflag:s13] =	ssyncset.done $0x0  }
0x32: {  	s17 =	ssub.s32 $0x2, s17;
	[sflag:s13] =	ssyncadd.s32 $0xFFFFE000  }
0x33: {  	s31 =	sshrl.u32 s17, $0x1;
	_ =	swait.ge [sflag:s13], $0x2000  }
0x34: {  	s18 =	ssub.s32 s17, s31;
	[sflag:s13] =	ssyncset.done $0x0  }
0x35: {  	s18 =	smax.u32 s18, $0x1;
	[sflag:s13] =	ssyncadd.s32 $0xFFFFE000  }
0x36: {  	p0 =	sne.s32 s18, $0x1;
	_ =	swait.ge [sflag:s13], $0x2000  }
.Ltmp0:
0x37: {  	[sflag:s13] =	ssyncset.done $0x0;
	(pc) =	sbr.rel @!p0 .LBB2_2-.Ltmp0, $4  }
0x38: {  	s17 =	sadd.s32 $0x24C00, s19;
	[sflag:s13] =	ssyncadd.s32 $0xFFFFE000  }
0x39: {  	[hbm4b:s17+s2] =	stream.linear.scatter [tilespmem:s7], [sflag:$0x2], $0x8000, $0x38;
	[tilespmem:$0x8200] =	vst v63  }
0x3a: {  	_ =	swait.ge [sflag:s3], $0x8000  }
0x3b: {  	s18 =	sadd.s32 $0xFFFFFFFF, s18;
	[sflag:s3] =	ssyncset.done $0x0  }
.LBB2_1:
0x3c: {  	p0 =	sne.s32 s18, $0x1;
	s18 =	sadd.s32 $0xFFFFFFFF, s18;
	[sflag:s3] =	ssyncadd.s32 $0xFFFF8000  }
0x3d: {  	[tilespmem:s2], [sflag:$0x2] =	stream.linear.gather [hbm4b:s4+s2], $0x200, $0x38;
	[tilespmem:$0x8200] =	vst v63  }
0x3e: {  	_ =	swait.ge [sflag:s3], $0x200  }
0x3f: {  	[sflag:s3] =	ssyncset.done $0x0  }
0x40: {  	[sflag:s3] =	ssyncadd.s32 $0xFFFFFE00  }
0x41: {  	[tilespmem:s7], [sflag:$0x1] =	stream.indirect.gather [hbm4b:s5+s6], $0x40, s2, s6, $0xb8;
	[tilespmem:$0x8200] =	vst v63  }
0x42: {  	_ = 	snop  }
0x43: {  	[tilespmem:s8], [sflag:$0x1] =	stream.indirect.gather [hbm4b:s5+s6], $0x40, s6, s6, $0xb8;
	[tilespmem:$0x8200] =	vst v63  }
0x44: {  	_ = 	snop  }
0x45: {  	[tilespmem:s10], [sflag:$0x1] =	stream.indirect.gather [hbm4b:s5+s6], $0x40, s9, s6, $0xb8;
	[tilespmem:$0x8200] =	vst v63  }
0x46: {  	_ = 	snop  }
0x47: {  	[tilespmem:s12], [sflag:$0x1] =	stream.indirect.gather [hbm4b:s5+s6], $0x40, s11, s6, $0xb8;
	[tilespmem:$0x8200] =	vst v63  }
0x48: {  	_ =	swait.ge [sflag:s13], $0x2000  }
0x49: {  	[sflag:s13] =	ssyncset.done $0x0  }
0x4a: {  	[sflag:s13] =	ssyncadd.s32 $0xFFFFE000  }
0x4b: {  	_ =	swait.ge [sflag:s13], $0x2000  }
0x4c: {  	[sflag:s13] =	ssyncset.done $0x0  }
0x4d: {  	[sflag:s13] =	ssyncadd.s32 $0xFFFFE000  }
0x4e: {  	_ =	swait.ge [sflag:s13], $0x2000  }
0x4f: {  	[sflag:s13] =	ssyncset.done $0x0  }
0x50: {  	[sflag:s13] =	ssyncadd.s32 $0xFFFFE000  }
0x51: {  	_ =	swait.ge [sflag:s13], $0x2000  }
0x52: {  	[sflag:s13] =	ssyncset.done $0x0  }
0x53: {  	[sflag:s13] =	ssyncadd.s32 $0xFFFFE000  }
0x54: {  	[hbm4b:s14+s2] =	stream.linear.scatter [tilespmem:s7], [sflag:$0x2], $0x8000, $0x38;
	[tilespmem:$0x8200] =	vst v63  }
0x55: {  	_ =	swait.ge [sflag:s3], $0x8000  }
0x56: {  	[sflag:s3] =	ssyncset.done $0x0  }
0x57: {  	[sflag:s3] =	ssyncadd.s32 $0xFFFF8000  }
0x58: {  	[tilespmem:s2], [sflag:$0x2] =	stream.linear.gather [hbm4b:s15+s2], $0x200, $0x38;
	[tilespmem:$0x8200] =	vst v63  }
0x59: {  	_ =	swait.ge [sflag:s3], $0x200  }
0x5a: {  	[sflag:s3] =	ssyncset.done $0x0  }
0x5b: {  	[sflag:s3] =	ssyncadd.s32 $0xFFFFFE00  }
0x5c: {  	[tilespmem:s7], [sflag:$0x1] =	stream.indirect.gather [hbm4b:s16+s6], $0x40, s2, s6, $0xb8;
	[tilespmem:$0x8200] =	vst v63  }
0x5d: {  	_ = 	snop  }
0x5e: {  	[tilespmem:s8], [sflag:$0x1] =	stream.indirect.gather [hbm4b:s16+s6], $0x40, s6, s6, $0xb8;
	[tilespmem:$0x8200] =	vst v63  }
0x5f: {  	_ = 	snop  }
0x60: {  	[tilespmem:s10], [sflag:$0x1] =	stream.indirect.gather [hbm4b:s16+s6], $0x40, s9, s6, $0xb8;
	[tilespmem:$0x8200] =	vst v63  }
0x61: {  	_ = 	snop  }
0x62: {  	[tilespmem:s12], [sflag:$0x1] =	stream.indirect.gather [hbm4b:s16+s6], $0x40, s11, s6, $0xb8;
	[tilespmem:$0x8200] =	vst v63  }
0x63: {  	_ =	swait.ge [sflag:s13], $0x2000  }
0x64: {  	[sflag:s13] =	ssyncset.done $0x0  }
0x65: {  	[sflag:s13] =	ssyncadd.s32 $0xFFFFE000  }
0x66: {  	_ =	swait.ge [sflag:s13], $0x2000  }
0x67: {  	[sflag:s13] =	ssyncset.done $0x0  }
0x68: {  	[sflag:s13] =	ssyncadd.s32 $0xFFFFE000  }
0x69: {  	_ =	swait.ge [sflag:s13], $0x2000  }
0x6a: {  	[sflag:s13] =	ssyncset.done $0x0  }
0x6b: {  	[sflag:s13] =	ssyncadd.s32 $0xFFFFE000  }
0x6c: {  	_ =	swait.ge [sflag:s13], $0x2000  }
.Ltmp1:
0x6d: {  	[sflag:s13] =	ssyncset.done $0x0;
	(pc) =	sbr.rel @p0 .LBB2_1-.Ltmp1, $4  }
0x6e: {  	[sflag:s13] =	ssyncadd.s32 $0xFFFFE000  }
0x6f: {  	[hbm4b:s17+s2] =	stream.linear.scatter [tilespmem:s7], [sflag:$0x2], $0x8000, $0x38;
	[tilespmem:$0x8200] =	vst v63  }
0x70: {  	_ =	swait.ge [sflag:s3], $0x8000  }
0x71: {  	[sflag:s3] =	ssyncset.done $0x0  }
.LBB2_2:
0x72: {  	[sflag:s3] =	ssyncadd.s32 $0xFFFF8000  }
0x73: {  	_ =	sfence.sel $0x180000  }
0x74: {  	[bflag:$0x0] =	sbarrier.arrive $0xFFFF  }
0x75: {  	p0 =	sne.s32 s0, $0x0;
	_ =	strace $0x90000047  }
0x76: {  	s0 =	sadd.s32 @!p0 $0x100000, s1;
	[bflag:$0x2] =	sbarrier.arrive $0xFFFF  }
0x77: {  	[sflag:s0] =	ssyncadd.tile.s32 @!p0 $0x1;
	_ =	shalt  }
.Lfunc_end2:
_tile_overlayer_lowered:
.L_overlay_start_2:
0x78: {  	(tag) =	ssettag $0x2  }
0x79: {  	s0 =	rddreg [dreg:$0x0];
	s2 =	stileid.u32  }
0x7a: {  	s1 =	rddreg [dreg:$0x1];
	p0 =	sne.s32 s2, $0x0  }
0x7b: {  	s3 =	rddreg [dreg:$0x2];
	[bflag:$0x3] =	sbarrier.arrive $0xFFFF;
	s2 =	simm.s32 @!p0 $0x1C02  }
0x7c: {  	[timem:s3], [sflag:s2] =	dma.local @!p0 [hbm:s0], s1  }
0x7d: {  	s0 =	simm.s32 @!p0 $0x2  }
0x7e: {  	_ =	swait.ge @!p0 [sflag:s0], s1  }
0x7f: {  	s1 =	ssub.s32 @!p0 $0x0, s1;
	[sflag:s0] =	ssyncset.done @!p0 $0x0  }
0x80: {  	[sflag:s0] =	ssyncadd.s32 @!p0 s1  }
0x81: {  	[bflag:$0x3] =	sbarrier.arrive $0xFFFF  }
0x82: {  	_ =	shalt  }

</sc_bundles>
